<compile_context>
chip_gen: v7x
topology: tpu7x:2x2x1
jax: 0.10.2.dev20260603
libtpu: 0.0.44.dev20260713+nightly
codegen_flags: <defaults>
</compile_context>

<pallas_src>
import functools

import jax
import jax.numpy as jnp
from jax import lax
from jax.experimental import pallas as pl
from jax.experimental.pallas import tpu as pltpu
from jax.experimental.pallas import tpu_sc as plsc

N = 10000
E = 320000
D_IN = 128
D_OUT = 16

NC = 2
NS = 16
CH = 128

KD = 160
KE = 80
TOT = NS * KD
E_PAD = TOT * CH

NP = 10240
RPT = NP // NS

NB = 8
NGRP = KE // NB
WIN = 28

_mesh = plsc.VectorSubcoreMesh(core_axis_name="c", subcore_axis_name="s")
_sc_params = pltpu.CompilerParams(use_tc_tiling_on_sc=False)


@functools.partial(
    pl.kernel,
    mesh=_mesh,
    out_type=[
        jax.ShapeDtypeStruct((NP,), jnp.float32),
        jax.ShapeDtypeStruct((NC, NP, D_OUT), jnp.float32),
    ],
    scratch_types=(
        [
            pltpu.VMEM((KD, CH), jnp.int32),
            pltpu.VMEM((KE, CH), jnp.int32),
            pltpu.VMEM((CH,), jnp.float32),
            pltpu.VMEM((RPT,), jnp.float32),
            pltpu.VMEM((RPT, D_OUT), jnp.float32),
            pltpu.VMEM((NB, CH, D_OUT), jnp.float32),
            pltpu.VMEM_SHARED((NP,), jnp.float32),
            pltpu.VMEM_SHARED((NP, D_OUT), jnp.float32),
            pltpu.VMEM_SHARED((NP, D_OUT), jnp.float32),
        ]
        + [pltpu.SemaphoreType.DMA] * (2 + 2 * NB)
    ),
    compiler_params=_sc_params,
)
def _sc_mega(xw_hbm, row_hbm, col_hbm, ones_hbm, zer1_hbm, zer16_hbm,
             deg_hbm, acc_hbm,
             cidx_v, ridx_v, one_v, dbuf, xbuf, rows_v,
             deg_sh, y_sh, acc_sh, *sems):
    dsem = sems[0]
    xsem = sems[1]
    gsem = sems[2:2 + NB]
    ssem = sems[2 + NB:]
    c = lax.axis_index("c")
    s = lax.axis_index("s")

    pltpu.sync_copy(ones_hbm, one_v)
    pltpu.sync_copy(col_hbm.at[pl.ds(s * KD, KD)], cidx_v)
    pltpu.sync_copy(row_hbm.at[pl.ds(s * KD + c * KE, KE)], ridx_v)
    pltpu.sync_copy(zer1_hbm, deg_sh.at[pl.ds(s * RPT, RPT)])
    pltpu.sync_copy(zer16_hbm, acc_sh.at[pl.ds(s * RPT, RPT)])
    pltpu.async_copy(xw_hbm.at[pl.ds(s * RPT, RPT)], xbuf, xsem)
    plsc.subcore_barrier()

    def dfire(j):
        pltpu.async_copy(one_v, deg_sh.at[cidx_v.at[j]], dsem, add=True)

    def dwait():
        pltpu.make_async_copy(one_v, deg_sh.at[cidx_v.at[0]], dsem).wait()

    def dprol(j, carry):
        dfire(j)
        return carry

    lax.fori_loop(0, WIN, dprol, 0)

    def dsteady(j, carry):
        dwait()
        dfire(j + WIN)
        return carry

    lax.fori_loop(0, KD - WIN, dsteady, 0)

    def ddrain(j, carry):
        dwait()
        return carry

    lax.fori_loop(0, WIN, ddrain, 0)
    plsc.subcore_barrier()

    pltpu.sync_copy(deg_sh.at[pl.ds(s * RPT, RPT)], dbuf)
    @pl.when(c == 0)
    def _():
        pltpu.sync_copy(dbuf, deg_hbm.at[pl.ds(s * RPT, RPT)])
    pltpu.make_async_copy(xw_hbm.at[pl.ds(s * RPT, RPT)], xbuf, xsem).wait()

    def yrow(i, carry):
        d = dbuf[pl.ds(i * 16, 16)] + 1.0
        ib = lax.bitcast_convert_type(d, jnp.int32)
        ib = jnp.int32(0x5F3759DF) - lax.shift_right_arithmetic(ib, 1)
        r = lax.bitcast_convert_type(ib, jnp.float32)
        r = r * (1.5 - 0.5 * d * r * r)
        r = r * (1.5 - 0.5 * d * r * r)
        r = r * (1.5 - 0.5 * d * r * r)
        for t in range(16):
            rt = jax.lax.gather(
                r,
                jnp.full((16, 1), t, jnp.int32),
                jax.lax.GatherDimensionNumbers(
                    offset_dims=(), collapsed_slice_dims=(0,),
                    start_index_map=(0,)),
                (1,),
                mode=jax.lax.GatherScatterMode.PROMISE_IN_BOUNDS,
            )
            row = i * 16 + t
            xbuf[row, :] = xbuf[row, :] * rt
        return carry

    lax.fori_loop(0, RPT // 16, yrow, 0)
    pltpu.sync_copy(xbuf, y_sh.at[pl.ds(s * RPT, RPT)])
    plsc.subcore_barrier()

    ebase = c * KE

    def gsrc(j):
        return y_sh.at[ridx_v.at[j]]

    def sdst(j):
        return acc_sh.at[cidx_v.at[ebase + j]]

    for b in range(NB):
        pltpu.async_copy(gsrc(b), rows_v.at[b], gsem[b])

    def group(jo, carry):
        for b in range(NB):
            j = jo * NB + b
            pltpu.make_async_copy(gsrc(j), rows_v.at[b], gsem[b]).wait()
            pltpu.async_copy(rows_v.at[b], sdst(j), ssem[b], add=True)
            pltpu.make_async_copy(rows_v.at[b], sdst(j), ssem[b]).wait()
            pltpu.async_copy(gsrc(j + NB), rows_v.at[b], gsem[b])
        return carry

    lax.fori_loop(0, NGRP - 1, group, 0)

    for b in range(NB):
        j = (NGRP - 1) * NB + b
        pltpu.make_async_copy(gsrc(j), rows_v.at[b], gsem[b]).wait()
        pltpu.async_copy(rows_v.at[b], sdst(j), ssem[b], add=True)
    for b in range(NB):
        pltpu.make_async_copy(rows_v.at[b], sdst(0), ssem[b]).wait()

    plsc.subcore_barrier()
    pltpu.sync_copy(
        acc_sh.at[pl.ds(s * RPT, RPT)], acc_hbm.at[c, pl.ds(s * RPT, RPT)]
    )


def _xw_body(x_ref, w_ref, y_ref):
    y_ref[pl.ds(0, N), :] = jnp.dot(
        x_ref[...], w_ref[...], preferred_element_type=jnp.float32)
    y_ref[pl.ds(N, NP - N), :] = jnp.zeros((NP - N, D_OUT), jnp.float32)


def _xw_call(x, W):
    return pl.pallas_call(
        _xw_body,
        out_shape=jax.ShapeDtypeStruct((NP, D_OUT), jnp.float32),
    )(x, W)


def _fin_body(acc_ref, deg_ref, xw_ref, b_ref, out_ref):
    dis = lax.rsqrt(deg_ref[...] + 1.0)
    y = xw_ref[:N, :] * dis
    t = (acc_ref[0, :N, :] + acc_ref[1, :N, :] + y) * dis + b_ref[...]
    m = jnp.max(t, axis=1, keepdims=True)
    ls = jnp.log(jnp.sum(jnp.exp(t - m), axis=1, keepdims=True))
    out_ref[...] = t - m - ls


def _fin_call(acc_parts, deg, xw, b2d):
    return pl.pallas_call(
        _fin_body,
        out_shape=jax.ShapeDtypeStruct((N, D_OUT), jnp.float32),
    )(acc_parts, deg[:N].reshape(N, 1), xw, b2d)


@jax.jit
def kernel(x, edge_index, W, b):
    row = edge_index[0]
    col = edge_index[1]
    pad = E_PAD - E
    rowp = jnp.concatenate(
        [row, jnp.zeros((pad,), jnp.int32)]).reshape(TOT, CH)
    colp = jnp.concatenate(
        [col, jnp.full((pad,), N, jnp.int32)]).reshape(TOT, CH)

    ones_v = jnp.ones((CH,), jnp.float32)
    zer1 = jnp.zeros((RPT,), jnp.float32)
    zer16 = jnp.zeros((RPT, D_OUT), jnp.float32)

    xw = _xw_call(x, W)
    deg, acc_parts = _sc_mega(xw, rowp, colp, ones_v, zer1, zer16)
    return _fin_call(acc_parts, deg, xw, b.reshape(1, D_OUT))

# --- scband reference (transcript-rebuilt; emitter-appended) ---
"""Pipeline reference for scband-gcnconv-22428319220680 (READ-ONLY COPY).

The authoritative reference and input builder live on the scoring server;
editing this copy changes nothing except your own understanding.
"""

import jax, jax.numpy as jnp
import numpy as np

N = 10000
E = 320000
D_IN = 128
D_OUT = 16


def setup_inputs(seed: int = 0) -> dict:
    key = jax.random.key(seed)
    k1, k2, k3 = jax.random.split(key, 3)
    x = jax.random.normal(k1, (N, D_IN), dtype=jnp.float32)
    edge_index = jax.random.randint(k2, (2, E), 0, N, dtype=jnp.int32)
    # GCNConv learned parameters (glorot-style init for weight, zeros for bias)
    W = jax.random.normal(k3, (D_IN, D_OUT), dtype=jnp.float32) * (1.0 / np.sqrt(D_IN))
    b = jnp.zeros((D_OUT,), dtype=jnp.float32)
    return {"x": x, "edge_index": edge_index, "W": W, "b": b}


def _gcn_log_softmax(x, edge_index, W, b):
    # GCNConv semantics: add self-loops, symmetric normalization D^-1/2 (A+I) D^-1/2,
    # linear transform, scatter-add aggregation, bias, then log_softmax (module forward).
    row = edge_index[0]
    col = edge_index[1]
    loop = jnp.arange(N, dtype=row.dtype)
    row = jnp.concatenate([row, loop])
    col = jnp.concatenate([col, loop])
    xw = x @ W  # [N, D_OUT]
    # degree computed on destination nodes (col), unit edge weights
    deg = jnp.zeros((N,), dtype=xw.dtype).at[col].add(1.0)
    deg_inv_sqrt = jnp.where(deg > 0, jax.lax.rsqrt(jnp.maximum(deg, 1e-12)), 0.0)
    norm = deg_inv_sqrt[row] * deg_inv_sqrt[col]  # [E+N]
    msg = xw[row] * norm[:, None]  # gather + scale
    out = jnp.zeros((N, D_OUT), dtype=xw.dtype).at[col].add(msg)  # scatter-add
    out = out + b
    return jax.nn.log_softmax(out, axis=1)


def reference(x, edge_index, W, b):
    return _gcn_log_softmax(x, edge_index, W, b)

if __name__ == "__main__":
    import jax
    _d = setup_inputs()
    print(jax.jit(kernel)(*tuple(_d.values())))

</pallas_src>

<mosaic_0001>
#map = affine_map<(d0, d1) -> (0, 0)>
#map1 = affine_map<(d0, d1) -> (0)>
#map2 = affine_map<(d0, d1) -> (0, 0, 0)>
module attributes {stable_mosaic.version = 14 : i64} {
  func.func @_sc_mega(%arg0: i32, %arg1: i32, %arg2: memref<10240x16xf32, #tpu.memory_space<hbm>>, %arg3: memref<2560x128xi32, #tpu.memory_space<hbm>>, %arg4: memref<2560x128xi32, #tpu.memory_space<hbm>>, %arg5: memref<128xf32, #tpu.memory_space<hbm>>, %arg6: memref<640xf32, #tpu.memory_space<hbm>>, %arg7: memref<640x16xf32, #tpu.memory_space<hbm>>, %arg8: memref<10240xf32, #tpu.memory_space<hbm>>, %arg9: memref<2x10240x16xf32, #tpu.memory_space<hbm>>, %arg10: memref<160x128xi32, #tpu.memory_space<vmem>>, %arg11: memref<80x128xi32, #tpu.memory_space<vmem>>, %arg12: memref<128xf32, #tpu.memory_space<vmem>>, %arg13: memref<640xf32, #tpu.memory_space<vmem>>, %arg14: memref<640x16xf32, #tpu.memory_space<vmem>>, %arg15: memref<8x128x16xf32, #tpu.memory_space<vmem>>, %arg16: memref<10240xf32, #tpu.memory_space<vmem_shared>>, %arg17: memref<10240x16xf32, #tpu.memory_space<vmem_shared>>, %arg18: memref<10240x16xf32, #tpu.memory_space<vmem_shared>>, %arg19: memref<!tpu.dma_semaphore, #tpu.memory_space<semaphore_mem>>, %arg20: memref<!tpu.dma_semaphore, #tpu.memory_space<semaphore_mem>>, %arg21: memref<!tpu.dma_semaphore, #tpu.memory_space<semaphore_mem>>, %arg22: memref<!tpu.dma_semaphore, #tpu.memory_space<semaphore_mem>>, %arg23: memref<!tpu.dma_semaphore, #tpu.memory_space<semaphore_mem>>, %arg24: memref<!tpu.dma_semaphore, #tpu.memory_space<semaphore_mem>>, %arg25: memref<!tpu.dma_semaphore, #tpu.memory_space<semaphore_mem>>, %arg26: memref<!tpu.dma_semaphore, #tpu.memory_space<semaphore_mem>>, %arg27: memref<!tpu.dma_semaphore, #tpu.memory_space<semaphore_mem>>, %arg28: memref<!tpu.dma_semaphore, #tpu.memory_space<semaphore_mem>>, %arg29: memref<!tpu.dma_semaphore, #tpu.memory_space<semaphore_mem>>, %arg30: memref<!tpu.dma_semaphore, #tpu.memory_space<semaphore_mem>>, %arg31: memref<!tpu.dma_semaphore, #tpu.memory_space<semaphore_mem>>, %arg32: memref<!tpu.dma_semaphore, #tpu.memory_space<semaphore_mem>>, %arg33: memref<!tpu.dma_semaphore, #tpu.memory_space<semaphore_mem>>, %arg34: memref<!tpu.dma_semaphore, #tpu.memory_space<semaphore_mem>>, %arg35: memref<!tpu.dma_semaphore, #tpu.memory_space<semaphore_mem>>, %arg36: memref<!tpu.dma_semaphore, #tpu.memory_space<semaphore_mem>>) attributes {dimension_semantics = [#tpu.dimension_semantics<core_parallel>, #tpu.dimension_semantics<subcore_parallel>], iteration_bounds = array<i64: 2, 16>, scalar_prefetch = 0 : i64, scratch_operands = 27 : i64, tpu.core_type = #tpu.core_type<sc_vector_subcore>, window_params = [{transform_indices = #map}, {transform_indices = #map}, {transform_indices = #map}, {transform_indices = #map1}, {transform_indices = #map1}, {transform_indices = #map}, {transform_indices = #map1}, {transform_indices = #map2}]} {
    "tpu.region"() ({
      %run_scoped3A = tpu.sem_alloc : memref<!tpu.dma_semaphore, #tpu.memory_space<semaphore_mem>>
      tpu.enqueue_dma source(%arg5 : memref<128xf32, #tpu.memory_space<hbm>>) target(%arg12 : memref<128xf32, #tpu.memory_space<vmem>>) target_semaphore(%run_scoped3A : memref<!tpu.dma_semaphore, #tpu.memory_space<semaphore_mem>>)
      tpu.wait_dma2 semaphore(%run_scoped3A : memref<!tpu.dma_semaphore, #tpu.memory_space<semaphore_mem>>) src(%arg5 : memref<128xf32, #tpu.memory_space<hbm>>) dst(%arg12 : memref<128xf32, #tpu.memory_space<vmem>>)
      tpu.yield
    }) : () -> ()
    %mul3A = arith.constant 160 : i32
    %mul3A_0 = arith.muli %arg1, %mul3A : i32
    "tpu.region"() ({
      %run_scoped3A = tpu.sem_alloc : memref<!tpu.dma_semaphore, #tpu.memory_space<semaphore_mem>>
      %dma_start3A_463 = arith.constant 0 : i32
      %dma_start3A_464 = tpu.memref_slice %arg4[%mul3A_0, %dma_start3A_463] : memref<2560x128xi32, #tpu.memory_space<hbm>> -> memref<160x128xi32, #tpu.memory_space<hbm>>
      %dma_start3A_465 = arith.constant 0 : i32
      %dma_start3A_466 = tpu.memref_slice %arg4[%mul3A_0, %dma_start3A_465] : memref<2560x128xi32, #tpu.memory_space<hbm>> -> memref<160x128xi32, #tpu.memory_space<hbm>>
      tpu.enqueue_dma source(%dma_start3A_466 : memref<160x128xi32, #tpu.memory_space<hbm>>) target(%arg10 : memref<160x128xi32, #tpu.memory_space<vmem>>) target_semaphore(%run_scoped3A : memref<!tpu.dma_semaphore, #tpu.memory_space<semaphore_mem>>)
      %dma_wait3A_467 = arith.constant 0 : i32
      %dma_wait3A_468 = tpu.memref_slice %arg4[%mul3A_0, %dma_wait3A_467] : memref<2560x128xi32, #tpu.memory_space<hbm>> -> memref<160x128xi32, #tpu.memory_space<hbm>>
      %dma_wait3A_469 = arith.constant 0 : i32
      %dma_wait3A_470 = tpu.memref_slice %arg4[%mul3A_0, %dma_wait3A_469] : memref<2560x128xi32, #tpu.memory_space<hbm>> -> memref<160x128xi32, #tpu.memory_space<hbm>>
      tpu.wait_dma2 semaphore(%run_scoped3A : memref<!tpu.dma_semaphore, #tpu.memory_space<semaphore_mem>>) src(%dma_wait3A_470 : memref<160x128xi32, #tpu.memory_space<hbm>>) dst(%arg10 : memref<160x128xi32, #tpu.memory_space<vmem>>)
      tpu.yield
    }) : () -> ()
    %mul3A_1 = arith.constant 160 : i32
    %mul3A_2 = arith.muli %arg1, %mul3A_1 : i32
    %mul3A_3 = arith.constant 80 : i32
    %mul3A_4 = arith.muli %arg0, %mul3A_3 : i32
    %add3A = arith.addi %mul3A_2, %mul3A_4 : i32
    "tpu.region"() ({
      %run_scoped3A = tpu.sem_alloc : memref<!tpu.dma_semaphore, #tpu.memory_space<semaphore_mem>>
      %dma_start3A_463 = arith.constant 0 : i32
      %dma_start3A_464 = tpu.memref_slice %arg3[%add3A, %dma_start3A_463] : memref<2560x128xi32, #tpu.memory_space<hbm>> -> memref<80x128xi32, #tpu.memory_space<hbm>>
      %dma_start3A_465 = arith.constant 0 : i32
      %dma_start3A_466 = tpu.memref_slice %arg3[%add3A, %dma_start3A_465] : memref<2560x128xi32, #tpu.memory_space<hbm>> -> memref<80x128xi32, #tpu.memory_space<hbm>>
      tpu.enqueue_dma source(%dma_start3A_466 : memref<80x128xi32, #tpu.memory_space<hbm>>) target(%arg11 : memref<80x128xi32, #tpu.memory_space<vmem>>) target_semaphore(%run_scoped3A : memref<!tpu.dma_semaphore, #tpu.memory_space<semaphore_mem>>)
      %dma_wait3A_467 = arith.constant 0 : i32
      %dma_wait3A_468 = tpu.memref_slice %arg3[%add3A, %dma_wait3A_467] : memref<2560x128xi32, #tpu.memory_space<hbm>> -> memref<80x128xi32, #tpu.memory_space<hbm>>
      %dma_wait3A_469 = arith.constant 0 : i32
      %dma_wait3A_470 = tpu.memref_slice %arg3[%add3A, %dma_wait3A_469] : memref<2560x128xi32, #tpu.memory_space<hbm>> -> memref<80x128xi32, #tpu.memory_space<hbm>>
      tpu.wait_dma2 semaphore(%run_scoped3A : memref<!tpu.dma_semaphore, #tpu.memory_space<semaphore_mem>>) src(%dma_wait3A_470 : memref<80x128xi32, #tpu.memory_space<hbm>>) dst(%arg11 : memref<80x128xi32, #tpu.memory_space<vmem>>)
      tpu.yield
    }) : () -> ()
    %mul3A_5 = arith.constant 640 : i32
    %mul3A_6 = arith.muli %arg1, %mul3A_5 : i32
    "tpu.region"() ({
      %run_scoped3A = tpu.sem_alloc : memref<!tpu.dma_semaphore, #tpu.memory_space<semaphore_mem>>
      %dma_start3A_463 = tpu.memref_slice %arg16[%mul3A_6] : memref<10240xf32, #tpu.memory_space<vmem_shared>> -> memref<640xf32, #tpu.memory_space<vmem_shared>>
      tpu.enqueue_dma source(%arg6 : memref<640xf32, #tpu.memory_space<hbm>>) target(%dma_start3A_463 : memref<640xf32, #tpu.memory_space<vmem_shared>>) target_semaphore(%run_scoped3A : memref<!tpu.dma_semaphore, #tpu.memory_space<semaphore_mem>>)
      %dma_wait3A_464 = tpu.memref_slice %arg16[%mul3A_6] : memref<10240xf32, #tpu.memory_space<vmem_shared>> -> memref<640xf32, #tpu.memory_space<vmem_shared>>
      tpu.wait_dma2 semaphore(%run_scoped3A : memref<!tpu.dma_semaphore, #tpu.memory_space<semaphore_mem>>) src(%arg6 : memref<640xf32, #tpu.memory_space<hbm>>) dst(%dma_wait3A_464 : memref<640xf32, #tpu.memory_space<vmem_shared>>)
      tpu.yield
    }) : () -> ()
    %mul3A_7 = arith.constant 640 : i32
    %mul3A_8 = arith.muli %arg1, %mul3A_7 : i32
    "tpu.region"() ({
      %run_scoped3A = tpu.sem_alloc : memref<!tpu.dma_semaphore, #tpu.memory_space<semaphore_mem>>
      %dma_start3A_463 = arith.constant 0 : i32
      %dma_start3A_464 = tpu.memref_slice %arg18[%mul3A_8, %dma_start3A_463] : memref<10240x16xf32, #tpu.memory_space<vmem_shared>> -> memref<640x16xf32, #tpu.memory_space<vmem_shared>>
      tpu.enqueue_dma source(%arg7 : memref<640x16xf32, #tpu.memory_space<hbm>>) target(%dma_start3A_464 : memref<640x16xf32, #tpu.memory_space<vmem_shared>>) target_semaphore(%run_scoped3A : memref<!tpu.dma_semaphore, #tpu.memory_space<semaphore_mem>>)
      %dma_wait3A_465 = arith.constant 0 : i32
      %dma_wait3A_466 = tpu.memref_slice %arg18[%mul3A_8, %dma_wait3A_465] : memref<10240x16xf32, #tpu.memory_space<vmem_shared>> -> memref<640x16xf32, #tpu.memory_space<vmem_shared>>
      tpu.wait_dma2 semaphore(%run_scoped3A : memref<!tpu.dma_semaphore, #tpu.memory_space<semaphore_mem>>) src(%arg7 : memref<640x16xf32, #tpu.memory_space<hbm>>) dst(%dma_wait3A_466 : memref<640x16xf32, #tpu.memory_space<vmem_shared>>)
      tpu.yield
    }) : () -> ()
    %mul3A_9 = arith.constant 640 : i32
    %mul3A_10 = arith.muli %arg1, %mul3A_9 : i32
    %dma_start3A = arith.constant 0 : i32
    %dma_start3A_11 = tpu.memref_slice %arg2[%mul3A_10, %dma_start3A] : memref<10240x16xf32, #tpu.memory_space<hbm>> -> memref<640x16xf32, #tpu.memory_space<hbm>>
    %dma_start3A_12 = arith.constant 0 : i32
    %dma_start3A_13 = tpu.memref_slice %arg2[%mul3A_10, %dma_start3A_12] : memref<10240x16xf32, #tpu.memory_space<hbm>> -> memref<640x16xf32, #tpu.memory_space<hbm>>
    tpu.enqueue_dma source(%dma_start3A_13 : memref<640x16xf32, #tpu.memory_space<hbm>>) target(%arg14 : memref<640x16xf32, #tpu.memory_space<vmem>>) target_semaphore(%arg20 : memref<!tpu.dma_semaphore, #tpu.memory_space<semaphore_mem>>)
    %barrier3A = arith.constant 0 : index
    tpu.barrier barrier_id(%barrier3A)
    %scan3A = arith.constant 0 : i32
    %scan3A_14 = arith.constant 0 : i32
    %scan3A_15 = arith.constant 28 : i32
    %scan3A_16 = arith.addi %scan3A_14, %scan3A_15 : i32
    %scan3A_17 = arith.constant 1 : i32
    scf.for %scan3A_463 = %scan3A_14 to %scan3A_16 step %scan3A_17  : i32 {
      %dma_start3A_464 = arith.constant 0 : i32
      %dma_start3A_465 = tpu.memref_slice %arg10[%scan3A_463, %dma_start3A_464] : memref<160x128xi32, #tpu.memory_space<vmem>> -> memref<1x128xi32, #tpu.memory_space<vmem>>
      %dma_start3A_466 = tpu.memref_squeeze %dma_start3A_465 : memref<1x128xi32, #tpu.memory_space<vmem>> -> memref<128xi32, #tpu.memory_space<vmem>>
      %dma_start3A_467 = arith.constant 0 : i32
      %dma_start3A_468 = tpu.memref_slice %arg16[%dma_start3A_467] : memref<10240xf32, #tpu.memory_space<vmem_shared>> -> memref<10240xf32, #tpu.memory_space<vmem_shared>>
      tpu.enqueue_indirect_dma source(%arg12 : memref<128xf32, #tpu.memory_space<vmem>>) target(%dma_start3A_468 : memref<10240xf32, #tpu.memory_space<vmem_shared>>) offsets(%dma_start3A_466 : memref<128xi32, #tpu.memory_space<vmem>>) semaphore(%arg19 : memref<!tpu.dma_semaphore, #tpu.memory_space<semaphore_mem>>) {add = true}
    }
    %scan3A_18 = arith.constant 28 : i32
    %scan3A_19 = arith.constant 0 : i32
    %scan3A_20 = arith.constant 0 : i32
    %scan3A_21 = arith.constant 132 : i32
    %scan3A_22 = arith.addi %scan3A_20, %scan3A_21 : i32
    %scan3A_23 = arith.constant 1 : i32
    scf.for %scan3A_463 = %scan3A_20 to %scan3A_22 step %scan3A_23  : i32 {
      %dma_wait3A_464 = arith.constant 0 : i32
      %dma_wait3A_465 = arith.constant 0 : i32
      %dma_wait3A_466 = tpu.memref_slice %arg10[%dma_wait3A_464, %dma_wait3A_465] : memref<160x128xi32, #tpu.memory_space<vmem>> -> memref<1x128xi32, #tpu.memory_space<vmem>>
      %dma_wait3A_467 = tpu.memref_squeeze %dma_wait3A_466 : memref<1x128xi32, #tpu.memory_space<vmem>> -> memref<128xi32, #tpu.memory_space<vmem>>
      %dma_wait3A_468 = arith.constant 0 : i32
      %dma_wait3A_469 = tpu.memref_slice %arg16[%dma_wait3A_468] : memref<10240xf32, #tpu.memory_space<vmem_shared>> -> memref<10240xf32, #tpu.memory_space<vmem_shared>>
      tpu.wait_indirect_dma semaphore(%arg19 : memref<!tpu.dma_semaphore, #tpu.memory_space<semaphore_mem>>) src(%arg12 : memref<128xf32, #tpu.memory_space<vmem>>) dst(%dma_wait3A_469 : memref<10240xf32, #tpu.memory_space<vmem_shared>>)
      %add3A_470 = arith.constant 28 : i32
      %add3A_471 = arith.addi %scan3A_463, %add3A_470 : i32
      %dma_start3A_472 = arith.constant 0 : i32
      %dma_start3A_473 = tpu.memref_slice %arg10[%add3A_471, %dma_start3A_472] : memref<160x128xi32, #tpu.memory_space<vmem>> -> memref<1x128xi32, #tpu.memory_space<vmem>>
      %dma_start3A_474 = tpu.memref_squeeze %dma_start3A_473 : memref<1x128xi32, #tpu.memory_space<vmem>> -> memref<128xi32, #tpu.memory_space<vmem>>
      %dma_start3A_475 = arith.constant 0 : i32
      %dma_start3A_476 = tpu.memref_slice %arg16[%dma_start3A_475] : memref<10240xf32, #tpu.memory_space<vmem_shared>> -> memref<10240xf32, #tpu.memory_space<vmem_shared>>
      tpu.enqueue_indirect_dma source(%arg12 : memref<128xf32, #tpu.memory_space<vmem>>) target(%dma_start3A_476 : memref<10240xf32, #tpu.memory_space<vmem_shared>>) offsets(%dma_start3A_474 : memref<128xi32, #tpu.memory_space<vmem>>) semaphore(%arg19 : memref<!tpu.dma_semaphore, #tpu.memory_space<semaphore_mem>>) {add = true}
    }
    %scan3A_24 = arith.constant 132 : i32
    %scan3A_25 = arith.constant 0 : i32
    %scan3A_26 = arith.constant 0 : i32
    %scan3A_27 = arith.constant 28 : i32
    %scan3A_28 = arith.addi %scan3A_26, %scan3A_27 : i32
    %scan3A_29 = arith.constant 1 : i32
    scf.for %scan3A_463 = %scan3A_26 to %scan3A_28 step %scan3A_29  : i32 {
      %dma_wait3A_464 = arith.constant 0 : i32
      %dma_wait3A_465 = arith.constant 0 : i32
      %dma_wait3A_466 = tpu.memref_slice %arg10[%dma_wait3A_464, %dma_wait3A_465] : memref<160x128xi32, #tpu.memory_space<vmem>> -> memref<1x128xi32, #tpu.memory_space<vmem>>
      %dma_wait3A_467 = tpu.memref_squeeze %dma_wait3A_466 : memref<1x128xi32, #tpu.memory_space<vmem>> -> memref<128xi32, #tpu.memory_space<vmem>>
      %dma_wait3A_468 = arith.constant 0 : i32
      %dma_wait3A_469 = tpu.memref_slice %arg16[%dma_wait3A_468] : memref<10240xf32, #tpu.memory_space<vmem_shared>> -> memref<10240xf32, #tpu.memory_space<vmem_shared>>
      tpu.wait_indirect_dma semaphore(%arg19 : memref<!tpu.dma_semaphore, #tpu.memory_space<semaphore_mem>>) src(%arg12 : memref<128xf32, #tpu.memory_space<vmem>>) dst(%dma_wait3A_469 : memref<10240xf32, #tpu.memory_space<vmem_shared>>)
    }
    %scan3A_30 = arith.constant 28 : i32
    %barrier3A_31 = arith.constant 0 : index
    tpu.barrier barrier_id(%barrier3A_31)
    %mul3A_32 = arith.constant 640 : i32
    %mul3A_33 = arith.muli %arg1, %mul3A_32 : i32
    "tpu.region"() ({
      %run_scoped3A = tpu.sem_alloc : memref<!tpu.dma_semaphore, #tpu.memory_space<semaphore_mem>>
      %dma_start3A_463 = tpu.memref_slice %arg16[%mul3A_33] : memref<10240xf32, #tpu.memory_space<vmem_shared>> -> memref<640xf32, #tpu.memory_space<vmem_shared>>
      %dma_start3A_464 = tpu.memref_slice %arg16[%mul3A_33] : memref<10240xf32, #tpu.memory_space<vmem_shared>> -> memref<640xf32, #tpu.memory_space<vmem_shared>>
      tpu.enqueue_dma source(%dma_start3A_464 : memref<640xf32, #tpu.memory_space<vmem_shared>>) target(%arg13 : memref<640xf32, #tpu.memory_space<vmem>>) target_semaphore(%run_scoped3A : memref<!tpu.dma_semaphore, #tpu.memory_space<semaphore_mem>>)
      %dma_wait3A_465 = tpu.memref_slice %arg16[%mul3A_33] : memref<10240xf32, #tpu.memory_space<vmem_shared>> -> memref<640xf32, #tpu.memory_space<vmem_shared>>
      %dma_wait3A_466 = tpu.memref_slice %arg16[%mul3A_33] : memref<10240xf32, #tpu.memory_space<vmem_shared>> -> memref<640xf32, #tpu.memory_space<vmem_shared>>
      tpu.wait_dma2 semaphore(%run_scoped3A : memref<!tpu.dma_semaphore, #tpu.memory_space<semaphore_mem>>) src(%dma_wait3A_466 : memref<640xf32, #tpu.memory_space<vmem_shared>>) dst(%arg13 : memref<640xf32, #tpu.memory_space<vmem>>)
      tpu.yield
    }) : () -> ()
    %eq3A = arith.constant 0 : i32
    %eq3A_34 = arith.cmpi eq, %arg0, %eq3A : i32
    %convert_element_type3A = arith.extui %eq3A_34 : i1 to i32
    %cond3A = arith.constant 0 : i32
    %cond3A_35 = arith.cmpi ne, %convert_element_type3A, %cond3A : i32
    scf.if %cond3A_35 {
      %mul3A_463 = arith.constant 640 : i32
      %mul3A_464 = arith.muli %arg1, %mul3A_463 : i32
      "tpu.region"() ({
        %run_scoped3A = tpu.sem_alloc : memref<!tpu.dma_semaphore, #tpu.memory_space<semaphore_mem>>
        %dma_start3A_465 = tpu.memref_slice %arg8[%mul3A_464] : memref<10240xf32, #tpu.memory_space<hbm>> -> memref<640xf32, #tpu.memory_space<hbm>>
        %dma_start3A_466 = tpu.memref_slice %arg8[%mul3A_464] : memref<10240xf32, #tpu.memory_space<hbm>> -> memref<640xf32, #tpu.memory_space<hbm>>
        tpu.enqueue_dma source(%arg13 : memref<640xf32, #tpu.memory_space<vmem>>) target(%dma_start3A_466 : memref<640xf32, #tpu.memory_space<hbm>>) target_semaphore(%run_scoped3A : memref<!tpu.dma_semaphore, #tpu.memory_space<semaphore_mem>>)
        %dma_wait3A_467 = tpu.memref_slice %arg8[%mul3A_464] : memref<10240xf32, #tpu.memory_space<hbm>> -> memref<640xf32, #tpu.memory_space<hbm>>
        %dma_wait3A_468 = tpu.memref_slice %arg8[%mul3A_464] : memref<10240xf32, #tpu.memory_space<hbm>> -> memref<640xf32, #tpu.memory_space<hbm>>
        tpu.wait_dma2 semaphore(%run_scoped3A : memref<!tpu.dma_semaphore, #tpu.memory_space<semaphore_mem>>) src(%arg13 : memref<640xf32, #tpu.memory_space<vmem>>) dst(%dma_wait3A_468 : memref<640xf32, #tpu.memory_space<hbm>>)
        tpu.yield
      }) : () -> ()
    } else {
    }
    %mul3A_36 = arith.constant 640 : i32
    %mul3A_37 = arith.muli %arg1, %mul3A_36 : i32
    %dma_wait3A = arith.constant 0 : i32
    %dma_wait3A_38 = tpu.memref_slice %arg2[%mul3A_37, %dma_wait3A] : memref<10240x16xf32, #tpu.memory_space<hbm>> -> memref<640x16xf32, #tpu.memory_space<hbm>>
    %dma_wait3A_39 = arith.constant 0 : i32
    %dma_wait3A_40 = tpu.memref_slice %arg2[%mul3A_37, %dma_wait3A_39] : memref<10240x16xf32, #tpu.memory_space<hbm>> -> memref<640x16xf32, #tpu.memory_space<hbm>>
    tpu.wait_dma2 semaphore(%arg20 : memref<!tpu.dma_semaphore, #tpu.memory_space<semaphore_mem>>) src(%dma_wait3A_40 : memref<640x16xf32, #tpu.memory_space<hbm>>) dst(%arg14 : memref<640x16xf32, #tpu.memory_space<vmem>>)
    %scan3A_41 = arith.constant 0 : i32
    %scan3A_42 = arith.constant 0 : i32
    %scan3A_43 = arith.constant 40 : i32
    %scan3A_44 = arith.addi %scan3A_42, %scan3A_43 : i32
    %scan3A_45 = arith.constant 1 : i32
    scf.for %scan3A_463 = %scan3A_42 to %scan3A_44 step %scan3A_45  : i32 {
      %mul3A_464 = arith.constant 16 : i32
      %mul3A_465 = arith.muli %scan3A_463, %mul3A_464 : i32
      %get3A = arith.index_cast %mul3A_465 : i32 to index
      %get3A_466 = tpu.vector_load %arg13[%get3A] {strides = array<i32>} : memref<640xf32, #tpu.memory_space<vmem>>, vector<16xf32>,
      %get3A_467 = vector.shape_cast %get3A_466 : vector<16xf32> to vector<16xf32>
      %add3A_468 = arith.constant 1.000000e+00 : f32
      %add3A_469 = vector.broadcast %add3A_468 : f32 to vector<16xf32>
      %add3A_470 = arith.addf %get3A_467, %add3A_469 : vector<16xf32>
      %bitcast_convert_type3A = tpu.bitcast %add3A_470 : vector<16xf32> -> vector<16xi32>
      %shift_right_arithmetic3A = arith.constant 1 : i32
      %shift_right_arithmetic3A_471 = vector.broadcast %shift_right_arithmetic3A : i32 to vector<16xi32>
      %shift_right_arithmetic3A_472 = arith.shrsi %bitcast_convert_type3A, %shift_right_arithmetic3A_471 : vector<16xi32>
      %sub3A = arith.constant 1597463007 : i32
      %sub3A_473 = vector.broadcast %sub3A : i32 to vector<16xi32>
      %sub3A_474 = arith.subi %sub3A_473, %shift_right_arithmetic3A_472 : vector<16xi32>
      %bitcast_convert_type3A_475 = tpu.bitcast %sub3A_474 : vector<16xi32> -> vector<16xf32>
      %mul3A_476 = arith.constant 5.000000e-01 : f32
      %mul3A_477 = vector.broadcast %mul3A_476 : f32 to vector<16xf32>
      %mul3A_478 = arith.mulf %mul3A_477, %add3A_470 : vector<16xf32>
      %mul3A_479 = arith.mulf %mul3A_478, %bitcast_convert_type3A_475 : vector<16xf32>
      %mul3A_480 = arith.mulf %mul3A_479, %bitcast_convert_type3A_475 : vector<16xf32>
      %sub3A_481 = arith.constant 1.500000e+00 : f32
      %sub3A_482 = vector.broadcast %sub3A_481 : f32 to vector<16xf32>
      %sub3A_483 = arith.subf %sub3A_482, %mul3A_480 : vector<16xf32>
      %mul3A_484 = arith.mulf %bitcast_convert_type3A_475, %sub3A_483 : vector<16xf32>
      %mul3A_485 = arith.constant 5.000000e-01 : f32
      %mul3A_486 = vector.broadcast %mul3A_485 : f32 to vector<16xf32>
      %mul3A_487 = arith.mulf %mul3A_486, %add3A_470 : vector<16xf32>
      %mul3A_488 = arith.mulf %mul3A_487, %mul3A_484 : vector<16xf32>
      %mul3A_489 = arith.mulf %mul3A_488, %mul3A_484 : vector<16xf32>
      %sub3A_490 = arith.constant 1.500000e+00 : f32
      %sub3A_491 = vector.broadcast %sub3A_490 : f32 to vector<16xf32>
      %sub3A_492 = arith.subf %sub3A_491, %mul3A_489 : vector<16xf32>
      %mul3A_493 = arith.mulf %mul3A_484, %sub3A_492 : vector<16xf32>
      %mul3A_494 = arith.constant 5.000000e-01 : f32
      %mul3A_495 = vector.broadcast %mul3A_494 : f32 to vector<16xf32>
      %mul3A_496 = arith.mulf %mul3A_495, %add3A_470 : vector<16xf32>
      %mul3A_497 = arith.mulf %mul3A_496, %mul3A_493 : vector<16xf32>
      %mul3A_498 = arith.mulf %mul3A_497, %mul3A_493 : vector<16xf32>
      %sub3A_499 = arith.constant 1.500000e+00 : f32
      %sub3A_500 = vector.broadcast %sub3A_499 : f32 to vector<16xf32>
      %sub3A_501 = arith.subf %sub3A_500, %mul3A_498 : vector<16xf32>
      %mul3A_502 = arith.mulf %mul3A_493, %sub3A_501 : vector<16xf32>
      %broadcast_in_dim3A = arith.constant 0 : i32
      %broadcast_in_dim3A_503 = vector.broadcast %broadcast_in_dim3A : i32 to vector<16x1xi32>
      %gather3A = vector.shape_cast %broadcast_in_dim3A_503 : vector<16x1xi32> to vector<16xi32>
      %gather3A_504 = tpu.dynamic_gather %mul3A_502[%gather3A] in [0] : vector<16xf32>, vector<16xi32> -> vector<16xf32>
      %mul3A_505 = arith.constant 16 : i32
      %mul3A_506 = arith.muli %scan3A_463, %mul3A_505 : i32
      %add3A_507 = arith.constant 0 : i32
      %add3A_508 = arith.addi %mul3A_506, %add3A_507 : i32
      %get3A_509 = arith.index_cast %add3A_508 : i32 to index
      %get3A_510 = arith.constant 0 : index
      %get3A_511 = tpu.vector_load %arg14[%get3A_509, %get3A_510] {strides = array<i32>} : memref<640x16xf32, #tpu.memory_space<vmem>>, vector<1x16xf32>,
      %get3A_512 = vector.shape_cast %get3A_511 : vector<1x16xf32> to vector<16xf32>
      %mul3A_513 = arith.mulf %get3A_512, %gather3A_504 : vector<16xf32>
      %swap3A = arith.index_cast %add3A_508 : i32 to index
      %swap3A_514 = arith.constant 0 : index
      %swap3A_515 = tpu.vector_load %arg14[%swap3A, %swap3A_514] {strides = array<i32>} : memref<640x16xf32, #tpu.memory_space<vmem>>, vector<1x16xf32>,
      %swap3A_516 = vector.shape_cast %swap3A_515 : vector<1x16xf32> to vector<16xf32>
      %swap3A_517 = vector.shape_cast %mul3A_513 : vector<16xf32> to vector<1x16xf32>
      tpu.vector_store %arg14[%swap3A, %swap3A_514], %swap3A_517 {strides = array<i32>} : memref<640x16xf32, #tpu.memory_space<vmem>>, vector<1x16xf32>,
      %broadcast_in_dim3A_518 = arith.constant 1 : i32
      %broadcast_in_dim3A_519 = vector.broadcast %broadcast_in_dim3A_518 : i32 to vector<16x1xi32>
      %gather3A_520 = vector.shape_cast %broadcast_in_dim3A_519 : vector<16x1xi32> to vector<16xi32>
      %gather3A_521 = tpu.dynamic_gather %mul3A_502[%gather3A_520] in [0] : vector<16xf32>, vector<16xi32> -> vector<16xf32>
      %mul3A_522 = arith.constant 16 : i32
      %mul3A_523 = arith.muli %scan3A_463, %mul3A_522 : i32
      %add3A_524 = arith.constant 1 : i32
      %add3A_525 = arith.addi %mul3A_523, %add3A_524 : i32
      %get3A_526 = arith.index_cast %add3A_525 : i32 to index
      %get3A_527 = arith.constant 0 : index
      %get3A_528 = tpu.vector_load %arg14[%get3A_526, %get3A_527] {strides = array<i32>} : memref<640x16xf32, #tpu.memory_space<vmem>>, vector<1x16xf32>,
      %get3A_529 = vector.shape_cast %get3A_528 : vector<1x16xf32> to vector<16xf32>
      %mul3A_530 = arith.mulf %get3A_529, %gather3A_521 : vector<16xf32>
      %swap3A_531 = arith.index_cast %add3A_525 : i32 to index
      %swap3A_532 = arith.constant 0 : index
      %swap3A_533 = tpu.vector_load %arg14[%swap3A_531, %swap3A_532] {strides = array<i32>} : memref<640x16xf32, #tpu.memory_space<vmem>>, vector<1x16xf32>,
      %swap3A_534 = vector.shape_cast %swap3A_533 : vector<1x16xf32> to vector<16xf32>
      %swap3A_535 = vector.shape_cast %mul3A_530 : vector<16xf32> to vector<1x16xf32>
      tpu.vector_store %arg14[%swap3A_531, %swap3A_532], %swap3A_535 {strides = array<i32>} : memref<640x16xf32, #tpu.memory_space<vmem>>, vector<1x16xf32>,
      %broadcast_in_dim3A_536 = arith.constant 2 : i32
      %broadcast_in_dim3A_537 = vector.broadcast %broadcast_in_dim3A_536 : i32 to vector<16x1xi32>
      %gather3A_538 = vector.shape_cast %broadcast_in_dim3A_537 : vector<16x1xi32> to vector<16xi32>
      %gather3A_539 = tpu.dynamic_gather %mul3A_502[%gather3A_538] in [0] : vector<16xf32>, vector<16xi32> -> vector<16xf32>
      %mul3A_540 = arith.constant 16 : i32
      %mul3A_541 = arith.muli %scan3A_463, %mul3A_540 : i32
      %add3A_542 = arith.constant 2 : i32
      %add3A_543 = arith.addi %mul3A_541, %add3A_542 : i32
      %get3A_544 = arith.index_cast %add3A_543 : i32 to index
      %get3A_545 = arith.constant 0 : index
      %get3A_546 = tpu.vector_load %arg14[%get3A_544, %get3A_545] {strides = array<i32>} : memref<640x16xf32, #tpu.memory_space<vmem>>, vector<1x16xf32>,
      %get3A_547 = vector.shape_cast %get3A_546 : vector<1x16xf32> to vector<16xf32>
      %mul3A_548 = arith.mulf %get3A_547, %gather3A_539 : vector<16xf32>
      %swap3A_549 = arith.index_cast %add3A_543 : i32 to index
      %swap3A_550 = arith.constant 0 : index
      %swap3A_551 = tpu.vector_load %arg14[%swap3A_549, %swap3A_550] {strides = array<i32>} : memref<640x16xf32, #tpu.memory_space<vmem>>, vector<1x16xf32>,
      %swap3A_552 = vector.shape_cast %swap3A_551 : vector<1x16xf32> to vector<16xf32>
      %swap3A_553 = vector.shape_cast %mul3A_548 : vector<16xf32> to vector<1x16xf32>
      tpu.vector_store %arg14[%swap3A_549, %swap3A_550], %swap3A_553 {strides = array<i32>} : memref<640x16xf32, #tpu.memory_space<vmem>>, vector<1x16xf32>,
      %broadcast_in_dim3A_554 = arith.constant 3 : i32
      %broadcast_in_dim3A_555 = vector.broadcast %broadcast_in_dim3A_554 : i32 to vector<16x1xi32>
      %gather3A_556 = vector.shape_cast %broadcast_in_dim3A_555 : vector<16x1xi32> to vector<16xi32>
      %gather3A_557 = tpu.dynamic_gather %mul3A_502[%gather3A_556] in [0] : vector<16xf32>, vector<16xi32> -> vector<16xf32>
      %mul3A_558 = arith.constant 16 : i32
      %mul3A_559 = arith.muli %scan3A_463, %mul3A_558 : i32
      %add3A_560 = arith.constant 3 : i32
      %add3A_561 = arith.addi %mul3A_559, %add3A_560 : i32
      %get3A_562 = arith.index_cast %add3A_561 : i32 to index
      %get3A_563 = arith.constant 0 : index
      %get3A_564 = tpu.vector_load %arg14[%get3A_562, %get3A_563] {strides = array<i32>} : memref<640x16xf32, #tpu.memory_space<vmem>>, vector<1x16xf32>,
      %get3A_565 = vector.shape_cast %get3A_564 : vector<1x16xf32> to vector<16xf32>
      %mul3A_566 = arith.mulf %get3A_565, %gather3A_557 : vector<16xf32>
      %swap3A_567 = arith.index_cast %add3A_561 : i32 to index
      %swap3A_568 = arith.constant 0 : index
      %swap3A_569 = tpu.vector_load %arg14[%swap3A_567, %swap3A_568] {strides = array<i32>} : memref<640x16xf32, #tpu.memory_space<vmem>>, vector<1x16xf32>,
      %swap3A_570 = vector.shape_cast %swap3A_569 : vector<1x16xf32> to vector<16xf32>
      %swap3A_571 = vector.shape_cast %mul3A_566 : vector<16xf32> to vector<1x16xf32>
      tpu.vector_store %arg14[%swap3A_567, %swap3A_568], %swap3A_571 {strides = array<i32>} : memref<640x16xf32, #tpu.memory_space<vmem>>, vector<1x16xf32>,
      %broadcast_in_dim3A_572 = arith.constant 4 : i32
      %broadcast_in_dim3A_573 = vector.broadcast %broadcast_in_dim3A_572 : i32 to vector<16x1xi32>
      %gather3A_574 = vector.shape_cast %broadcast_in_dim3A_573 : vector<16x1xi32> to vector<16xi32>
      %gather3A_575 = tpu.dynamic_gather %mul3A_502[%gather3A_574] in [0] : vector<16xf32>, vector<16xi32> -> vector<16xf32>
      %mul3A_576 = arith.constant 16 : i32
      %mul3A_577 = arith.muli %scan3A_463, %mul3A_576 : i32
      %add3A_578 = arith.constant 4 : i32
      %add3A_579 = arith.addi %mul3A_577, %add3A_578 : i32
      %get3A_580 = arith.index_cast %add3A_579 : i32 to index
      %get3A_581 = arith.constant 0 : index
      %get3A_582 = tpu.vector_load %arg14[%get3A_580, %get3A_581] {strides = array<i32>} : memref<640x16xf32, #tpu.memory_space<vmem>>, vector<1x16xf32>,
      %get3A_583 = vector.shape_cast %get3A_582 : vector<1x16xf32> to vector<16xf32>
      %mul3A_584 = arith.mulf %get3A_583, %gather3A_575 : vector<16xf32>
      %swap3A_585 = arith.index_cast %add3A_579 : i32 to index
      %swap3A_586 = arith.constant 0 : index
      %swap3A_587 = tpu.vector_load %arg14[%swap3A_585, %swap3A_586] {strides = array<i32>} : memref<640x16xf32, #tpu.memory_space<vmem>>, vector<1x16xf32>,
      %swap3A_588 = vector.shape_cast %swap3A_587 : vector<1x16xf32> to vector<16xf32>
      %swap3A_589 = vector.shape_cast %mul3A_584 : vector<16xf32> to vector<1x16xf32>
      tpu.vector_store %arg14[%swap3A_585, %swap3A_586], %swap3A_589 {strides = array<i32>} : memref<640x16xf32, #tpu.memory_space<vmem>>, vector<1x16xf32>,
      %broadcast_in_dim3A_590 = arith.constant 5 : i32
      %broadcast_in_dim3A_591 = vector.broadcast %broadcast_in_dim3A_590 : i32 to vector<16x1xi32>
      %gather3A_592 = vector.shape_cast %broadcast_in_dim3A_591 : vector<16x1xi32> to vector<16xi32>
      %gather3A_593 = tpu.dynamic_gather %mul3A_502[%gather3A_592] in [0] : vector<16xf32>, vector<16xi32> -> vector<16xf32>
      %mul3A_594 = arith.constant 16 : i32
      %mul3A_595 = arith.muli %scan3A_463, %mul3A_594 : i32
      %add3A_596 = arith.constant 5 : i32
      %add3A_597 = arith.addi %mul3A_595, %add3A_596 : i32
      %get3A_598 = arith.index_cast %add3A_597 : i32 to index
      %get3A_599 = arith.constant 0 : index
      %get3A_600 = tpu.vector_load %arg14[%get3A_598, %get3A_599] {strides = array<i32>} : memref<640x16xf32, #tpu.memory_space<vmem>>, vector<1x16xf32>,
      %get3A_601 = vector.shape_cast %get3A_600 : vector<1x16xf32> to vector<16xf32>
      %mul3A_602 = arith.mulf %get3A_601, %gather3A_593 : vector<16xf32>
      %swap3A_603 = arith.index_cast %add3A_597 : i32 to index
      %swap3A_604 = arith.constant 0 : index
      %swap3A_605 = tpu.vector_load %arg14[%swap3A_603, %swap3A_604] {strides = array<i32>} : memref<640x16xf32, #tpu.memory_space<vmem>>, vector<1x16xf32>,
      %swap3A_606 = vector.shape_cast %swap3A_605 : vector<1x16xf32> to vector<16xf32>
      %swap3A_607 = vector.shape_cast %mul3A_602 : vector<16xf32> to vector<1x16xf32>
      tpu.vector_store %arg14[%swap3A_603, %swap3A_604], %swap3A_607 {strides = array<i32>} : memref<640x16xf32, #tpu.memory_space<vmem>>, vector<1x16xf32>,
      %broadcast_in_dim3A_608 = arith.constant 6 : i32
      %broadcast_in_dim3A_609 = vector.broadcast %broadcast_in_dim3A_608 : i32 to vector<16x1xi32>
      %gather3A_610 = vector.shape_cast %broadcast_in_dim3A_609 : vector<16x1xi32> to vector<16xi32>
      %gather3A_611 = tpu.dynamic_gather %mul3A_502[%gather3A_610] in [0] : vector<16xf32>, vector<16xi32> -> vector<16xf32>
      %mul3A_612 = arith.constant 16 : i32
      %mul3A_613 = arith.muli %scan3A_463, %mul3A_612 : i32
      %add3A_614 = arith.constant 6 : i32
      %add3A_615 = arith.addi %mul3A_613, %add3A_614 : i32
      %get3A_616 = arith.index_cast %add3A_615 : i32 to index
      %get3A_617 = arith.constant 0 : index
      %get3A_618 = tpu.vector_load %arg14[%get3A_616, %get3A_617] {strides = array<i32>} : memref<640x16xf32, #tpu.memory_space<vmem>>, vector<1x16xf32>,
      %get3A_619 = vector.shape_cast %get3A_618 : vector<1x16xf32> to vector<16xf32>
      %mul3A_620 = arith.mulf %get3A_619, %gather3A_611 : vector<16xf32>
      %swap3A_621 = arith.index_cast %add3A_615 : i32 to index
      %swap3A_622 = arith.constant 0 : index
      %swap3A_623 = tpu.vector_load %arg14[%swap3A_621, %swap3A_622] {strides = array<i32>} : memref<640x16xf32, #tpu.memory_space<vmem>>, vector<1x16xf32>,
      %swap3A_624 = vector.shape_cast %swap3A_623 : vector<1x16xf32> to vector<16xf32>
      %swap3A_625 = vector.shape_cast %mul3A_620 : vector<16xf32> to vector<1x16xf32>
      tpu.vector_store %arg14[%swap3A_621, %swap3A_622], %swap3A_625 {strides = array<i32>} : memref<640x16xf32, #tpu.memory_space<vmem>>, vector<1x16xf32>,
      %broadcast_in_dim3A_626 = arith.constant 7 : i32
      %broadcast_in_dim3A_627 = vector.broadcast %broadcast_in_dim3A_626 : i32 to vector<16x1xi32>
      %gather3A_628 = vector.shape_cast %broadcast_in_dim3A_627 : vector<16x1xi32> to vector<16xi32>
      %gather3A_629 = tpu.dynamic_gather %mul3A_502[%gather3A_628] in [0] : vector<16xf32>, vector<16xi32> -> vector<16xf32>
      %mul3A_630 = arith.constant 16 : i32
      %mul3A_631 = arith.muli %scan3A_463, %mul3A_630 : i32
      %add3A_632 = arith.constant 7 : i32
      %add3A_633 = arith.addi %mul3A_631, %add3A_632 : i32
      %get3A_634 = arith.index_cast %add3A_633 : i32 to index
      %get3A_635 = arith.constant 0 : index
      %get3A_636 = tpu.vector_load %arg14[%get3A_634, %get3A_635] {strides = array<i32>} : memref<640x16xf32, #tpu.memory_space<vmem>>, vector<1x16xf32>,
      %get3A_637 = vector.shape_cast %get3A_636 : vector<1x16xf32> to vector<16xf32>
      %mul3A_638 = arith.mulf %get3A_637, %gather3A_629 : vector<16xf32>
      %swap3A_639 = arith.index_cast %add3A_633 : i32 to index
      %swap3A_640 = arith.constant 0 : index
      %swap3A_641 = tpu.vector_load %arg14[%swap3A_639, %swap3A_640] {strides = array<i32>} : memref<640x16xf32, #tpu.memory_space<vmem>>, vector<1x16xf32>,
      %swap3A_642 = vector.shape_cast %swap3A_641 : vector<1x16xf32> to vector<16xf32>
      %swap3A_643 = vector.shape_cast %mul3A_638 : vector<16xf32> to vector<1x16xf32>
      tpu.vector_store %arg14[%swap3A_639, %swap3A_640], %swap3A_643 {strides = array<i32>} : memref<640x16xf32, #tpu.memory_space<vmem>>, vector<1x16xf32>,
      %broadcast_in_dim3A_644 = arith.constant 8 : i32
      %broadcast_in_dim3A_645 = vector.broadcast %broadcast_in_dim3A_644 : i32 to vector<16x1xi32>
      %gather3A_646 = vector.shape_cast %broadcast_in_dim3A_645 : vector<16x1xi32> to vector<16xi32>
      %gather3A_647 = tpu.dynamic_gather %mul3A_502[%gather3A_646] in [0] : vector<16xf32>, vector<16xi32> -> vector<16xf32>
      %mul3A_648 = arith.constant 16 : i32
      %mul3A_649 = arith.muli %scan3A_463, %mul3A_648 : i32
      %add3A_650 = arith.constant 8 : i32
      %add3A_651 = arith.addi %mul3A_649, %add3A_650 : i32
      %get3A_652 = arith.index_cast %add3A_651 : i32 to index
      %get3A_653 = arith.constant 0 : index
      %get3A_654 = tpu.vector_load %arg14[%get3A_652, %get3A_653] {strides = array<i32>} : memref<640x16xf32, #tpu.memory_space<vmem>>, vector<1x16xf32>,
      %get3A_655 = vector.shape_cast %get3A_654 : vector<1x16xf32> to vector<16xf32>
      %mul3A_656 = arith.mulf %get3A_655, %gather3A_647 : vector<16xf32>
      %swap3A_657 = arith.index_cast %add3A_651 : i32 to index
      %swap3A_658 = arith.constant 0 : index
      %swap3A_659 = tpu.vector_load %arg14[%swap3A_657, %swap3A_658] {strides = array<i32>} : memref<640x16xf32, #tpu.memory_space<vmem>>, vector<1x16xf32>,
      %swap3A_660 = vector.shape_cast %swap3A_659 : vector<1x16xf32> to vector<16xf32>
      %swap3A_661 = vector.shape_cast %mul3A_656 : vector<16xf32> to vector<1x16xf32>
      tpu.vector_store %arg14[%swap3A_657, %swap3A_658], %swap3A_661 {strides = array<i32>} : memref<640x16xf32, #tpu.memory_space<vmem>>, vector<1x16xf32>,
      %broadcast_in_dim3A_662 = arith.constant 9 : i32
      %broadcast_in_dim3A_663 = vector.broadcast %broadcast_in_dim3A_662 : i32 to vector<16x1xi32>
      %gather3A_664 = vector.shape_cast %broadcast_in_dim3A_663 : vector<16x1xi32> to vector<16xi32>
      %gather3A_665 = tpu.dynamic_gather %mul3A_502[%gather3A_664] in [0] : vector<16xf32>, vector<16xi32> -> vector<16xf32>
      %mul3A_666 = arith.constant 16 : i32
      %mul3A_667 = arith.muli %scan3A_463, %mul3A_666 : i32
      %add3A_668 = arith.constant 9 : i32
      %add3A_669 = arith.addi %mul3A_667, %add3A_668 : i32
      %get3A_670 = arith.index_cast %add3A_669 : i32 to index
      %get3A_671 = arith.constant 0 : index
      %get3A_672 = tpu.vector_load %arg14[%get3A_670, %get3A_671] {strides = array<i32>} : memref<640x16xf32, #tpu.memory_space<vmem>>, vector<1x16xf32>,
      %get3A_673 = vector.shape_cast %get3A_672 : vector<1x16xf32> to vector<16xf32>
      %mul3A_674 = arith.mulf %get3A_673, %gather3A_665 : vector<16xf32>
      %swap3A_675 = arith.index_cast %add3A_669 : i32 to index
      %swap3A_676 = arith.constant 0 : index
      %swap3A_677 = tpu.vector_load %arg14[%swap3A_675, %swap3A_676] {strides = array<i32>} : memref<640x16xf32, #tpu.memory_space<vmem>>, vector<1x16xf32>,
      %swap3A_678 = vector.shape_cast %swap3A_677 : vector<1x16xf32> to vector<16xf32>
      %swap3A_679 = vector.shape_cast %mul3A_674 : vector<16xf32> to vector<1x16xf32>
      tpu.vector_store %arg14[%swap3A_675, %swap3A_676], %swap3A_679 {strides = array<i32>} : memref<640x16xf32, #tpu.memory_space<vmem>>, vector<1x16xf32>,
      %broadcast_in_dim3A_680 = arith.constant 10 : i32
      %broadcast_in_dim3A_681 = vector.broadcast %broadcast_in_dim3A_680 : i32 to vector<16x1xi32>
      %gather3A_682 = vector.shape_cast %broadcast_in_dim3A_681 : vector<16x1xi32> to vector<16xi32>
      %gather3A_683 = tpu.dynamic_gather %mul3A_502[%gather3A_682] in [0] : vector<16xf32>, vector<16xi32> -> vector<16xf32>
      %mul3A_684 = arith.constant 16 : i32
      %mul3A_685 = arith.muli %scan3A_463, %mul3A_684 : i32
      %add3A_686 = arith.constant 10 : i32
      %add3A_687 = arith.addi %mul3A_685, %add3A_686 : i32
      %get3A_688 = arith.index_cast %add3A_687 : i32 to index
      %get3A_689 = arith.constant 0 : index
      %get3A_690 = tpu.vector_load %arg14[%get3A_688, %get3A_689] {strides = array<i32>} : memref<640x16xf32, #tpu.memory_space<vmem>>, vector<1x16xf32>,
      %get3A_691 = vector.shape_cast %get3A_690 : vector<1x16xf32> to vector<16xf32>
      %mul3A_692 = arith.mulf %get3A_691, %gather3A_683 : vector<16xf32>
      %swap3A_693 = arith.index_cast %add3A_687 : i32 to index
      %swap3A_694 = arith.constant 0 : index
      %swap3A_695 = tpu.vector_load %arg14[%swap3A_693, %swap3A_694] {strides = array<i32>} : memref<640x16xf32, #tpu.memory_space<vmem>>, vector<1x16xf32>,
      %swap3A_696 = vector.shape_cast %swap3A_695 : vector<1x16xf32> to vector<16xf32>
      %swap3A_697 = vector.shape_cast %mul3A_692 : vector<16xf32> to vector<1x16xf32>
      tpu.vector_store %arg14[%swap3A_693, %swap3A_694], %swap3A_697 {strides = array<i32>} : memref<640x16xf32, #tpu.memory_space<vmem>>, vector<1x16xf32>,
      %broadcast_in_dim3A_698 = arith.constant 11 : i32
      %broadcast_in_dim3A_699 = vector.broadcast %broadcast_in_dim3A_698 : i32 to vector<16x1xi32>
      %gather3A_700 = vector.shape_cast %broadcast_in_dim3A_699 : vector<16x1xi32> to vector<16xi32>
      %gather3A_701 = tpu.dynamic_gather %mul3A_502[%gather3A_700] in [0] : vector<16xf32>, vector<16xi32> -> vector<16xf32>
      %mul3A_702 = arith.constant 16 : i32
      %mul3A_703 = arith.muli %scan3A_463, %mul3A_702 : i32
      %add3A_704 = arith.constant 11 : i32
      %add3A_705 = arith.addi %mul3A_703, %add3A_704 : i32
      %get3A_706 = arith.index_cast %add3A_705 : i32 to index
      %get3A_707 = arith.constant 0 : index
      %get3A_708 = tpu.vector_load %arg14[%get3A_706, %get3A_707] {strides = array<i32>} : memref<640x16xf32, #tpu.memory_space<vmem>>, vector<1x16xf32>,
      %get3A_709 = vector.shape_cast %get3A_708 : vector<1x16xf32> to vector<16xf32>
      %mul3A_710 = arith.mulf %get3A_709, %gather3A_701 : vector<16xf32>
      %swap3A_711 = arith.index_cast %add3A_705 : i32 to index
      %swap3A_712 = arith.constant 0 : index
      %swap3A_713 = tpu.vector_load %arg14[%swap3A_711, %swap3A_712] {strides = array<i32>} : memref<640x16xf32, #tpu.memory_space<vmem>>, vector<1x16xf32>,
      %swap3A_714 = vector.shape_cast %swap3A_713 : vector<1x16xf32> to vector<16xf32>
      %swap3A_715 = vector.shape_cast %mul3A_710 : vector<16xf32> to vector<1x16xf32>
      tpu.vector_store %arg14[%swap3A_711, %swap3A_712], %swap3A_715 {strides = array<i32>} : memref<640x16xf32, #tpu.memory_space<vmem>>, vector<1x16xf32>,
      %broadcast_in_dim3A_716 = arith.constant 12 : i32
      %broadcast_in_dim3A_717 = vector.broadcast %broadcast_in_dim3A_716 : i32 to vector<16x1xi32>
      %gather3A_718 = vector.shape_cast %broadcast_in_dim3A_717 : vector<16x1xi32> to vector<16xi32>
      %gather3A_719 = tpu.dynamic_gather %mul3A_502[%gather3A_718] in [0] : vector<16xf32>, vector<16xi32> -> vector<16xf32>
      %mul3A_720 = arith.constant 16 : i32
      %mul3A_721 = arith.muli %scan3A_463, %mul3A_720 : i32
      %add3A_722 = arith.constant 12 : i32
      %add3A_723 = arith.addi %mul3A_721, %add3A_722 : i32
      %get3A_724 = arith.index_cast %add3A_723 : i32 to index
      %get3A_725 = arith.constant 0 : index
      %get3A_726 = tpu.vector_load %arg14[%get3A_724, %get3A_725] {strides = array<i32>} : memref<640x16xf32, #tpu.memory_space<vmem>>, vector<1x16xf32>,
      %get3A_727 = vector.shape_cast %get3A_726 : vector<1x16xf32> to vector<16xf32>
      %mul3A_728 = arith.mulf %get3A_727, %gather3A_719 : vector<16xf32>
      %swap3A_729 = arith.index_cast %add3A_723 : i32 to index
      %swap3A_730 = arith.constant 0 : index
      %swap3A_731 = tpu.vector_load %arg14[%swap3A_729, %swap3A_730] {strides = array<i32>} : memref<640x16xf32, #tpu.memory_space<vmem>>, vector<1x16xf32>,
      %swap3A_732 = vector.shape_cast %swap3A_731 : vector<1x16xf32> to vector<16xf32>
      %swap3A_733 = vector.shape_cast %mul3A_728 : vector<16xf32> to vector<1x16xf32>
      tpu.vector_store %arg14[%swap3A_729, %swap3A_730], %swap3A_733 {strides = array<i32>} : memref<640x16xf32, #tpu.memory_space<vmem>>, vector<1x16xf32>,
      %broadcast_in_dim3A_734 = arith.constant 13 : i32
      %broadcast_in_dim3A_735 = vector.broadcast %broadcast_in_dim3A_734 : i32 to vector<16x1xi32>
      %gather3A_736 = vector.shape_cast %broadcast_in_dim3A_735 : vector<16x1xi32> to vector<16xi32>
      %gather3A_737 = tpu.dynamic_gather %mul3A_502[%gather3A_736] in [0] : vector<16xf32>, vector<16xi32> -> vector<16xf32>
      %mul3A_738 = arith.constant 16 : i32
      %mul3A_739 = arith.muli %scan3A_463, %mul3A_738 : i32
      %add3A_740 = arith.constant 13 : i32
      %add3A_741 = arith.addi %mul3A_739, %add3A_740 : i32
      %get3A_742 = arith.index_cast %add3A_741 : i32 to index
      %get3A_743 = arith.constant 0 : index
      %get3A_744 = tpu.vector_load %arg14[%get3A_742, %get3A_743] {strides = array<i32>} : memref<640x16xf32, #tpu.memory_space<vmem>>, vector<1x16xf32>,
      %get3A_745 = vector.shape_cast %get3A_744 : vector<1x16xf32> to vector<16xf32>
      %mul3A_746 = arith.mulf %get3A_745, %gather3A_737 : vector<16xf32>
      %swap3A_747 = arith.index_cast %add3A_741 : i32 to index
      %swap3A_748 = arith.constant 0 : index
      %swap3A_749 = tpu.vector_load %arg14[%swap3A_747, %swap3A_748] {strides = array<i32>} : memref<640x16xf32, #tpu.memory_space<vmem>>, vector<1x16xf32>,
      %swap3A_750 = vector.shape_cast %swap3A_749 : vector<1x16xf32> to vector<16xf32>
      %swap3A_751 = vector.shape_cast %mul3A_746 : vector<16xf32> to vector<1x16xf32>
      tpu.vector_store %arg14[%swap3A_747, %swap3A_748], %swap3A_751 {strides = array<i32>} : memref<640x16xf32, #tpu.memory_space<vmem>>, vector<1x16xf32>,
      %broadcast_in_dim3A_752 = arith.constant 14 : i32
      %broadcast_in_dim3A_753 = vector.broadcast %broadcast_in_dim3A_752 : i32 to vector<16x1xi32>
      %gather3A_754 = vector.shape_cast %broadcast_in_dim3A_753 : vector<16x1xi32> to vector<16xi32>
      %gather3A_755 = tpu.dynamic_gather %mul3A_502[%gather3A_754] in [0] : vector<16xf32>, vector<16xi32> -> vector<16xf32>
      %mul3A_756 = arith.constant 16 : i32
      %mul3A_757 = arith.muli %scan3A_463, %mul3A_756 : i32
      %add3A_758 = arith.constant 14 : i32
      %add3A_759 = arith.addi %mul3A_757, %add3A_758 : i32
      %get3A_760 = arith.index_cast %add3A_759 : i32 to index
      %get3A_761 = arith.constant 0 : index
      %get3A_762 = tpu.vector_load %arg14[%get3A_760, %get3A_761] {strides = array<i32>} : memref<640x16xf32, #tpu.memory_space<vmem>>, vector<1x16xf32>,
      %get3A_763 = vector.shape_cast %get3A_762 : vector<1x16xf32> to vector<16xf32>
      %mul3A_764 = arith.mulf %get3A_763, %gather3A_755 : vector<16xf32>
      %swap3A_765 = arith.index_cast %add3A_759 : i32 to index
      %swap3A_766 = arith.constant 0 : index
      %swap3A_767 = tpu.vector_load %arg14[%swap3A_765, %swap3A_766] {strides = array<i32>} : memref<640x16xf32, #tpu.memory_space<vmem>>, vector<1x16xf32>,
      %swap3A_768 = vector.shape_cast %swap3A_767 : vector<1x16xf32> to vector<16xf32>
      %swap3A_769 = vector.shape_cast %mul3A_764 : vector<16xf32> to vector<1x16xf32>
      tpu.vector_store %arg14[%swap3A_765, %swap3A_766], %swap3A_769 {strides = array<i32>} : memref<640x16xf32, #tpu.memory_space<vmem>>, vector<1x16xf32>,
      %broadcast_in_dim3A_770 = arith.constant 15 : i32
      %broadcast_in_dim3A_771 = vector.broadcast %broadcast_in_dim3A_770 : i32 to vector<16x1xi32>
      %gather3A_772 = vector.shape_cast %broadcast_in_dim3A_771 : vector<16x1xi32> to vector<16xi32>
      %gather3A_773 = tpu.dynamic_gather %mul3A_502[%gather3A_772] in [0] : vector<16xf32>, vector<16xi32> -> vector<16xf32>
      %mul3A_774 = arith.constant 16 : i32
      %mul3A_775 = arith.muli %scan3A_463, %mul3A_774 : i32
      %add3A_776 = arith.constant 15 : i32
      %add3A_777 = arith.addi %mul3A_775, %add3A_776 : i32
      %get3A_778 = arith.index_cast %add3A_777 : i32 to index
      %get3A_779 = arith.constant 0 : index
      %get3A_780 = tpu.vector_load %arg14[%get3A_778, %get3A_779] {strides = array<i32>} : memref<640x16xf32, #tpu.memory_space<vmem>>, vector<1x16xf32>,
      %get3A_781 = vector.shape_cast %get3A_780 : vector<1x16xf32> to vector<16xf32>
      %mul3A_782 = arith.mulf %get3A_781, %gather3A_773 : vector<16xf32>
      %swap3A_783 = arith.index_cast %add3A_777 : i32 to index
      %swap3A_784 = arith.constant 0 : index
      %swap3A_785 = tpu.vector_load %arg14[%swap3A_783, %swap3A_784] {strides = array<i32>} : memref<640x16xf32, #tpu.memory_space<vmem>>, vector<1x16xf32>,
      %swap3A_786 = vector.shape_cast %swap3A_785 : vector<1x16xf32> to vector<16xf32>
      %swap3A_787 = vector.shape_cast %mul3A_782 : vector<16xf32> to vector<1x16xf32>
      tpu.vector_store %arg14[%swap3A_783, %swap3A_784], %swap3A_787 {strides = array<i32>} : memref<640x16xf32, #tpu.memory_space<vmem>>, vector<1x16xf32>,
    }
    %scan3A_46 = arith.constant 40 : i32
    %mul3A_47 = arith.constant 640 : i32
    %mul3A_48 = arith.muli %arg1, %mul3A_47 : i32
    "tpu.region"() ({
      %run_scoped3A = tpu.sem_alloc : memref<!tpu.dma_semaphore, #tpu.memory_space<semaphore_mem>>
      %dma_start3A_463 = arith.constant 0 : i32
      %dma_start3A_464 = tpu.memref_slice %arg17[%mul3A_48, %dma_start3A_463] : memref<10240x16xf32, #tpu.memory_space<vmem_shared>> -> memref<640x16xf32, #tpu.memory_space<vmem_shared>>
      %dma_start3A_465 = arith.constant 0 : i32
      %dma_start3A_466 = tpu.memref_slice %arg17[%mul3A_48, %dma_start3A_465] : memref<10240x16xf32, #tpu.memory_space<vmem_shared>> -> memref<640x16xf32, #tpu.memory_space<vmem_shared>>
      tpu.enqueue_dma source(%arg14 : memref<640x16xf32, #tpu.memory_space<vmem>>) target(%dma_start3A_466 : memref<640x16xf32, #tpu.memory_space<vmem_shared>>) target_semaphore(%run_scoped3A : memref<!tpu.dma_semaphore, #tpu.memory_space<semaphore_mem>>)
      %dma_wait3A_467 = arith.constant 0 : i32
      %dma_wait3A_468 = tpu.memref_slice %arg17[%mul3A_48, %dma_wait3A_467] : memref<10240x16xf32, #tpu.memory_space<vmem_shared>> -> memref<640x16xf32, #tpu.memory_space<vmem_shared>>
      %dma_wait3A_469 = arith.constant 0 : i32
      %dma_wait3A_470 = tpu.memref_slice %arg17[%mul3A_48, %dma_wait3A_469] : memref<10240x16xf32, #tpu.memory_space<vmem_shared>> -> memref<640x16xf32, #tpu.memory_space<vmem_shared>>
      tpu.wait_dma2 semaphore(%run_scoped3A : memref<!tpu.dma_semaphore, #tpu.memory_space<semaphore_mem>>) src(%arg14 : memref<640x16xf32, #tpu.memory_space<vmem>>) dst(%dma_wait3A_470 : memref<640x16xf32, #tpu.memory_space<vmem_shared>>)
      tpu.yield
    }) : () -> ()
    %barrier3A_49 = arith.constant 0 : index
    tpu.barrier barrier_id(%barrier3A_49)
    %mul3A_50 = arith.constant 80 : i32
    %mul3A_51 = arith.muli %arg0, %mul3A_50 : i32
    %dma_start3A_52 = arith.constant 0 : i32
    %dma_start3A_53 = arith.constant 0 : i32
    %dma_start3A_54 = arith.constant 0 : i32
    %dma_start3A_55 = arith.constant 0 : i32
    %dma_start3A_56 = tpu.memref_slice %arg15[%dma_start3A_53, %dma_start3A_54, %dma_start3A_55] : memref<8x128x16xf32, #tpu.memory_space<vmem>> -> memref<1x128x16xf32, #tpu.memory_space<vmem>>
    %dma_start3A_57 = tpu.memref_squeeze %dma_start3A_56 : memref<1x128x16xf32, #tpu.memory_space<vmem>> -> memref<128x16xf32, #tpu.memory_space<vmem>>
    %dma_start3A_58 = arith.constant 0 : i32
    %dma_start3A_59 = tpu.memref_slice %arg11[%dma_start3A_52, %dma_start3A_58] : memref<80x128xi32, #tpu.memory_space<vmem>> -> memref<1x128xi32, #tpu.memory_space<vmem>>
    %dma_start3A_60 = tpu.memref_squeeze %dma_start3A_59 : memref<1x128xi32, #tpu.memory_space<vmem>> -> memref<128xi32, #tpu.memory_space<vmem>>
    %dma_start3A_61 = arith.constant 0 : i32
    %dma_start3A_62 = arith.constant 0 : i32
    %dma_start3A_63 = tpu.memref_slice %arg17[%dma_start3A_61, %dma_start3A_62] : memref<10240x16xf32, #tpu.memory_space<vmem_shared>> -> memref<10240x16xf32, #tpu.memory_space<vmem_shared>>
    tpu.enqueue_indirect_dma source(%dma_start3A_63 : memref<10240x16xf32, #tpu.memory_space<vmem_shared>>) target(%dma_start3A_57 : memref<128x16xf32, #tpu.memory_space<vmem>>) offsets(%dma_start3A_60 : memref<128xi32, #tpu.memory_space<vmem>>) semaphore(%arg21 : memref<!tpu.dma_semaphore, #tpu.memory_space<semaphore_mem>>)
    %dma_start3A_64 = arith.constant 1 : i32
    %dma_start3A_65 = arith.constant 1 : i32
    %dma_start3A_66 = arith.constant 0 : i32
    %dma_start3A_67 = arith.constant 0 : i32
    %dma_start3A_68 = tpu.memref_slice %arg15[%dma_start3A_65, %dma_start3A_66, %dma_start3A_67] : memref<8x128x16xf32, #tpu.memory_space<vmem>> -> memref<1x128x16xf32, #tpu.memory_space<vmem>>
    %dma_start3A_69 = tpu.memref_squeeze %dma_start3A_68 : memref<1x128x16xf32, #tpu.memory_space<vmem>> -> memref<128x16xf32, #tpu.memory_space<vmem>>
    %dma_start3A_70 = arith.constant 0 : i32
    %dma_start3A_71 = tpu.memref_slice %arg11[%dma_start3A_64, %dma_start3A_70] : memref<80x128xi32, #tpu.memory_space<vmem>> -> memref<1x128xi32, #tpu.memory_space<vmem>>
    %dma_start3A_72 = tpu.memref_squeeze %dma_start3A_71 : memref<1x128xi32, #tpu.memory_space<vmem>> -> memref<128xi32, #tpu.memory_space<vmem>>
    %dma_start3A_73 = arith.constant 0 : i32
    %dma_start3A_74 = arith.constant 0 : i32
    %dma_start3A_75 = tpu.memref_slice %arg17[%dma_start3A_73, %dma_start3A_74] : memref<10240x16xf32, #tpu.memory_space<vmem_shared>> -> memref<10240x16xf32, #tpu.memory_space<vmem_shared>>
    tpu.enqueue_indirect_dma source(%dma_start3A_75 : memref<10240x16xf32, #tpu.memory_space<vmem_shared>>) target(%dma_start3A_69 : memref<128x16xf32, #tpu.memory_space<vmem>>) offsets(%dma_start3A_72 : memref<128xi32, #tpu.memory_space<vmem>>) semaphore(%arg22 : memref<!tpu.dma_semaphore, #tpu.memory_space<semaphore_mem>>)
    %dma_start3A_76 = arith.constant 2 : i32
    %dma_start3A_77 = arith.constant 2 : i32
    %dma_start3A_78 = arith.constant 0 : i32
    %dma_start3A_79 = arith.constant 0 : i32
    %dma_start3A_80 = tpu.memref_slice %arg15[%dma_start3A_77, %dma_start3A_78, %dma_start3A_79] : memref<8x128x16xf32, #tpu.memory_space<vmem>> -> memref<1x128x16xf32, #tpu.memory_space<vmem>>
    %dma_start3A_81 = tpu.memref_squeeze %dma_start3A_80 : memref<1x128x16xf32, #tpu.memory_space<vmem>> -> memref<128x16xf32, #tpu.memory_space<vmem>>
    %dma_start3A_82 = arith.constant 0 : i32
    %dma_start3A_83 = tpu.memref_slice %arg11[%dma_start3A_76, %dma_start3A_82] : memref<80x128xi32, #tpu.memory_space<vmem>> -> memref<1x128xi32, #tpu.memory_space<vmem>>
    %dma_start3A_84 = tpu.memref_squeeze %dma_start3A_83 : memref<1x128xi32, #tpu.memory_space<vmem>> -> memref<128xi32, #tpu.memory_space<vmem>>
    %dma_start3A_85 = arith.constant 0 : i32
    %dma_start3A_86 = arith.constant 0 : i32
    %dma_start3A_87 = tpu.memref_slice %arg17[%dma_start3A_85, %dma_start3A_86] : memref<10240x16xf32, #tpu.memory_space<vmem_shared>> -> memref<10240x16xf32, #tpu.memory_space<vmem_shared>>
    tpu.enqueue_indirect_dma source(%dma_start3A_87 : memref<10240x16xf32, #tpu.memory_space<vmem_shared>>) target(%dma_start3A_81 : memref<128x16xf32, #tpu.memory_space<vmem>>) offsets(%dma_start3A_84 : memref<128xi32, #tpu.memory_space<vmem>>) semaphore(%arg23 : memref<!tpu.dma_semaphore, #tpu.memory_space<semaphore_mem>>)
    %dma_start3A_88 = arith.constant 3 : i32
    %dma_start3A_89 = arith.constant 3 : i32
    %dma_start3A_90 = arith.constant 0 : i32
    %dma_start3A_91 = arith.constant 0 : i32
    %dma_start3A_92 = tpu.memref_slice %arg15[%dma_start3A_89, %dma_start3A_90, %dma_start3A_91] : memref<8x128x16xf32, #tpu.memory_space<vmem>> -> memref<1x128x16xf32, #tpu.memory_space<vmem>>
    %dma_start3A_93 = tpu.memref_squeeze %dma_start3A_92 : memref<1x128x16xf32, #tpu.memory_space<vmem>> -> memref<128x16xf32, #tpu.memory_space<vmem>>
    %dma_start3A_94 = arith.constant 0 : i32
    %dma_start3A_95 = tpu.memref_slice %arg11[%dma_start3A_88, %dma_start3A_94] : memref<80x128xi32, #tpu.memory_space<vmem>> -> memref<1x128xi32, #tpu.memory_space<vmem>>
    %dma_start3A_96 = tpu.memref_squeeze %dma_start3A_95 : memref<1x128xi32, #tpu.memory_space<vmem>> -> memref<128xi32, #tpu.memory_space<vmem>>
    %dma_start3A_97 = arith.constant 0 : i32
    %dma_start3A_98 = arith.constant 0 : i32
    %dma_start3A_99 = tpu.memref_slice %arg17[%dma_start3A_97, %dma_start3A_98] : memref<10240x16xf32, #tpu.memory_space<vmem_shared>> -> memref<10240x16xf32, #tpu.memory_space<vmem_shared>>
    tpu.enqueue_indirect_dma source(%dma_start3A_99 : memref<10240x16xf32, #tpu.memory_space<vmem_shared>>) target(%dma_start3A_93 : memref<128x16xf32, #tpu.memory_space<vmem>>) offsets(%dma_start3A_96 : memref<128xi32, #tpu.memory_space<vmem>>) semaphore(%arg24 : memref<!tpu.dma_semaphore, #tpu.memory_space<semaphore_mem>>)
    %dma_start3A_100 = arith.constant 4 : i32
    %dma_start3A_101 = arith.constant 4 : i32
    %dma_start3A_102 = arith.constant 0 : i32
    %dma_start3A_103 = arith.constant 0 : i32
    %dma_start3A_104 = tpu.memref_slice %arg15[%dma_start3A_101, %dma_start3A_102, %dma_start3A_103] : memref<8x128x16xf32, #tpu.memory_space<vmem>> -> memref<1x128x16xf32, #tpu.memory_space<vmem>>
    %dma_start3A_105 = tpu.memref_squeeze %dma_start3A_104 : memref<1x128x16xf32, #tpu.memory_space<vmem>> -> memref<128x16xf32, #tpu.memory_space<vmem>>
    %dma_start3A_106 = arith.constant 0 : i32
    %dma_start3A_107 = tpu.memref_slice %arg11[%dma_start3A_100, %dma_start3A_106] : memref<80x128xi32, #tpu.memory_space<vmem>> -> memref<1x128xi32, #tpu.memory_space<vmem>>
    %dma_start3A_108 = tpu.memref_squeeze %dma_start3A_107 : memref<1x128xi32, #tpu.memory_space<vmem>> -> memref<128xi32, #tpu.memory_space<vmem>>
    %dma_start3A_109 = arith.constant 0 : i32
    %dma_start3A_110 = arith.constant 0 : i32
    %dma_start3A_111 = tpu.memref_slice %arg17[%dma_start3A_109, %dma_start3A_110] : memref<10240x16xf32, #tpu.memory_space<vmem_shared>> -> memref<10240x16xf32, #tpu.memory_space<vmem_shared>>
    tpu.enqueue_indirect_dma source(%dma_start3A_111 : memref<10240x16xf32, #tpu.memory_space<vmem_shared>>) target(%dma_start3A_105 : memref<128x16xf32, #tpu.memory_space<vmem>>) offsets(%dma_start3A_108 : memref<128xi32, #tpu.memory_space<vmem>>) semaphore(%arg25 : memref<!tpu.dma_semaphore, #tpu.memory_space<semaphore_mem>>)
    %dma_start3A_112 = arith.constant 5 : i32
    %dma_start3A_113 = arith.constant 5 : i32
    %dma_start3A_114 = arith.constant 0 : i32
    %dma_start3A_115 = arith.constant 0 : i32
    %dma_start3A_116 = tpu.memref_slice %arg15[%dma_start3A_113, %dma_start3A_114, %dma_start3A_115] : memref<8x128x16xf32, #tpu.memory_space<vmem>> -> memref<1x128x16xf32, #tpu.memory_space<vmem>>
    %dma_start3A_117 = tpu.memref_squeeze %dma_start3A_116 : memref<1x128x16xf32, #tpu.memory_space<vmem>> -> memref<128x16xf32, #tpu.memory_space<vmem>>
    %dma_start3A_118 = arith.constant 0 : i32
    %dma_start3A_119 = tpu.memref_slice %arg11[%dma_start3A_112, %dma_start3A_118] : memref<80x128xi32, #tpu.memory_space<vmem>> -> memref<1x128xi32, #tpu.memory_space<vmem>>
    %dma_start3A_120 = tpu.memref_squeeze %dma_start3A_119 : memref<1x128xi32, #tpu.memory_space<vmem>> -> memref<128xi32, #tpu.memory_space<vmem>>
    %dma_start3A_121 = arith.constant 0 : i32
    %dma_start3A_122 = arith.constant 0 : i32
    %dma_start3A_123 = tpu.memref_slice %arg17[%dma_start3A_121, %dma_start3A_122] : memref<10240x16xf32, #tpu.memory_space<vmem_shared>> -> memref<10240x16xf32, #tpu.memory_space<vmem_shared>>
    tpu.enqueue_indirect_dma source(%dma_start3A_123 : memref<10240x16xf32, #tpu.memory_space<vmem_shared>>) target(%dma_start3A_117 : memref<128x16xf32, #tpu.memory_space<vmem>>) offsets(%dma_start3A_120 : memref<128xi32, #tpu.memory_space<vmem>>) semaphore(%arg26 : memref<!tpu.dma_semaphore, #tpu.memory_space<semaphore_mem>>)
    %dma_start3A_124 = arith.constant 6 : i32
    %dma_start3A_125 = arith.constant 6 : i32
    %dma_start3A_126 = arith.constant 0 : i32
    %dma_start3A_127 = arith.constant 0 : i32
    %dma_start3A_128 = tpu.memref_slice %arg15[%dma_start3A_125, %dma_start3A_126, %dma_start3A_127] : memref<8x128x16xf32, #tpu.memory_space<vmem>> -> memref<1x128x16xf32, #tpu.memory_space<vmem>>
    %dma_start3A_129 = tpu.memref_squeeze %dma_start3A_128 : memref<1x128x16xf32, #tpu.memory_space<vmem>> -> memref<128x16xf32, #tpu.memory_space<vmem>>
    %dma_start3A_130 = arith.constant 0 : i32
    %dma_start3A_131 = tpu.memref_slice %arg11[%dma_start3A_124, %dma_start3A_130] : memref<80x128xi32, #tpu.memory_space<vmem>> -> memref<1x128xi32, #tpu.memory_space<vmem>>
    %dma_start3A_132 = tpu.memref_squeeze %dma_start3A_131 : memref<1x128xi32, #tpu.memory_space<vmem>> -> memref<128xi32, #tpu.memory_space<vmem>>
    %dma_start3A_133 = arith.constant 0 : i32
    %dma_start3A_134 = arith.constant 0 : i32
    %dma_start3A_135 = tpu.memref_slice %arg17[%dma_start3A_133, %dma_start3A_134] : memref<10240x16xf32, #tpu.memory_space<vmem_shared>> -> memref<10240x16xf32, #tpu.memory_space<vmem_shared>>
    tpu.enqueue_indirect_dma source(%dma_start3A_135 : memref<10240x16xf32, #tpu.memory_space<vmem_shared>>) target(%dma_start3A_129 : memref<128x16xf32, #tpu.memory_space<vmem>>) offsets(%dma_start3A_132 : memref<128xi32, #tpu.memory_space<vmem>>) semaphore(%arg27 : memref<!tpu.dma_semaphore, #tpu.memory_space<semaphore_mem>>)
    %dma_start3A_136 = arith.constant 7 : i32
    %dma_start3A_137 = arith.constant 7 : i32
    %dma_start3A_138 = arith.constant 0 : i32
    %dma_start3A_139 = arith.constant 0 : i32
    %dma_start3A_140 = tpu.memref_slice %arg15[%dma_start3A_137, %dma_start3A_138, %dma_start3A_139] : memref<8x128x16xf32, #tpu.memory_space<vmem>> -> memref<1x128x16xf32, #tpu.memory_space<vmem>>
    %dma_start3A_141 = tpu.memref_squeeze %dma_start3A_140 : memref<1x128x16xf32, #tpu.memory_space<vmem>> -> memref<128x16xf32, #tpu.memory_space<vmem>>
    %dma_start3A_142 = arith.constant 0 : i32
    %dma_start3A_143 = tpu.memref_slice %arg11[%dma_start3A_136, %dma_start3A_142] : memref<80x128xi32, #tpu.memory_space<vmem>> -> memref<1x128xi32, #tpu.memory_space<vmem>>
    %dma_start3A_144 = tpu.memref_squeeze %dma_start3A_143 : memref<1x128xi32, #tpu.memory_space<vmem>> -> memref<128xi32, #tpu.memory_space<vmem>>
    %dma_start3A_145 = arith.constant 0 : i32
    %dma_start3A_146 = arith.constant 0 : i32
    %dma_start3A_147 = tpu.memref_slice %arg17[%dma_start3A_145, %dma_start3A_146] : memref<10240x16xf32, #tpu.memory_space<vmem_shared>> -> memref<10240x16xf32, #tpu.memory_space<vmem_shared>>
    tpu.enqueue_indirect_dma source(%dma_start3A_147 : memref<10240x16xf32, #tpu.memory_space<vmem_shared>>) target(%dma_start3A_141 : memref<128x16xf32, #tpu.memory_space<vmem>>) offsets(%dma_start3A_144 : memref<128xi32, #tpu.memory_space<vmem>>) semaphore(%arg28 : memref<!tpu.dma_semaphore, #tpu.memory_space<semaphore_mem>>)
    %scan3A_148 = arith.constant 0 : i32
    %scan3A_149 = arith.constant 0 : i32
    %scan3A_150 = arith.constant 9 : i32
    %scan3A_151 = arith.addi %scan3A_149, %scan3A_150 : i32
    %scan3A_152 = arith.constant 1 : i32
    scf.for %scan3A_463 = %scan3A_149 to %scan3A_151 step %scan3A_152  : i32 {
      %mul3A_464 = arith.constant 8 : i32
      %mul3A_465 = arith.muli %scan3A_463, %mul3A_464 : i32
      %add3A_466 = arith.constant 0 : i32
      %add3A_467 = arith.addi %mul3A_465, %add3A_466 : i32
      %dma_wait3A_468 = arith.constant 0 : i32
      %dma_wait3A_469 = arith.constant 0 : i32
      %dma_wait3A_470 = arith.constant 0 : i32
      %dma_wait3A_471 = tpu.memref_slice %arg15[%dma_wait3A_468, %dma_wait3A_469, %dma_wait3A_470] : memref<8x128x16xf32, #tpu.memory_space<vmem>> -> memref<1x128x16xf32, #tpu.memory_space<vmem>>
      %dma_wait3A_472 = tpu.memref_squeeze %dma_wait3A_471 : memref<1x128x16xf32, #tpu.memory_space<vmem>> -> memref<128x16xf32, #tpu.memory_space<vmem>>
      %dma_wait3A_473 = arith.constant 0 : i32
      %dma_wait3A_474 = tpu.memref_slice %arg11[%add3A_467, %dma_wait3A_473] : memref<80x128xi32, #tpu.memory_space<vmem>> -> memref<1x128xi32, #tpu.memory_space<vmem>>
      %dma_wait3A_475 = tpu.memref_squeeze %dma_wait3A_474 : memref<1x128xi32, #tpu.memory_space<vmem>> -> memref<128xi32, #tpu.memory_space<vmem>>
      %dma_wait3A_476 = arith.constant 0 : i32
      %dma_wait3A_477 = arith.constant 0 : i32
      %dma_wait3A_478 = tpu.memref_slice %arg17[%dma_wait3A_476, %dma_wait3A_477] : memref<10240x16xf32, #tpu.memory_space<vmem_shared>> -> memref<10240x16xf32, #tpu.memory_space<vmem_shared>>
      tpu.wait_indirect_dma semaphore(%arg21 : memref<!tpu.dma_semaphore, #tpu.memory_space<semaphore_mem>>) src(%dma_wait3A_478 : memref<10240x16xf32, #tpu.memory_space<vmem_shared>>) dst(%dma_wait3A_472 : memref<128x16xf32, #tpu.memory_space<vmem>>)
      %add3A_479 = arith.addi %mul3A_51, %add3A_467 : i32
      %dma_start3A_480 = arith.constant 0 : i32
      %dma_start3A_481 = arith.constant 0 : i32
      %dma_start3A_482 = arith.constant 0 : i32
      %dma_start3A_483 = tpu.memref_slice %arg15[%dma_start3A_480, %dma_start3A_481, %dma_start3A_482] : memref<8x128x16xf32, #tpu.memory_space<vmem>> -> memref<1x128x16xf32, #tpu.memory_space<vmem>>
      %dma_start3A_484 = tpu.memref_squeeze %dma_start3A_483 : memref<1x128x16xf32, #tpu.memory_space<vmem>> -> memref<128x16xf32, #tpu.memory_space<vmem>>
      %dma_start3A_485 = arith.constant 0 : i32
      %dma_start3A_486 = tpu.memref_slice %arg10[%add3A_479, %dma_start3A_485] : memref<160x128xi32, #tpu.memory_space<vmem>> -> memref<1x128xi32, #tpu.memory_space<vmem>>
      %dma_start3A_487 = tpu.memref_squeeze %dma_start3A_486 : memref<1x128xi32, #tpu.memory_space<vmem>> -> memref<128xi32, #tpu.memory_space<vmem>>
      %dma_start3A_488 = arith.constant 0 : i32
      %dma_start3A_489 = arith.constant 0 : i32
      %dma_start3A_490 = tpu.memref_slice %arg18[%dma_start3A_488, %dma_start3A_489] : memref<10240x16xf32, #tpu.memory_space<vmem_shared>> -> memref<10240x16xf32, #tpu.memory_space<vmem_shared>>
      tpu.enqueue_indirect_dma source(%dma_start3A_484 : memref<128x16xf32, #tpu.memory_space<vmem>>) target(%dma_start3A_490 : memref<10240x16xf32, #tpu.memory_space<vmem_shared>>) offsets(%dma_start3A_487 : memref<128xi32, #tpu.memory_space<vmem>>) semaphore(%arg29 : memref<!tpu.dma_semaphore, #tpu.memory_space<semaphore_mem>>) {add = true}
      %add3A_491 = arith.addi %mul3A_51, %add3A_467 : i32
      %dma_wait3A_492 = arith.constant 0 : i32
      %dma_wait3A_493 = arith.constant 0 : i32
      %dma_wait3A_494 = arith.constant 0 : i32
      %dma_wait3A_495 = tpu.memref_slice %arg15[%dma_wait3A_492, %dma_wait3A_493, %dma_wait3A_494] : memref<8x128x16xf32, #tpu.memory_space<vmem>> -> memref<1x128x16xf32, #tpu.memory_space<vmem>>
      %dma_wait3A_496 = tpu.memref_squeeze %dma_wait3A_495 : memref<1x128x16xf32, #tpu.memory_space<vmem>> -> memref<128x16xf32, #tpu.memory_space<vmem>>
      %dma_wait3A_497 = arith.constant 0 : i32
      %dma_wait3A_498 = tpu.memref_slice %arg10[%add3A_491, %dma_wait3A_497] : memref<160x128xi32, #tpu.memory_space<vmem>> -> memref<1x128xi32, #tpu.memory_space<vmem>>
      %dma_wait3A_499 = tpu.memref_squeeze %dma_wait3A_498 : memref<1x128xi32, #tpu.memory_space<vmem>> -> memref<128xi32, #tpu.memory_space<vmem>>
      %dma_wait3A_500 = arith.constant 0 : i32
      %dma_wait3A_501 = arith.constant 0 : i32
      %dma_wait3A_502 = tpu.memref_slice %arg18[%dma_wait3A_500, %dma_wait3A_501] : memref<10240x16xf32, #tpu.memory_space<vmem_shared>> -> memref<10240x16xf32, #tpu.memory_space<vmem_shared>>
      tpu.wait_indirect_dma semaphore(%arg29 : memref<!tpu.dma_semaphore, #tpu.memory_space<semaphore_mem>>) src(%dma_wait3A_496 : memref<128x16xf32, #tpu.memory_space<vmem>>) dst(%dma_wait3A_502 : memref<10240x16xf32, #tpu.memory_space<vmem_shared>>)
      %add3A_503 = arith.constant 8 : i32
      %add3A_504 = arith.addi %add3A_467, %add3A_503 : i32
      %dma_start3A_505 = arith.constant 0 : i32
      %dma_start3A_506 = arith.constant 0 : i32
      %dma_start3A_507 = arith.constant 0 : i32
      %dma_start3A_508 = tpu.memref_slice %arg15[%dma_start3A_505, %dma_start3A_506, %dma_start3A_507] : memref<8x128x16xf32, #tpu.memory_space<vmem>> -> memref<1x128x16xf32, #tpu.memory_space<vmem>>
      %dma_start3A_509 = tpu.memref_squeeze %dma_start3A_508 : memref<1x128x16xf32, #tpu.memory_space<vmem>> -> memref<128x16xf32, #tpu.memory_space<vmem>>
      %dma_start3A_510 = arith.constant 0 : i32
      %dma_start3A_511 = tpu.memref_slice %arg11[%add3A_504, %dma_start3A_510] : memref<80x128xi32, #tpu.memory_space<vmem>> -> memref<1x128xi32, #tpu.memory_space<vmem>>
      %dma_start3A_512 = tpu.memref_squeeze %dma_start3A_511 : memref<1x128xi32, #tpu.memory_space<vmem>> -> memref<128xi32, #tpu.memory_space<vmem>>
      %dma_start3A_513 = arith.constant 0 : i32
      %dma_start3A_514 = arith.constant 0 : i32
      %dma_start3A_515 = tpu.memref_slice %arg17[%dma_start3A_513, %dma_start3A_514] : memref<10240x16xf32, #tpu.memory_space<vmem_shared>> -> memref<10240x16xf32, #tpu.memory_space<vmem_shared>>
      tpu.enqueue_indirect_dma source(%dma_start3A_515 : memref<10240x16xf32, #tpu.memory_space<vmem_shared>>) target(%dma_start3A_509 : memref<128x16xf32, #tpu.memory_space<vmem>>) offsets(%dma_start3A_512 : memref<128xi32, #tpu.memory_space<vmem>>) semaphore(%arg21 : memref<!tpu.dma_semaphore, #tpu.memory_space<semaphore_mem>>)
      %mul3A_516 = arith.constant 8 : i32
      %mul3A_517 = arith.muli %scan3A_463, %mul3A_516 : i32
      %add3A_518 = arith.constant 1 : i32
      %add3A_519 = arith.addi %mul3A_517, %add3A_518 : i32
      %dma_wait3A_520 = arith.constant 1 : i32
      %dma_wait3A_521 = arith.constant 0 : i32
      %dma_wait3A_522 = arith.constant 0 : i32
      %dma_wait3A_523 = tpu.memref_slice %arg15[%dma_wait3A_520, %dma_wait3A_521, %dma_wait3A_522] : memref<8x128x16xf32, #tpu.memory_space<vmem>> -> memref<1x128x16xf32, #tpu.memory_space<vmem>>
      %dma_wait3A_524 = tpu.memref_squeeze %dma_wait3A_523 : memref<1x128x16xf32, #tpu.memory_space<vmem>> -> memref<128x16xf32, #tpu.memory_space<vmem>>
      %dma_wait3A_525 = arith.constant 0 : i32
      %dma_wait3A_526 = tpu.memref_slice %arg11[%add3A_519, %dma_wait3A_525] : memref<80x128xi32, #tpu.memory_space<vmem>> -> memref<1x128xi32, #tpu.memory_space<vmem>>
      %dma_wait3A_527 = tpu.memref_squeeze %dma_wait3A_526 : memref<1x128xi32, #tpu.memory_space<vmem>> -> memref<128xi32, #tpu.memory_space<vmem>>
      %dma_wait3A_528 = arith.constant 0 : i32
      %dma_wait3A_529 = arith.constant 0 : i32
      %dma_wait3A_530 = tpu.memref_slice %arg17[%dma_wait3A_528, %dma_wait3A_529] : memref<10240x16xf32, #tpu.memory_space<vmem_shared>> -> memref<10240x16xf32, #tpu.memory_space<vmem_shared>>
      tpu.wait_indirect_dma semaphore(%arg22 : memref<!tpu.dma_semaphore, #tpu.memory_space<semaphore_mem>>) src(%dma_wait3A_530 : memref<10240x16xf32, #tpu.memory_space<vmem_shared>>) dst(%dma_wait3A_524 : memref<128x16xf32, #tpu.memory_space<vmem>>)
      %add3A_531 = arith.addi %mul3A_51, %add3A_519 : i32
      %dma_start3A_532 = arith.constant 1 : i32
      %dma_start3A_533 = arith.constant 0 : i32
      %dma_start3A_534 = arith.constant 0 : i32
      %dma_start3A_535 = tpu.memref_slice %arg15[%dma_start3A_532, %dma_start3A_533, %dma_start3A_534] : memref<8x128x16xf32, #tpu.memory_space<vmem>> -> memref<1x128x16xf32, #tpu.memory_space<vmem>>
      %dma_start3A_536 = tpu.memref_squeeze %dma_start3A_535 : memref<1x128x16xf32, #tpu.memory_space<vmem>> -> memref<128x16xf32, #tpu.memory_space<vmem>>
      %dma_start3A_537 = arith.constant 0 : i32
      %dma_start3A_538 = tpu.memref_slice %arg10[%add3A_531, %dma_start3A_537] : memref<160x128xi32, #tpu.memory_space<vmem>> -> memref<1x128xi32, #tpu.memory_space<vmem>>
      %dma_start3A_539 = tpu.memref_squeeze %dma_start3A_538 : memref<1x128xi32, #tpu.memory_space<vmem>> -> memref<128xi32, #tpu.memory_space<vmem>>
      %dma_start3A_540 = arith.constant 0 : i32
      %dma_start3A_541 = arith.constant 0 : i32
      %dma_start3A_542 = tpu.memref_slice %arg18[%dma_start3A_540, %dma_start3A_541] : memref<10240x16xf32, #tpu.memory_space<vmem_shared>> -> memref<10240x16xf32, #tpu.memory_space<vmem_shared>>
      tpu.enqueue_indirect_dma source(%dma_start3A_536 : memref<128x16xf32, #tpu.memory_space<vmem>>) target(%dma_start3A_542 : memref<10240x16xf32, #tpu.memory_space<vmem_shared>>) offsets(%dma_start3A_539 : memref<128xi32, #tpu.memory_space<vmem>>) semaphore(%arg30 : memref<!tpu.dma_semaphore, #tpu.memory_space<semaphore_mem>>) {add = true}
      %add3A_543 = arith.addi %mul3A_51, %add3A_519 : i32
      %dma_wait3A_544 = arith.constant 1 : i32
      %dma_wait3A_545 = arith.constant 0 : i32
      %dma_wait3A_546 = arith.constant 0 : i32
      %dma_wait3A_547 = tpu.memref_slice %arg15[%dma_wait3A_544, %dma_wait3A_545, %dma_wait3A_546] : memref<8x128x16xf32, #tpu.memory_space<vmem>> -> memref<1x128x16xf32, #tpu.memory_space<vmem>>
      %dma_wait3A_548 = tpu.memref_squeeze %dma_wait3A_547 : memref<1x128x16xf32, #tpu.memory_space<vmem>> -> memref<128x16xf32, #tpu.memory_space<vmem>>
      %dma_wait3A_549 = arith.constant 0 : i32
      %dma_wait3A_550 = tpu.memref_slice %arg10[%add3A_543, %dma_wait3A_549] : memref<160x128xi32, #tpu.memory_space<vmem>> -> memref<1x128xi32, #tpu.memory_space<vmem>>
      %dma_wait3A_551 = tpu.memref_squeeze %dma_wait3A_550 : memref<1x128xi32, #tpu.memory_space<vmem>> -> memref<128xi32, #tpu.memory_space<vmem>>
      %dma_wait3A_552 = arith.constant 0 : i32
      %dma_wait3A_553 = arith.constant 0 : i32
      %dma_wait3A_554 = tpu.memref_slice %arg18[%dma_wait3A_552, %dma_wait3A_553] : memref<10240x16xf32, #tpu.memory_space<vmem_shared>> -> memref<10240x16xf32, #tpu.memory_space<vmem_shared>>
      tpu.wait_indirect_dma semaphore(%arg30 : memref<!tpu.dma_semaphore, #tpu.memory_space<semaphore_mem>>) src(%dma_wait3A_548 : memref<128x16xf32, #tpu.memory_space<vmem>>) dst(%dma_wait3A_554 : memref<10240x16xf32, #tpu.memory_space<vmem_shared>>)
      %add3A_555 = arith.constant 8 : i32
      %add3A_556 = arith.addi %add3A_519, %add3A_555 : i32
      %dma_start3A_557 = arith.constant 1 : i32
      %dma_start3A_558 = arith.constant 0 : i32
      %dma_start3A_559 = arith.constant 0 : i32
      %dma_start3A_560 = tpu.memref_slice %arg15[%dma_start3A_557, %dma_start3A_558, %dma_start3A_559] : memref<8x128x16xf32, #tpu.memory_space<vmem>> -> memref<1x128x16xf32, #tpu.memory_space<vmem>>
      %dma_start3A_561 = tpu.memref_squeeze %dma_start3A_560 : memref<1x128x16xf32, #tpu.memory_space<vmem>> -> memref<128x16xf32, #tpu.memory_space<vmem>>
      %dma_start3A_562 = arith.constant 0 : i32
      %dma_start3A_563 = tpu.memref_slice %arg11[%add3A_556, %dma_start3A_562] : memref<80x128xi32, #tpu.memory_space<vmem>> -> memref<1x128xi32, #tpu.memory_space<vmem>>
      %dma_start3A_564 = tpu.memref_squeeze %dma_start3A_563 : memref<1x128xi32, #tpu.memory_space<vmem>> -> memref<128xi32, #tpu.memory_space<vmem>>
      %dma_start3A_565 = arith.constant 0 : i32
      %dma_start3A_566 = arith.constant 0 : i32
      %dma_start3A_567 = tpu.memref_slice %arg17[%dma_start3A_565, %dma_start3A_566] : memref<10240x16xf32, #tpu.memory_space<vmem_shared>> -> memref<10240x16xf32, #tpu.memory_space<vmem_shared>>
      tpu.enqueue_indirect_dma source(%dma_start3A_567 : memref<10240x16xf32, #tpu.memory_space<vmem_shared>>) target(%dma_start3A_561 : memref<128x16xf32, #tpu.memory_space<vmem>>) offsets(%dma_start3A_564 : memref<128xi32, #tpu.memory_space<vmem>>) semaphore(%arg22 : memref<!tpu.dma_semaphore, #tpu.memory_space<semaphore_mem>>)
      %mul3A_568 = arith.constant 8 : i32
      %mul3A_569 = arith.muli %scan3A_463, %mul3A_568 : i32
      %add3A_570 = arith.constant 2 : i32
      %add3A_571 = arith.addi %mul3A_569, %add3A_570 : i32
      %dma_wait3A_572 = arith.constant 2 : i32
      %dma_wait3A_573 = arith.constant 0 : i32
      %dma_wait3A_574 = arith.constant 0 : i32
      %dma_wait3A_575 = tpu.memref_slice %arg15[%dma_wait3A_572, %dma_wait3A_573, %dma_wait3A_574] : memref<8x128x16xf32, #tpu.memory_space<vmem>> -> memref<1x128x16xf32, #tpu.memory_space<vmem>>
      %dma_wait3A_576 = tpu.memref_squeeze %dma_wait3A_575 : memref<1x128x16xf32, #tpu.memory_space<vmem>> -> memref<128x16xf32, #tpu.memory_space<vmem>>
      %dma_wait3A_577 = arith.constant 0 : i32
      %dma_wait3A_578 = tpu.memref_slice %arg11[%add3A_571, %dma_wait3A_577] : memref<80x128xi32, #tpu.memory_space<vmem>> -> memref<1x128xi32, #tpu.memory_space<vmem>>
      %dma_wait3A_579 = tpu.memref_squeeze %dma_wait3A_578 : memref<1x128xi32, #tpu.memory_space<vmem>> -> memref<128xi32, #tpu.memory_space<vmem>>
      %dma_wait3A_580 = arith.constant 0 : i32
      %dma_wait3A_581 = arith.constant 0 : i32
      %dma_wait3A_582 = tpu.memref_slice %arg17[%dma_wait3A_580, %dma_wait3A_581] : memref<10240x16xf32, #tpu.memory_space<vmem_shared>> -> memref<10240x16xf32, #tpu.memory_space<vmem_shared>>
      tpu.wait_indirect_dma semaphore(%arg23 : memref<!tpu.dma_semaphore, #tpu.memory_space<semaphore_mem>>) src(%dma_wait3A_582 : memref<10240x16xf32, #tpu.memory_space<vmem_shared>>) dst(%dma_wait3A_576 : memref<128x16xf32, #tpu.memory_space<vmem>>)
      %add3A_583 = arith.addi %mul3A_51, %add3A_571 : i32
      %dma_start3A_584 = arith.constant 2 : i32
      %dma_start3A_585 = arith.constant 0 : i32
      %dma_start3A_586 = arith.constant 0 : i32
      %dma_start3A_587 = tpu.memref_slice %arg15[%dma_start3A_584, %dma_start3A_585, %dma_start3A_586] : memref<8x128x16xf32, #tpu.memory_space<vmem>> -> memref<1x128x16xf32, #tpu.memory_space<vmem>>
      %dma_start3A_588 = tpu.memref_squeeze %dma_start3A_587 : memref<1x128x16xf32, #tpu.memory_space<vmem>> -> memref<128x16xf32, #tpu.memory_space<vmem>>
      %dma_start3A_589 = arith.constant 0 : i32
      %dma_start3A_590 = tpu.memref_slice %arg10[%add3A_583, %dma_start3A_589] : memref<160x128xi32, #tpu.memory_space<vmem>> -> memref<1x128xi32, #tpu.memory_space<vmem>>
      %dma_start3A_591 = tpu.memref_squeeze %dma_start3A_590 : memref<1x128xi32, #tpu.memory_space<vmem>> -> memref<128xi32, #tpu.memory_space<vmem>>
      %dma_start3A_592 = arith.constant 0 : i32
      %dma_start3A_593 = arith.constant 0 : i32
      %dma_start3A_594 = tpu.memref_slice %arg18[%dma_start3A_592, %dma_start3A_593] : memref<10240x16xf32, #tpu.memory_space<vmem_shared>> -> memref<10240x16xf32, #tpu.memory_space<vmem_shared>>
      tpu.enqueue_indirect_dma source(%dma_start3A_588 : memref<128x16xf32, #tpu.memory_space<vmem>>) target(%dma_start3A_594 : memref<10240x16xf32, #tpu.memory_space<vmem_shared>>) offsets(%dma_start3A_591 : memref<128xi32, #tpu.memory_space<vmem>>) semaphore(%arg31 : memref<!tpu.dma_semaphore, #tpu.memory_space<semaphore_mem>>) {add = true}
      %add3A_595 = arith.addi %mul3A_51, %add3A_571 : i32
      %dma_wait3A_596 = arith.constant 2 : i32
      %dma_wait3A_597 = arith.constant 0 : i32
      %dma_wait3A_598 = arith.constant 0 : i32
      %dma_wait3A_599 = tpu.memref_slice %arg15[%dma_wait3A_596, %dma_wait3A_597, %dma_wait3A_598] : memref<8x128x16xf32, #tpu.memory_space<vmem>> -> memref<1x128x16xf32, #tpu.memory_space<vmem>>
      %dma_wait3A_600 = tpu.memref_squeeze %dma_wait3A_599 : memref<1x128x16xf32, #tpu.memory_space<vmem>> -> memref<128x16xf32, #tpu.memory_space<vmem>>
      %dma_wait3A_601 = arith.constant 0 : i32
      %dma_wait3A_602 = tpu.memref_slice %arg10[%add3A_595, %dma_wait3A_601] : memref<160x128xi32, #tpu.memory_space<vmem>> -> memref<1x128xi32, #tpu.memory_space<vmem>>
      %dma_wait3A_603 = tpu.memref_squeeze %dma_wait3A_602 : memref<1x128xi32, #tpu.memory_space<vmem>> -> memref<128xi32, #tpu.memory_space<vmem>>
      %dma_wait3A_604 = arith.constant 0 : i32
      %dma_wait3A_605 = arith.constant 0 : i32
      %dma_wait3A_606 = tpu.memref_slice %arg18[%dma_wait3A_604, %dma_wait3A_605] : memref<10240x16xf32, #tpu.memory_space<vmem_shared>> -> memref<10240x16xf32, #tpu.memory_space<vmem_shared>>
      tpu.wait_indirect_dma semaphore(%arg31 : memref<!tpu.dma_semaphore, #tpu.memory_space<semaphore_mem>>) src(%dma_wait3A_600 : memref<128x16xf32, #tpu.memory_space<vmem>>) dst(%dma_wait3A_606 : memref<10240x16xf32, #tpu.memory_space<vmem_shared>>)
      %add3A_607 = arith.constant 8 : i32
      %add3A_608 = arith.addi %add3A_571, %add3A_607 : i32
      %dma_start3A_609 = arith.constant 2 : i32
      %dma_start3A_610 = arith.constant 0 : i32
      %dma_start3A_611 = arith.constant 0 : i32
      %dma_start3A_612 = tpu.memref_slice %arg15[%dma_start3A_609, %dma_start3A_610, %dma_start3A_611] : memref<8x128x16xf32, #tpu.memory_space<vmem>> -> memref<1x128x16xf32, #tpu.memory_space<vmem>>
      %dma_start3A_613 = tpu.memref_squeeze %dma_start3A_612 : memref<1x128x16xf32, #tpu.memory_space<vmem>> -> memref<128x16xf32, #tpu.memory_space<vmem>>
      %dma_start3A_614 = arith.constant 0 : i32
      %dma_start3A_615 = tpu.memref_slice %arg11[%add3A_608, %dma_start3A_614] : memref<80x128xi32, #tpu.memory_space<vmem>> -> memref<1x128xi32, #tpu.memory_space<vmem>>
      %dma_start3A_616 = tpu.memref_squeeze %dma_start3A_615 : memref<1x128xi32, #tpu.memory_space<vmem>> -> memref<128xi32, #tpu.memory_space<vmem>>
      %dma_start3A_617 = arith.constant 0 : i32
      %dma_start3A_618 = arith.constant 0 : i32
      %dma_start3A_619 = tpu.memref_slice %arg17[%dma_start3A_617, %dma_start3A_618] : memref<10240x16xf32, #tpu.memory_space<vmem_shared>> -> memref<10240x16xf32, #tpu.memory_space<vmem_shared>>
      tpu.enqueue_indirect_dma source(%dma_start3A_619 : memref<10240x16xf32, #tpu.memory_space<vmem_shared>>) target(%dma_start3A_613 : memref<128x16xf32, #tpu.memory_space<vmem>>) offsets(%dma_start3A_616 : memref<128xi32, #tpu.memory_space<vmem>>) semaphore(%arg23 : memref<!tpu.dma_semaphore, #tpu.memory_space<semaphore_mem>>)
      %mul3A_620 = arith.constant 8 : i32
      %mul3A_621 = arith.muli %scan3A_463, %mul3A_620 : i32
      %add3A_622 = arith.constant 3 : i32
      %add3A_623 = arith.addi %mul3A_621, %add3A_622 : i32
      %dma_wait3A_624 = arith.constant 3 : i32
      %dma_wait3A_625 = arith.constant 0 : i32
      %dma_wait3A_626 = arith.constant 0 : i32
      %dma_wait3A_627 = tpu.memref_slice %arg15[%dma_wait3A_624, %dma_wait3A_625, %dma_wait3A_626] : memref<8x128x16xf32, #tpu.memory_space<vmem>> -> memref<1x128x16xf32, #tpu.memory_space<vmem>>
      %dma_wait3A_628 = tpu.memref_squeeze %dma_wait3A_627 : memref<1x128x16xf32, #tpu.memory_space<vmem>> -> memref<128x16xf32, #tpu.memory_space<vmem>>
      %dma_wait3A_629 = arith.constant 0 : i32
      %dma_wait3A_630 = tpu.memref_slice %arg11[%add3A_623, %dma_wait3A_629] : memref<80x128xi32, #tpu.memory_space<vmem>> -> memref<1x128xi32, #tpu.memory_space<vmem>>
      %dma_wait3A_631 = tpu.memref_squeeze %dma_wait3A_630 : memref<1x128xi32, #tpu.memory_space<vmem>> -> memref<128xi32, #tpu.memory_space<vmem>>
      %dma_wait3A_632 = arith.constant 0 : i32
      %dma_wait3A_633 = arith.constant 0 : i32
      %dma_wait3A_634 = tpu.memref_slice %arg17[%dma_wait3A_632, %dma_wait3A_633] : memref<10240x16xf32, #tpu.memory_space<vmem_shared>> -> memref<10240x16xf32, #tpu.memory_space<vmem_shared>>
      tpu.wait_indirect_dma semaphore(%arg24 : memref<!tpu.dma_semaphore, #tpu.memory_space<semaphore_mem>>) src(%dma_wait3A_634 : memref<10240x16xf32, #tpu.memory_space<vmem_shared>>) dst(%dma_wait3A_628 : memref<128x16xf32, #tpu.memory_space<vmem>>)
      %add3A_635 = arith.addi %mul3A_51, %add3A_623 : i32
      %dma_start3A_636 = arith.constant 3 : i32
      %dma_start3A_637 = arith.constant 0 : i32
      %dma_start3A_638 = arith.constant 0 : i32
      %dma_start3A_639 = tpu.memref_slice %arg15[%dma_start3A_636, %dma_start3A_637, %dma_start3A_638] : memref<8x128x16xf32, #tpu.memory_space<vmem>> -> memref<1x128x16xf32, #tpu.memory_space<vmem>>
      %dma_start3A_640 = tpu.memref_squeeze %dma_start3A_639 : memref<1x128x16xf32, #tpu.memory_space<vmem>> -> memref<128x16xf32, #tpu.memory_space<vmem>>
      %dma_start3A_641 = arith.constant 0 : i32
      %dma_start3A_642 = tpu.memref_slice %arg10[%add3A_635, %dma_start3A_641] : memref<160x128xi32, #tpu.memory_space<vmem>> -> memref<1x128xi32, #tpu.memory_space<vmem>>
      %dma_start3A_643 = tpu.memref_squeeze %dma_start3A_642 : memref<1x128xi32, #tpu.memory_space<vmem>> -> memref<128xi32, #tpu.memory_space<vmem>>
      %dma_start3A_644 = arith.constant 0 : i32
      %dma_start3A_645 = arith.constant 0 : i32
      %dma_start3A_646 = tpu.memref_slice %arg18[%dma_start3A_644, %dma_start3A_645] : memref<10240x16xf32, #tpu.memory_space<vmem_shared>> -> memref<10240x16xf32, #tpu.memory_space<vmem_shared>>
      tpu.enqueue_indirect_dma source(%dma_start3A_640 : memref<128x16xf32, #tpu.memory_space<vmem>>) target(%dma_start3A_646 : memref<10240x16xf32, #tpu.memory_space<vmem_shared>>) offsets(%dma_start3A_643 : memref<128xi32, #tpu.memory_space<vmem>>) semaphore(%arg32 : memref<!tpu.dma_semaphore, #tpu.memory_space<semaphore_mem>>) {add = true}
      %add3A_647 = arith.addi %mul3A_51, %add3A_623 : i32
      %dma_wait3A_648 = arith.constant 3 : i32
      %dma_wait3A_649 = arith.constant 0 : i32
      %dma_wait3A_650 = arith.constant 0 : i32
      %dma_wait3A_651 = tpu.memref_slice %arg15[%dma_wait3A_648, %dma_wait3A_649, %dma_wait3A_650] : memref<8x128x16xf32, #tpu.memory_space<vmem>> -> memref<1x128x16xf32, #tpu.memory_space<vmem>>
      %dma_wait3A_652 = tpu.memref_squeeze %dma_wait3A_651 : memref<1x128x16xf32, #tpu.memory_space<vmem>> -> memref<128x16xf32, #tpu.memory_space<vmem>>
      %dma_wait3A_653 = arith.constant 0 : i32
      %dma_wait3A_654 = tpu.memref_slice %arg10[%add3A_647, %dma_wait3A_653] : memref<160x128xi32, #tpu.memory_space<vmem>> -> memref<1x128xi32, #tpu.memory_space<vmem>>
      %dma_wait3A_655 = tpu.memref_squeeze %dma_wait3A_654 : memref<1x128xi32, #tpu.memory_space<vmem>> -> memref<128xi32, #tpu.memory_space<vmem>>
      %dma_wait3A_656 = arith.constant 0 : i32
      %dma_wait3A_657 = arith.constant 0 : i32
      %dma_wait3A_658 = tpu.memref_slice %arg18[%dma_wait3A_656, %dma_wait3A_657] : memref<10240x16xf32, #tpu.memory_space<vmem_shared>> -> memref<10240x16xf32, #tpu.memory_space<vmem_shared>>
      tpu.wait_indirect_dma semaphore(%arg32 : memref<!tpu.dma_semaphore, #tpu.memory_space<semaphore_mem>>) src(%dma_wait3A_652 : memref<128x16xf32, #tpu.memory_space<vmem>>) dst(%dma_wait3A_658 : memref<10240x16xf32, #tpu.memory_space<vmem_shared>>)
      %add3A_659 = arith.constant 8 : i32
      %add3A_660 = arith.addi %add3A_623, %add3A_659 : i32
      %dma_start3A_661 = arith.constant 3 : i32
      %dma_start3A_662 = arith.constant 0 : i32
      %dma_start3A_663 = arith.constant 0 : i32
      %dma_start3A_664 = tpu.memref_slice %arg15[%dma_start3A_661, %dma_start3A_662, %dma_start3A_663] : memref<8x128x16xf32, #tpu.memory_space<vmem>> -> memref<1x128x16xf32, #tpu.memory_space<vmem>>
      %dma_start3A_665 = tpu.memref_squeeze %dma_start3A_664 : memref<1x128x16xf32, #tpu.memory_space<vmem>> -> memref<128x16xf32, #tpu.memory_space<vmem>>
      %dma_start3A_666 = arith.constant 0 : i32
      %dma_start3A_667 = tpu.memref_slice %arg11[%add3A_660, %dma_start3A_666] : memref<80x128xi32, #tpu.memory_space<vmem>> -> memref<1x128xi32, #tpu.memory_space<vmem>>
      %dma_start3A_668 = tpu.memref_squeeze %dma_start3A_667 : memref<1x128xi32, #tpu.memory_space<vmem>> -> memref<128xi32, #tpu.memory_space<vmem>>
      %dma_start3A_669 = arith.constant 0 : i32
      %dma_start3A_670 = arith.constant 0 : i32
      %dma_start3A_671 = tpu.memref_slice %arg17[%dma_start3A_669, %dma_start3A_670] : memref<10240x16xf32, #tpu.memory_space<vmem_shared>> -> memref<10240x16xf32, #tpu.memory_space<vmem_shared>>
      tpu.enqueue_indirect_dma source(%dma_start3A_671 : memref<10240x16xf32, #tpu.memory_space<vmem_shared>>) target(%dma_start3A_665 : memref<128x16xf32, #tpu.memory_space<vmem>>) offsets(%dma_start3A_668 : memref<128xi32, #tpu.memory_space<vmem>>) semaphore(%arg24 : memref<!tpu.dma_semaphore, #tpu.memory_space<semaphore_mem>>)
      %mul3A_672 = arith.constant 8 : i32
      %mul3A_673 = arith.muli %scan3A_463, %mul3A_672 : i32
      %add3A_674 = arith.constant 4 : i32
      %add3A_675 = arith.addi %mul3A_673, %add3A_674 : i32
      %dma_wait3A_676 = arith.constant 4 : i32
      %dma_wait3A_677 = arith.constant 0 : i32
      %dma_wait3A_678 = arith.constant 0 : i32
      %dma_wait3A_679 = tpu.memref_slice %arg15[%dma_wait3A_676, %dma_wait3A_677, %dma_wait3A_678] : memref<8x128x16xf32, #tpu.memory_space<vmem>> -> memref<1x128x16xf32, #tpu.memory_space<vmem>>
      %dma_wait3A_680 = tpu.memref_squeeze %dma_wait3A_679 : memref<1x128x16xf32, #tpu.memory_space<vmem>> -> memref<128x16xf32, #tpu.memory_space<vmem>>
      %dma_wait3A_681 = arith.constant 0 : i32
      %dma_wait3A_682 = tpu.memref_slice %arg11[%add3A_675, %dma_wait3A_681] : memref<80x128xi32, #tpu.memory_space<vmem>> -> memref<1x128xi32, #tpu.memory_space<vmem>>
      %dma_wait3A_683 = tpu.memref_squeeze %dma_wait3A_682 : memref<1x128xi32, #tpu.memory_space<vmem>> -> memref<128xi32, #tpu.memory_space<vmem>>
      %dma_wait3A_684 = arith.constant 0 : i32
      %dma_wait3A_685 = arith.constant 0 : i32
      %dma_wait3A_686 = tpu.memref_slice %arg17[%dma_wait3A_684, %dma_wait3A_685] : memref<10240x16xf32, #tpu.memory_space<vmem_shared>> -> memref<10240x16xf32, #tpu.memory_space<vmem_shared>>
      tpu.wait_indirect_dma semaphore(%arg25 : memref<!tpu.dma_semaphore, #tpu.memory_space<semaphore_mem>>) src(%dma_wait3A_686 : memref<10240x16xf32, #tpu.memory_space<vmem_shared>>) dst(%dma_wait3A_680 : memref<128x16xf32, #tpu.memory_space<vmem>>)
      %add3A_687 = arith.addi %mul3A_51, %add3A_675 : i32
      %dma_start3A_688 = arith.constant 4 : i32
      %dma_start3A_689 = arith.constant 0 : i32
      %dma_start3A_690 = arith.constant 0 : i32
      %dma_start3A_691 = tpu.memref_slice %arg15[%dma_start3A_688, %dma_start3A_689, %dma_start3A_690] : memref<8x128x16xf32, #tpu.memory_space<vmem>> -> memref<1x128x16xf32, #tpu.memory_space<vmem>>
      %dma_start3A_692 = tpu.memref_squeeze %dma_start3A_691 : memref<1x128x16xf32, #tpu.memory_space<vmem>> -> memref<128x16xf32, #tpu.memory_space<vmem>>
      %dma_start3A_693 = arith.constant 0 : i32
      %dma_start3A_694 = tpu.memref_slice %arg10[%add3A_687, %dma_start3A_693] : memref<160x128xi32, #tpu.memory_space<vmem>> -> memref<1x128xi32, #tpu.memory_space<vmem>>
      %dma_start3A_695 = tpu.memref_squeeze %dma_start3A_694 : memref<1x128xi32, #tpu.memory_space<vmem>> -> memref<128xi32, #tpu.memory_space<vmem>>
      %dma_start3A_696 = arith.constant 0 : i32
      %dma_start3A_697 = arith.constant 0 : i32
      %dma_start3A_698 = tpu.memref_slice %arg18[%dma_start3A_696, %dma_start3A_697] : memref<10240x16xf32, #tpu.memory_space<vmem_shared>> -> memref<10240x16xf32, #tpu.memory_space<vmem_shared>>
      tpu.enqueue_indirect_dma source(%dma_start3A_692 : memref<128x16xf32, #tpu.memory_space<vmem>>) target(%dma_start3A_698 : memref<10240x16xf32, #tpu.memory_space<vmem_shared>>) offsets(%dma_start3A_695 : memref<128xi32, #tpu.memory_space<vmem>>) semaphore(%arg33 : memref<!tpu.dma_semaphore, #tpu.memory_space<semaphore_mem>>) {add = true}
      %add3A_699 = arith.addi %mul3A_51, %add3A_675 : i32
      %dma_wait3A_700 = arith.constant 4 : i32
      %dma_wait3A_701 = arith.constant 0 : i32
      %dma_wait3A_702 = arith.constant 0 : i32
      %dma_wait3A_703 = tpu.memref_slice %arg15[%dma_wait3A_700, %dma_wait3A_701, %dma_wait3A_702] : memref<8x128x16xf32, #tpu.memory_space<vmem>> -> memref<1x128x16xf32, #tpu.memory_space<vmem>>
      %dma_wait3A_704 = tpu.memref_squeeze %dma_wait3A_703 : memref<1x128x16xf32, #tpu.memory_space<vmem>> -> memref<128x16xf32, #tpu.memory_space<vmem>>
      %dma_wait3A_705 = arith.constant 0 : i32
      %dma_wait3A_706 = tpu.memref_slice %arg10[%add3A_699, %dma_wait3A_705] : memref<160x128xi32, #tpu.memory_space<vmem>> -> memref<1x128xi32, #tpu.memory_space<vmem>>
      %dma_wait3A_707 = tpu.memref_squeeze %dma_wait3A_706 : memref<1x128xi32, #tpu.memory_space<vmem>> -> memref<128xi32, #tpu.memory_space<vmem>>
      %dma_wait3A_708 = arith.constant 0 : i32
      %dma_wait3A_709 = arith.constant 0 : i32
      %dma_wait3A_710 = tpu.memref_slice %arg18[%dma_wait3A_708, %dma_wait3A_709] : memref<10240x16xf32, #tpu.memory_space<vmem_shared>> -> memref<10240x16xf32, #tpu.memory_space<vmem_shared>>
      tpu.wait_indirect_dma semaphore(%arg33 : memref<!tpu.dma_semaphore, #tpu.memory_space<semaphore_mem>>) src(%dma_wait3A_704 : memref<128x16xf32, #tpu.memory_space<vmem>>) dst(%dma_wait3A_710 : memref<10240x16xf32, #tpu.memory_space<vmem_shared>>)
      %add3A_711 = arith.constant 8 : i32
      %add3A_712 = arith.addi %add3A_675, %add3A_711 : i32
      %dma_start3A_713 = arith.constant 4 : i32
      %dma_start3A_714 = arith.constant 0 : i32
      %dma_start3A_715 = arith.constant 0 : i32
      %dma_start3A_716 = tpu.memref_slice %arg15[%dma_start3A_713, %dma_start3A_714, %dma_start3A_715] : memref<8x128x16xf32, #tpu.memory_space<vmem>> -> memref<1x128x16xf32, #tpu.memory_space<vmem>>
      %dma_start3A_717 = tpu.memref_squeeze %dma_start3A_716 : memref<1x128x16xf32, #tpu.memory_space<vmem>> -> memref<128x16xf32, #tpu.memory_space<vmem>>
      %dma_start3A_718 = arith.constant 0 : i32
      %dma_start3A_719 = tpu.memref_slice %arg11[%add3A_712, %dma_start3A_718] : memref<80x128xi32, #tpu.memory_space<vmem>> -> memref<1x128xi32, #tpu.memory_space<vmem>>
      %dma_start3A_720 = tpu.memref_squeeze %dma_start3A_719 : memref<1x128xi32, #tpu.memory_space<vmem>> -> memref<128xi32, #tpu.memory_space<vmem>>
      %dma_start3A_721 = arith.constant 0 : i32
      %dma_start3A_722 = arith.constant 0 : i32
      %dma_start3A_723 = tpu.memref_slice %arg17[%dma_start3A_721, %dma_start3A_722] : memref<10240x16xf32, #tpu.memory_space<vmem_shared>> -> memref<10240x16xf32, #tpu.memory_space<vmem_shared>>
      tpu.enqueue_indirect_dma source(%dma_start3A_723 : memref<10240x16xf32, #tpu.memory_space<vmem_shared>>) target(%dma_start3A_717 : memref<128x16xf32, #tpu.memory_space<vmem>>) offsets(%dma_start3A_720 : memref<128xi32, #tpu.memory_space<vmem>>) semaphore(%arg25 : memref<!tpu.dma_semaphore, #tpu.memory_space<semaphore_mem>>)
      %mul3A_724 = arith.constant 8 : i32
      %mul3A_725 = arith.muli %scan3A_463, %mul3A_724 : i32
      %add3A_726 = arith.constant 5 : i32
      %add3A_727 = arith.addi %mul3A_725, %add3A_726 : i32
      %dma_wait3A_728 = arith.constant 5 : i32
      %dma_wait3A_729 = arith.constant 0 : i32
      %dma_wait3A_730 = arith.constant 0 : i32
      %dma_wait3A_731 = tpu.memref_slice %arg15[%dma_wait3A_728, %dma_wait3A_729, %dma_wait3A_730] : memref<8x128x16xf32, #tpu.memory_space<vmem>> -> memref<1x128x16xf32, #tpu.memory_space<vmem>>
      %dma_wait3A_732 = tpu.memref_squeeze %dma_wait3A_731 : memref<1x128x16xf32, #tpu.memory_space<vmem>> -> memref<128x16xf32, #tpu.memory_space<vmem>>
      %dma_wait3A_733 = arith.constant 0 : i32
      %dma_wait3A_734 = tpu.memref_slice %arg11[%add3A_727, %dma_wait3A_733] : memref<80x128xi32, #tpu.memory_space<vmem>> -> memref<1x128xi32, #tpu.memory_space<vmem>>
      %dma_wait3A_735 = tpu.memref_squeeze %dma_wait3A_734 : memref<1x128xi32, #tpu.memory_space<vmem>> -> memref<128xi32, #tpu.memory_space<vmem>>
      %dma_wait3A_736 = arith.constant 0 : i32
      %dma_wait3A_737 = arith.constant 0 : i32
      %dma_wait3A_738 = tpu.memref_slice %arg17[%dma_wait3A_736, %dma_wait3A_737] : memref<10240x16xf32, #tpu.memory_space<vmem_shared>> -> memref<10240x16xf32, #tpu.memory_space<vmem_shared>>
      tpu.wait_indirect_dma semaphore(%arg26 : memref<!tpu.dma_semaphore, #tpu.memory_space<semaphore_mem>>) src(%dma_wait3A_738 : memref<10240x16xf32, #tpu.memory_space<vmem_shared>>) dst(%dma_wait3A_732 : memref<128x16xf32, #tpu.memory_space<vmem>>)
      %add3A_739 = arith.addi %mul3A_51, %add3A_727 : i32
      %dma_start3A_740 = arith.constant 5 : i32
      %dma_start3A_741 = arith.constant 0 : i32
      %dma_start3A_742 = arith.constant 0 : i32
      %dma_start3A_743 = tpu.memref_slice %arg15[%dma_start3A_740, %dma_start3A_741, %dma_start3A_742] : memref<8x128x16xf32, #tpu.memory_space<vmem>> -> memref<1x128x16xf32, #tpu.memory_space<vmem>>
      %dma_start3A_744 = tpu.memref_squeeze %dma_start3A_743 : memref<1x128x16xf32, #tpu.memory_space<vmem>> -> memref<128x16xf32, #tpu.memory_space<vmem>>
      %dma_start3A_745 = arith.constant 0 : i32
      %dma_start3A_746 = tpu.memref_slice %arg10[%add3A_739, %dma_start3A_745] : memref<160x128xi32, #tpu.memory_space<vmem>> -> memref<1x128xi32, #tpu.memory_space<vmem>>
      %dma_start3A_747 = tpu.memref_squeeze %dma_start3A_746 : memref<1x128xi32, #tpu.memory_space<vmem>> -> memref<128xi32, #tpu.memory_space<vmem>>
      %dma_start3A_748 = arith.constant 0 : i32
      %dma_start3A_749 = arith.constant 0 : i32
      %dma_start3A_750 = tpu.memref_slice %arg18[%dma_start3A_748, %dma_start3A_749] : memref<10240x16xf32, #tpu.memory_space<vmem_shared>> -> memref<10240x16xf32, #tpu.memory_space<vmem_shared>>
      tpu.enqueue_indirect_dma source(%dma_start3A_744 : memref<128x16xf32, #tpu.memory_space<vmem>>) target(%dma_start3A_750 : memref<10240x16xf32, #tpu.memory_space<vmem_shared>>) offsets(%dma_start3A_747 : memref<128xi32, #tpu.memory_space<vmem>>) semaphore(%arg34 : memref<!tpu.dma_semaphore, #tpu.memory_space<semaphore_mem>>) {add = true}
      %add3A_751 = arith.addi %mul3A_51, %add3A_727 : i32
      %dma_wait3A_752 = arith.constant 5 : i32
      %dma_wait3A_753 = arith.constant 0 : i32
      %dma_wait3A_754 = arith.constant 0 : i32
      %dma_wait3A_755 = tpu.memref_slice %arg15[%dma_wait3A_752, %dma_wait3A_753, %dma_wait3A_754] : memref<8x128x16xf32, #tpu.memory_space<vmem>> -> memref<1x128x16xf32, #tpu.memory_space<vmem>>
      %dma_wait3A_756 = tpu.memref_squeeze %dma_wait3A_755 : memref<1x128x16xf32, #tpu.memory_space<vmem>> -> memref<128x16xf32, #tpu.memory_space<vmem>>
      %dma_wait3A_757 = arith.constant 0 : i32
      %dma_wait3A_758 = tpu.memref_slice %arg10[%add3A_751, %dma_wait3A_757] : memref<160x128xi32, #tpu.memory_space<vmem>> -> memref<1x128xi32, #tpu.memory_space<vmem>>
      %dma_wait3A_759 = tpu.memref_squeeze %dma_wait3A_758 : memref<1x128xi32, #tpu.memory_space<vmem>> -> memref<128xi32, #tpu.memory_space<vmem>>
      %dma_wait3A_760 = arith.constant 0 : i32
      %dma_wait3A_761 = arith.constant 0 : i32
      %dma_wait3A_762 = tpu.memref_slice %arg18[%dma_wait3A_760, %dma_wait3A_761] : memref<10240x16xf32, #tpu.memory_space<vmem_shared>> -> memref<10240x16xf32, #tpu.memory_space<vmem_shared>>
      tpu.wait_indirect_dma semaphore(%arg34 : memref<!tpu.dma_semaphore, #tpu.memory_space<semaphore_mem>>) src(%dma_wait3A_756 : memref<128x16xf32, #tpu.memory_space<vmem>>) dst(%dma_wait3A_762 : memref<10240x16xf32, #tpu.memory_space<vmem_shared>>)
      %add3A_763 = arith.constant 8 : i32
      %add3A_764 = arith.addi %add3A_727, %add3A_763 : i32
      %dma_start3A_765 = arith.constant 5 : i32
      %dma_start3A_766 = arith.constant 0 : i32
      %dma_start3A_767 = arith.constant 0 : i32
      %dma_start3A_768 = tpu.memref_slice %arg15[%dma_start3A_765, %dma_start3A_766, %dma_start3A_767] : memref<8x128x16xf32, #tpu.memory_space<vmem>> -> memref<1x128x16xf32, #tpu.memory_space<vmem>>
      %dma_start3A_769 = tpu.memref_squeeze %dma_start3A_768 : memref<1x128x16xf32, #tpu.memory_space<vmem>> -> memref<128x16xf32, #tpu.memory_space<vmem>>
      %dma_start3A_770 = arith.constant 0 : i32
      %dma_start3A_771 = tpu.memref_slice %arg11[%add3A_764, %dma_start3A_770] : memref<80x128xi32, #tpu.memory_space<vmem>> -> memref<1x128xi32, #tpu.memory_space<vmem>>
      %dma_start3A_772 = tpu.memref_squeeze %dma_start3A_771 : memref<1x128xi32, #tpu.memory_space<vmem>> -> memref<128xi32, #tpu.memory_space<vmem>>
      %dma_start3A_773 = arith.constant 0 : i32
      %dma_start3A_774 = arith.constant 0 : i32
      %dma_start3A_775 = tpu.memref_slice %arg17[%dma_start3A_773, %dma_start3A_774] : memref<10240x16xf32, #tpu.memory_space<vmem_shared>> -> memref<10240x16xf32, #tpu.memory_space<vmem_shared>>
      tpu.enqueue_indirect_dma source(%dma_start3A_775 : memref<10240x16xf32, #tpu.memory_space<vmem_shared>>) target(%dma_start3A_769 : memref<128x16xf32, #tpu.memory_space<vmem>>) offsets(%dma_start3A_772 : memref<128xi32, #tpu.memory_space<vmem>>) semaphore(%arg26 : memref<!tpu.dma_semaphore, #tpu.memory_space<semaphore_mem>>)
      %mul3A_776 = arith.constant 8 : i32
      %mul3A_777 = arith.muli %scan3A_463, %mul3A_776 : i32
      %add3A_778 = arith.constant 6 : i32
      %add3A_779 = arith.addi %mul3A_777, %add3A_778 : i32
      %dma_wait3A_780 = arith.constant 6 : i32
      %dma_wait3A_781 = arith.constant 0 : i32
      %dma_wait3A_782 = arith.constant 0 : i32
      %dma_wait3A_783 = tpu.memref_slice %arg15[%dma_wait3A_780, %dma_wait3A_781, %dma_wait3A_782] : memref<8x128x16xf32, #tpu.memory_space<vmem>> -> memref<1x128x16xf32, #tpu.memory_space<vmem>>
      %dma_wait3A_784 = tpu.memref_squeeze %dma_wait3A_783 : memref<1x128x16xf32, #tpu.memory_space<vmem>> -> memref<128x16xf32, #tpu.memory_space<vmem>>
      %dma_wait3A_785 = arith.constant 0 : i32
      %dma_wait3A_786 = tpu.memref_slice %arg11[%add3A_779, %dma_wait3A_785] : memref<80x128xi32, #tpu.memory_space<vmem>> -> memref<1x128xi32, #tpu.memory_space<vmem>>
      %dma_wait3A_787 = tpu.memref_squeeze %dma_wait3A_786 : memref<1x128xi32, #tpu.memory_space<vmem>> -> memref<128xi32, #tpu.memory_space<vmem>>
      %dma_wait3A_788 = arith.constant 0 : i32
      %dma_wait3A_789 = arith.constant 0 : i32
      %dma_wait3A_790 = tpu.memref_slice %arg17[%dma_wait3A_788, %dma_wait3A_789] : memref<10240x16xf32, #tpu.memory_space<vmem_shared>> -> memref<10240x16xf32, #tpu.memory_space<vmem_shared>>
      tpu.wait_indirect_dma semaphore(%arg27 : memref<!tpu.dma_semaphore, #tpu.memory_space<semaphore_mem>>) src(%dma_wait3A_790 : memref<10240x16xf32, #tpu.memory_space<vmem_shared>>) dst(%dma_wait3A_784 : memref<128x16xf32, #tpu.memory_space<vmem>>)
      %add3A_791 = arith.addi %mul3A_51, %add3A_779 : i32
      %dma_start3A_792 = arith.constant 6 : i32
      %dma_start3A_793 = arith.constant 0 : i32
      %dma_start3A_794 = arith.constant 0 : i32
      %dma_start3A_795 = tpu.memref_slice %arg15[%dma_start3A_792, %dma_start3A_793, %dma_start3A_794] : memref<8x128x16xf32, #tpu.memory_space<vmem>> -> memref<1x128x16xf32, #tpu.memory_space<vmem>>
      %dma_start3A_796 = tpu.memref_squeeze %dma_start3A_795 : memref<1x128x16xf32, #tpu.memory_space<vmem>> -> memref<128x16xf32, #tpu.memory_space<vmem>>
      %dma_start3A_797 = arith.constant 0 : i32
      %dma_start3A_798 = tpu.memref_slice %arg10[%add3A_791, %dma_start3A_797] : memref<160x128xi32, #tpu.memory_space<vmem>> -> memref<1x128xi32, #tpu.memory_space<vmem>>
      %dma_start3A_799 = tpu.memref_squeeze %dma_start3A_798 : memref<1x128xi32, #tpu.memory_space<vmem>> -> memref<128xi32, #tpu.memory_space<vmem>>
      %dma_start3A_800 = arith.constant 0 : i32
      %dma_start3A_801 = arith.constant 0 : i32
      %dma_start3A_802 = tpu.memref_slice %arg18[%dma_start3A_800, %dma_start3A_801] : memref<10240x16xf32, #tpu.memory_space<vmem_shared>> -> memref<10240x16xf32, #tpu.memory_space<vmem_shared>>
      tpu.enqueue_indirect_dma source(%dma_start3A_796 : memref<128x16xf32, #tpu.memory_space<vmem>>) target(%dma_start3A_802 : memref<10240x16xf32, #tpu.memory_space<vmem_shared>>) offsets(%dma_start3A_799 : memref<128xi32, #tpu.memory_space<vmem>>) semaphore(%arg35 : memref<!tpu.dma_semaphore, #tpu.memory_space<semaphore_mem>>) {add = true}
      %add3A_803 = arith.addi %mul3A_51, %add3A_779 : i32
      %dma_wait3A_804 = arith.constant 6 : i32
      %dma_wait3A_805 = arith.constant 0 : i32
      %dma_wait3A_806 = arith.constant 0 : i32
      %dma_wait3A_807 = tpu.memref_slice %arg15[%dma_wait3A_804, %dma_wait3A_805, %dma_wait3A_806] : memref<8x128x16xf32, #tpu.memory_space<vmem>> -> memref<1x128x16xf32, #tpu.memory_space<vmem>>
      %dma_wait3A_808 = tpu.memref_squeeze %dma_wait3A_807 : memref<1x128x16xf32, #tpu.memory_space<vmem>> -> memref<128x16xf32, #tpu.memory_space<vmem>>
      %dma_wait3A_809 = arith.constant 0 : i32
      %dma_wait3A_810 = tpu.memref_slice %arg10[%add3A_803, %dma_wait3A_809] : memref<160x128xi32, #tpu.memory_space<vmem>> -> memref<1x128xi32, #tpu.memory_space<vmem>>
      %dma_wait3A_811 = tpu.memref_squeeze %dma_wait3A_810 : memref<1x128xi32, #tpu.memory_space<vmem>> -> memref<128xi32, #tpu.memory_space<vmem>>
      %dma_wait3A_812 = arith.constant 0 : i32
      %dma_wait3A_813 = arith.constant 0 : i32
      %dma_wait3A_814 = tpu.memref_slice %arg18[%dma_wait3A_812, %dma_wait3A_813] : memref<10240x16xf32, #tpu.memory_space<vmem_shared>> -> memref<10240x16xf32, #tpu.memory_space<vmem_shared>>
      tpu.wait_indirect_dma semaphore(%arg35 : memref<!tpu.dma_semaphore, #tpu.memory_space<semaphore_mem>>) src(%dma_wait3A_808 : memref<128x16xf32, #tpu.memory_space<vmem>>) dst(%dma_wait3A_814 : memref<10240x16xf32, #tpu.memory_space<vmem_shared>>)
      %add3A_815 = arith.constant 8 : i32
      %add3A_816 = arith.addi %add3A_779, %add3A_815 : i32
      %dma_start3A_817 = arith.constant 6 : i32
      %dma_start3A_818 = arith.constant 0 : i32
      %dma_start3A_819 = arith.constant 0 : i32
      %dma_start3A_820 = tpu.memref_slice %arg15[%dma_start3A_817, %dma_start3A_818, %dma_start3A_819] : memref<8x128x16xf32, #tpu.memory_space<vmem>> -> memref<1x128x16xf32, #tpu.memory_space<vmem>>
      %dma_start3A_821 = tpu.memref_squeeze %dma_start3A_820 : memref<1x128x16xf32, #tpu.memory_space<vmem>> -> memref<128x16xf32, #tpu.memory_space<vmem>>
      %dma_start3A_822 = arith.constant 0 : i32
      %dma_start3A_823 = tpu.memref_slice %arg11[%add3A_816, %dma_start3A_822] : memref<80x128xi32, #tpu.memory_space<vmem>> -> memref<1x128xi32, #tpu.memory_space<vmem>>
      %dma_start3A_824 = tpu.memref_squeeze %dma_start3A_823 : memref<1x128xi32, #tpu.memory_space<vmem>> -> memref<128xi32, #tpu.memory_space<vmem>>
      %dma_start3A_825 = arith.constant 0 : i32
      %dma_start3A_826 = arith.constant 0 : i32
      %dma_start3A_827 = tpu.memref_slice %arg17[%dma_start3A_825, %dma_start3A_826] : memref<10240x16xf32, #tpu.memory_space<vmem_shared>> -> memref<10240x16xf32, #tpu.memory_space<vmem_shared>>
      tpu.enqueue_indirect_dma source(%dma_start3A_827 : memref<10240x16xf32, #tpu.memory_space<vmem_shared>>) target(%dma_start3A_821 : memref<128x16xf32, #tpu.memory_space<vmem>>) offsets(%dma_start3A_824 : memref<128xi32, #tpu.memory_space<vmem>>) semaphore(%arg27 : memref<!tpu.dma_semaphore, #tpu.memory_space<semaphore_mem>>)
      %mul3A_828 = arith.constant 8 : i32
      %mul3A_829 = arith.muli %scan3A_463, %mul3A_828 : i32
      %add3A_830 = arith.constant 7 : i32
      %add3A_831 = arith.addi %mul3A_829, %add3A_830 : i32
      %dma_wait3A_832 = arith.constant 7 : i32
      %dma_wait3A_833 = arith.constant 0 : i32
      %dma_wait3A_834 = arith.constant 0 : i32
      %dma_wait3A_835 = tpu.memref_slice %arg15[%dma_wait3A_832, %dma_wait3A_833, %dma_wait3A_834] : memref<8x128x16xf32, #tpu.memory_space<vmem>> -> memref<1x128x16xf32, #tpu.memory_space<vmem>>
      %dma_wait3A_836 = tpu.memref_squeeze %dma_wait3A_835 : memref<1x128x16xf32, #tpu.memory_space<vmem>> -> memref<128x16xf32, #tpu.memory_space<vmem>>
      %dma_wait3A_837 = arith.constant 0 : i32
      %dma_wait3A_838 = tpu.memref_slice %arg11[%add3A_831, %dma_wait3A_837] : memref<80x128xi32, #tpu.memory_space<vmem>> -> memref<1x128xi32, #tpu.memory_space<vmem>>
      %dma_wait3A_839 = tpu.memref_squeeze %dma_wait3A_838 : memref<1x128xi32, #tpu.memory_space<vmem>> -> memref<128xi32, #tpu.memory_space<vmem>>
      %dma_wait3A_840 = arith.constant 0 : i32
      %dma_wait3A_841 = arith.constant 0 : i32
      %dma_wait3A_842 = tpu.memref_slice %arg17[%dma_wait3A_840, %dma_wait3A_841] : memref<10240x16xf32, #tpu.memory_space<vmem_shared>> -> memref<10240x16xf32, #tpu.memory_space<vmem_shared>>
      tpu.wait_indirect_dma semaphore(%arg28 : memref<!tpu.dma_semaphore, #tpu.memory_space<semaphore_mem>>) src(%dma_wait3A_842 : memref<10240x16xf32, #tpu.memory_space<vmem_shared>>) dst(%dma_wait3A_836 : memref<128x16xf32, #tpu.memory_space<vmem>>)
      %add3A_843 = arith.addi %mul3A_51, %add3A_831 : i32
      %dma_start3A_844 = arith.constant 7 : i32
      %dma_start3A_845 = arith.constant 0 : i32
      %dma_start3A_846 = arith.constant 0 : i32
      %dma_start3A_847 = tpu.memref_slice %arg15[%dma_start3A_844, %dma_start3A_845, %dma_start3A_846] : memref<8x128x16xf32, #tpu.memory_space<vmem>> -> memref<1x128x16xf32, #tpu.memory_space<vmem>>
      %dma_start3A_848 = tpu.memref_squeeze %dma_start3A_847 : memref<1x128x16xf32, #tpu.memory_space<vmem>> -> memref<128x16xf32, #tpu.memory_space<vmem>>
      %dma_start3A_849 = arith.constant 0 : i32
      %dma_start3A_850 = tpu.memref_slice %arg10[%add3A_843, %dma_start3A_849] : memref<160x128xi32, #tpu.memory_space<vmem>> -> memref<1x128xi32, #tpu.memory_space<vmem>>
      %dma_start3A_851 = tpu.memref_squeeze %dma_start3A_850 : memref<1x128xi32, #tpu.memory_space<vmem>> -> memref<128xi32, #tpu.memory_space<vmem>>
      %dma_start3A_852 = arith.constant 0 : i32
      %dma_start3A_853 = arith.constant 0 : i32
      %dma_start3A_854 = tpu.memref_slice %arg18[%dma_start3A_852, %dma_start3A_853] : memref<10240x16xf32, #tpu.memory_space<vmem_shared>> -> memref<10240x16xf32, #tpu.memory_space<vmem_shared>>
      tpu.enqueue_indirect_dma source(%dma_start3A_848 : memref<128x16xf32, #tpu.memory_space<vmem>>) target(%dma_start3A_854 : memref<10240x16xf32, #tpu.memory_space<vmem_shared>>) offsets(%dma_start3A_851 : memref<128xi32, #tpu.memory_space<vmem>>) semaphore(%arg36 : memref<!tpu.dma_semaphore, #tpu.memory_space<semaphore_mem>>) {add = true}
      %add3A_855 = arith.addi %mul3A_51, %add3A_831 : i32
      %dma_wait3A_856 = arith.constant 7 : i32
      %dma_wait3A_857 = arith.constant 0 : i32
      %dma_wait3A_858 = arith.constant 0 : i32
      %dma_wait3A_859 = tpu.memref_slice %arg15[%dma_wait3A_856, %dma_wait3A_857, %dma_wait3A_858] : memref<8x128x16xf32, #tpu.memory_space<vmem>> -> memref<1x128x16xf32, #tpu.memory_space<vmem>>
      %dma_wait3A_860 = tpu.memref_squeeze %dma_wait3A_859 : memref<1x128x16xf32, #tpu.memory_space<vmem>> -> memref<128x16xf32, #tpu.memory_space<vmem>>
      %dma_wait3A_861 = arith.constant 0 : i32
      %dma_wait3A_862 = tpu.memref_slice %arg10[%add3A_855, %dma_wait3A_861] : memref<160x128xi32, #tpu.memory_space<vmem>> -> memref<1x128xi32, #tpu.memory_space<vmem>>
      %dma_wait3A_863 = tpu.memref_squeeze %dma_wait3A_862 : memref<1x128xi32, #tpu.memory_space<vmem>> -> memref<128xi32, #tpu.memory_space<vmem>>
      %dma_wait3A_864 = arith.constant 0 : i32
      %dma_wait3A_865 = arith.constant 0 : i32
      %dma_wait3A_866 = tpu.memref_slice %arg18[%dma_wait3A_864, %dma_wait3A_865] : memref<10240x16xf32, #tpu.memory_space<vmem_shared>> -> memref<10240x16xf32, #tpu.memory_space<vmem_shared>>
      tpu.wait_indirect_dma semaphore(%arg36 : memref<!tpu.dma_semaphore, #tpu.memory_space<semaphore_mem>>) src(%dma_wait3A_860 : memref<128x16xf32, #tpu.memory_space<vmem>>) dst(%dma_wait3A_866 : memref<10240x16xf32, #tpu.memory_space<vmem_shared>>)
      %add3A_867 = arith.constant 8 : i32
      %add3A_868 = arith.addi %add3A_831, %add3A_867 : i32
      %dma_start3A_869 = arith.constant 7 : i32
      %dma_start3A_870 = arith.constant 0 : i32
      %dma_start3A_871 = arith.constant 0 : i32
      %dma_start3A_872 = tpu.memref_slice %arg15[%dma_start3A_869, %dma_start3A_870, %dma_start3A_871] : memref<8x128x16xf32, #tpu.memory_space<vmem>> -> memref<1x128x16xf32, #tpu.memory_space<vmem>>
      %dma_start3A_873 = tpu.memref_squeeze %dma_start3A_872 : memref<1x128x16xf32, #tpu.memory_space<vmem>> -> memref<128x16xf32, #tpu.memory_space<vmem>>
      %dma_start3A_874 = arith.constant 0 : i32
      %dma_start3A_875 = tpu.memref_slice %arg11[%add3A_868, %dma_start3A_874] : memref<80x128xi32, #tpu.memory_space<vmem>> -> memref<1x128xi32, #tpu.memory_space<vmem>>
      %dma_start3A_876 = tpu.memref_squeeze %dma_start3A_875 : memref<1x128xi32, #tpu.memory_space<vmem>> -> memref<128xi32, #tpu.memory_space<vmem>>
      %dma_start3A_877 = arith.constant 0 : i32
      %dma_start3A_878 = arith.constant 0 : i32
      %dma_start3A_879 = tpu.memref_slice %arg17[%dma_start3A_877, %dma_start3A_878] : memref<10240x16xf32, #tpu.memory_space<vmem_shared>> -> memref<10240x16xf32, #tpu.memory_space<vmem_shared>>
      tpu.enqueue_indirect_dma source(%dma_start3A_879 : memref<10240x16xf32, #tpu.memory_space<vmem_shared>>) target(%dma_start3A_873 : memref<128x16xf32, #tpu.memory_space<vmem>>) offsets(%dma_start3A_876 : memref<128xi32, #tpu.memory_space<vmem>>) semaphore(%arg28 : memref<!tpu.dma_semaphore, #tpu.memory_space<semaphore_mem>>)
    }
    %scan3A_153 = arith.constant 9 : i32
    %dma_wait3A_154 = arith.constant 72 : i32
    %dma_wait3A_155 = arith.constant 0 : i32
    %dma_wait3A_156 = arith.constant 0 : i32
    %dma_wait3A_157 = arith.constant 0 : i32
    %dma_wait3A_158 = tpu.memref_slice %arg15[%dma_wait3A_155, %dma_wait3A_156, %dma_wait3A_157] : memref<8x128x16xf32, #tpu.memory_space<vmem>> -> memref<1x128x16xf32, #tpu.memory_space<vmem>>
    %dma_wait3A_159 = tpu.memref_squeeze %dma_wait3A_158 : memref<1x128x16xf32, #tpu.memory_space<vmem>> -> memref<128x16xf32, #tpu.memory_space<vmem>>
    %dma_wait3A_160 = arith.constant 0 : i32
    %dma_wait3A_161 = tpu.memref_slice %arg11[%dma_wait3A_154, %dma_wait3A_160] : memref<80x128xi32, #tpu.memory_space<vmem>> -> memref<1x128xi32, #tpu.memory_space<vmem>>
    %dma_wait3A_162 = tpu.memref_squeeze %dma_wait3A_161 : memref<1x128xi32, #tpu.memory_space<vmem>> -> memref<128xi32, #tpu.memory_space<vmem>>
    %dma_wait3A_163 = arith.constant 0 : i32
    %dma_wait3A_164 = arith.constant 0 : i32
    %dma_wait3A_165 = tpu.memref_slice %arg17[%dma_wait3A_163, %dma_wait3A_164] : memref<10240x16xf32, #tpu.memory_space<vmem_shared>> -> memref<10240x16xf32, #tpu.memory_space<vmem_shared>>
    tpu.wait_indirect_dma semaphore(%arg21 : memref<!tpu.dma_semaphore, #tpu.memory_space<semaphore_mem>>) src(%dma_wait3A_165 : memref<10240x16xf32, #tpu.memory_space<vmem_shared>>) dst(%dma_wait3A_159 : memref<128x16xf32, #tpu.memory_space<vmem>>)
    %add3A_166 = arith.constant 72 : i32
    %add3A_167 = arith.addi %mul3A_51, %add3A_166 : i32
    %dma_start3A_168 = arith.constant 0 : i32
    %dma_start3A_169 = arith.constant 0 : i32
    %dma_start3A_170 = arith.constant 0 : i32
    %dma_start3A_171 = tpu.memref_slice %arg15[%dma_start3A_168, %dma_start3A_169, %dma_start3A_170] : memref<8x128x16xf32, #tpu.memory_space<vmem>> -> memref<1x128x16xf32, #tpu.memory_space<vmem>>
    %dma_start3A_172 = tpu.memref_squeeze %dma_start3A_171 : memref<1x128x16xf32, #tpu.memory_space<vmem>> -> memref<128x16xf32, #tpu.memory_space<vmem>>
    %dma_start3A_173 = arith.constant 0 : i32
    %dma_start3A_174 = tpu.memref_slice %arg10[%add3A_167, %dma_start3A_173] : memref<160x128xi32, #tpu.memory_space<vmem>> -> memref<1x128xi32, #tpu.memory_space<vmem>>
    %dma_start3A_175 = tpu.memref_squeeze %dma_start3A_174 : memref<1x128xi32, #tpu.memory_space<vmem>> -> memref<128xi32, #tpu.memory_space<vmem>>
    %dma_start3A_176 = arith.constant 0 : i32
    %dma_start3A_177 = arith.constant 0 : i32
    %dma_start3A_178 = tpu.memref_slice %arg18[%dma_start3A_176, %dma_start3A_177] : memref<10240x16xf32, #tpu.memory_space<vmem_shared>> -> memref<10240x16xf32, #tpu.memory_space<vmem_shared>>
    tpu.enqueue_indirect_dma source(%dma_start3A_172 : memref<128x16xf32, #tpu.memory_space<vmem>>) target(%dma_start3A_178 : memref<10240x16xf32, #tpu.memory_space<vmem_shared>>) offsets(%dma_start3A_175 : memref<128xi32, #tpu.memory_space<vmem>>) semaphore(%arg29 : memref<!tpu.dma_semaphore, #tpu.memory_space<semaphore_mem>>) {add = true}
    %dma_wait3A_179 = arith.constant 73 : i32
    %dma_wait3A_180 = arith.constant 1 : i32
    %dma_wait3A_181 = arith.constant 0 : i32
    %dma_wait3A_182 = arith.constant 0 : i32
    %dma_wait3A_183 = tpu.memref_slice %arg15[%dma_wait3A_180, %dma_wait3A_181, %dma_wait3A_182] : memref<8x128x16xf32, #tpu.memory_space<vmem>> -> memref<1x128x16xf32, #tpu.memory_space<vmem>>
    %dma_wait3A_184 = tpu.memref_squeeze %dma_wait3A_183 : memref<1x128x16xf32, #tpu.memory_space<vmem>> -> memref<128x16xf32, #tpu.memory_space<vmem>>
    %dma_wait3A_185 = arith.constant 0 : i32
    %dma_wait3A_186 = tpu.memref_slice %arg11[%dma_wait3A_179, %dma_wait3A_185] : memref<80x128xi32, #tpu.memory_space<vmem>> -> memref<1x128xi32, #tpu.memory_space<vmem>>
    %dma_wait3A_187 = tpu.memref_squeeze %dma_wait3A_186 : memref<1x128xi32, #tpu.memory_space<vmem>> -> memref<128xi32, #tpu.memory_space<vmem>>
    %dma_wait3A_188 = arith.constant 0 : i32
    %dma_wait3A_189 = arith.constant 0 : i32
    %dma_wait3A_190 = tpu.memref_slice %arg17[%dma_wait3A_188, %dma_wait3A_189] : memref<10240x16xf32, #tpu.memory_space<vmem_shared>> -> memref<10240x16xf32, #tpu.memory_space<vmem_shared>>
    tpu.wait_indirect_dma semaphore(%arg22 : memref<!tpu.dma_semaphore, #tpu.memory_space<semaphore_mem>>) src(%dma_wait3A_190 : memref<10240x16xf32, #tpu.memory_space<vmem_shared>>) dst(%dma_wait3A_184 : memref<128x16xf32, #tpu.memory_space<vmem>>)
    %add3A_191 = arith.constant 73 : i32
    %add3A_192 = arith.addi %mul3A_51, %add3A_191 : i32
    %dma_start3A_193 = arith.constant 1 : i32
    %dma_start3A_194 = arith.constant 0 : i32
    %dma_start3A_195 = arith.constant 0 : i32
    %dma_start3A_196 = tpu.memref_slice %arg15[%dma_start3A_193, %dma_start3A_194, %dma_start3A_195] : memref<8x128x16xf32, #tpu.memory_space<vmem>> -> memref<1x128x16xf32, #tpu.memory_space<vmem>>
    %dma_start3A_197 = tpu.memref_squeeze %dma_start3A_196 : memref<1x128x16xf32, #tpu.memory_space<vmem>> -> memref<128x16xf32, #tpu.memory_space<vmem>>
    %dma_start3A_198 = arith.constant 0 : i32
    %dma_start3A_199 = tpu.memref_slice %arg10[%add3A_192, %dma_start3A_198] : memref<160x128xi32, #tpu.memory_space<vmem>> -> memref<1x128xi32, #tpu.memory_space<vmem>>
    %dma_start3A_200 = tpu.memref_squeeze %dma_start3A_199 : memref<1x128xi32, #tpu.memory_space<vmem>> -> memref<128xi32, #tpu.memory_space<vmem>>
    %dma_start3A_201 = arith.constant 0 : i32
    %dma_start3A_202 = arith.constant 0 : i32
    %dma_start3A_203 = tpu.memref_slice %arg18[%dma_start3A_201, %dma_start3A_202] : memref<10240x16xf32, #tpu.memory_space<vmem_shared>> -> memref<10240x16xf32, #tpu.memory_space<vmem_shared>>
    tpu.enqueue_indirect_dma source(%dma_start3A_197 : memref<128x16xf32, #tpu.memory_space<vmem>>) target(%dma_start3A_203 : memref<10240x16xf32, #tpu.memory_space<vmem_shared>>) offsets(%dma_start3A_200 : memref<128xi32, #tpu.memory_space<vmem>>) semaphore(%arg30 : memref<!tpu.dma_semaphore, #tpu.memory_space<semaphore_mem>>) {add = true}
    %dma_wait3A_204 = arith.constant 74 : i32
    %dma_wait3A_205 = arith.constant 2 : i32
    %dma_wait3A_206 = arith.constant 0 : i32
    %dma_wait3A_207 = arith.constant 0 : i32
    %dma_wait3A_208 = tpu.memref_slice %arg15[%dma_wait3A_205, %dma_wait3A_206, %dma_wait3A_207] : memref<8x128x16xf32, #tpu.memory_space<vmem>> -> memref<1x128x16xf32, #tpu.memory_space<vmem>>
    %dma_wait3A_209 = tpu.memref_squeeze %dma_wait3A_208 : memref<1x128x16xf32, #tpu.memory_space<vmem>> -> memref<128x16xf32, #tpu.memory_space<vmem>>
    %dma_wait3A_210 = arith.constant 0 : i32
    %dma_wait3A_211 = tpu.memref_slice %arg11[%dma_wait3A_204, %dma_wait3A_210] : memref<80x128xi32, #tpu.memory_space<vmem>> -> memref<1x128xi32, #tpu.memory_space<vmem>>
    %dma_wait3A_212 = tpu.memref_squeeze %dma_wait3A_211 : memref<1x128xi32, #tpu.memory_space<vmem>> -> memref<128xi32, #tpu.memory_space<vmem>>
    %dma_wait3A_213 = arith.constant 0 : i32
    %dma_wait3A_214 = arith.constant 0 : i32
    %dma_wait3A_215 = tpu.memref_slice %arg17[%dma_wait3A_213, %dma_wait3A_214] : memref<10240x16xf32, #tpu.memory_space<vmem_shared>> -> memref<10240x16xf32, #tpu.memory_space<vmem_shared>>
    tpu.wait_indirect_dma semaphore(%arg23 : memref<!tpu.dma_semaphore, #tpu.memory_space<semaphore_mem>>) src(%dma_wait3A_215 : memref<10240x16xf32, #tpu.memory_space<vmem_shared>>) dst(%dma_wait3A_209 : memref<128x16xf32, #tpu.memory_space<vmem>>)
    %add3A_216 = arith.constant 74 : i32
    %add3A_217 = arith.addi %mul3A_51, %add3A_216 : i32
    %dma_start3A_218 = arith.constant 2 : i32
    %dma_start3A_219 = arith.constant 0 : i32
    %dma_start3A_220 = arith.constant 0 : i32
    %dma_start3A_221 = tpu.memref_slice %arg15[%dma_start3A_218, %dma_start3A_219, %dma_start3A_220] : memref<8x128x16xf32, #tpu.memory_space<vmem>> -> memref<1x128x16xf32, #tpu.memory_space<vmem>>
    %dma_start3A_222 = tpu.memref_squeeze %dma_start3A_221 : memref<1x128x16xf32, #tpu.memory_space<vmem>> -> memref<128x16xf32, #tpu.memory_space<vmem>>
    %dma_start3A_223 = arith.constant 0 : i32
    %dma_start3A_224 = tpu.memref_slice %arg10[%add3A_217, %dma_start3A_223] : memref<160x128xi32, #tpu.memory_space<vmem>> -> memref<1x128xi32, #tpu.memory_space<vmem>>
    %dma_start3A_225 = tpu.memref_squeeze %dma_start3A_224 : memref<1x128xi32, #tpu.memory_space<vmem>> -> memref<128xi32, #tpu.memory_space<vmem>>
    %dma_start3A_226 = arith.constant 0 : i32
    %dma_start3A_227 = arith.constant 0 : i32
    %dma_start3A_228 = tpu.memref_slice %arg18[%dma_start3A_226, %dma_start3A_227] : memref<10240x16xf32, #tpu.memory_space<vmem_shared>> -> memref<10240x16xf32, #tpu.memory_space<vmem_shared>>
    tpu.enqueue_indirect_dma source(%dma_start3A_222 : memref<128x16xf32, #tpu.memory_space<vmem>>) target(%dma_start3A_228 : memref<10240x16xf32, #tpu.memory_space<vmem_shared>>) offsets(%dma_start3A_225 : memref<128xi32, #tpu.memory_space<vmem>>) semaphore(%arg31 : memref<!tpu.dma_semaphore, #tpu.memory_space<semaphore_mem>>) {add = true}
    %dma_wait3A_229 = arith.constant 75 : i32
    %dma_wait3A_230 = arith.constant 3 : i32
    %dma_wait3A_231 = arith.constant 0 : i32
    %dma_wait3A_232 = arith.constant 0 : i32
    %dma_wait3A_233 = tpu.memref_slice %arg15[%dma_wait3A_230, %dma_wait3A_231, %dma_wait3A_232] : memref<8x128x16xf32, #tpu.memory_space<vmem>> -> memref<1x128x16xf32, #tpu.memory_space<vmem>>
    %dma_wait3A_234 = tpu.memref_squeeze %dma_wait3A_233 : memref<1x128x16xf32, #tpu.memory_space<vmem>> -> memref<128x16xf32, #tpu.memory_space<vmem>>
    %dma_wait3A_235 = arith.constant 0 : i32
    %dma_wait3A_236 = tpu.memref_slice %arg11[%dma_wait3A_229, %dma_wait3A_235] : memref<80x128xi32, #tpu.memory_space<vmem>> -> memref<1x128xi32, #tpu.memory_space<vmem>>
    %dma_wait3A_237 = tpu.memref_squeeze %dma_wait3A_236 : memref<1x128xi32, #tpu.memory_space<vmem>> -> memref<128xi32, #tpu.memory_space<vmem>>
    %dma_wait3A_238 = arith.constant 0 : i32
    %dma_wait3A_239 = arith.constant 0 : i32
    %dma_wait3A_240 = tpu.memref_slice %arg17[%dma_wait3A_238, %dma_wait3A_239] : memref<10240x16xf32, #tpu.memory_space<vmem_shared>> -> memref<10240x16xf32, #tpu.memory_space<vmem_shared>>
    tpu.wait_indirect_dma semaphore(%arg24 : memref<!tpu.dma_semaphore, #tpu.memory_space<semaphore_mem>>) src(%dma_wait3A_240 : memref<10240x16xf32, #tpu.memory_space<vmem_shared>>) dst(%dma_wait3A_234 : memref<128x16xf32, #tpu.memory_space<vmem>>)
    %add3A_241 = arith.constant 75 : i32
    %add3A_242 = arith.addi %mul3A_51, %add3A_241 : i32
    %dma_start3A_243 = arith.constant 3 : i32
    %dma_start3A_244 = arith.constant 0 : i32
    %dma_start3A_245 = arith.constant 0 : i32
    %dma_start3A_246 = tpu.memref_slice %arg15[%dma_start3A_243, %dma_start3A_244, %dma_start3A_245] : memref<8x128x16xf32, #tpu.memory_space<vmem>> -> memref<1x128x16xf32, #tpu.memory_space<vmem>>
    %dma_start3A_247 = tpu.memref_squeeze %dma_start3A_246 : memref<1x128x16xf32, #tpu.memory_space<vmem>> -> memref<128x16xf32, #tpu.memory_space<vmem>>
    %dma_start3A_248 = arith.constant 0 : i32
    %dma_start3A_249 = tpu.memref_slice %arg10[%add3A_242, %dma_start3A_248] : memref<160x128xi32, #tpu.memory_space<vmem>> -> memref<1x128xi32, #tpu.memory_space<vmem>>
    %dma_start3A_250 = tpu.memref_squeeze %dma_start3A_249 : memref<1x128xi32, #tpu.memory_space<vmem>> -> memref<128xi32, #tpu.memory_space<vmem>>
    %dma_start3A_251 = arith.constant 0 : i32
    %dma_start3A_252 = arith.constant 0 : i32
    %dma_start3A_253 = tpu.memref_slice %arg18[%dma_start3A_251, %dma_start3A_252] : memref<10240x16xf32, #tpu.memory_space<vmem_shared>> -> memref<10240x16xf32, #tpu.memory_space<vmem_shared>>
    tpu.enqueue_indirect_dma source(%dma_start3A_247 : memref<128x16xf32, #tpu.memory_space<vmem>>) target(%dma_start3A_253 : memref<10240x16xf32, #tpu.memory_space<vmem_shared>>) offsets(%dma_start3A_250 : memref<128xi32, #tpu.memory_space<vmem>>) semaphore(%arg32 : memref<!tpu.dma_semaphore, #tpu.memory_space<semaphore_mem>>) {add = true}
    %dma_wait3A_254 = arith.constant 76 : i32
    %dma_wait3A_255 = arith.constant 4 : i32
    %dma_wait3A_256 = arith.constant 0 : i32
    %dma_wait3A_257 = arith.constant 0 : i32
    %dma_wait3A_258 = tpu.memref_slice %arg15[%dma_wait3A_255, %dma_wait3A_256, %dma_wait3A_257] : memref<8x128x16xf32, #tpu.memory_space<vmem>> -> memref<1x128x16xf32, #tpu.memory_space<vmem>>
    %dma_wait3A_259 = tpu.memref_squeeze %dma_wait3A_258 : memref<1x128x16xf32, #tpu.memory_space<vmem>> -> memref<128x16xf32, #tpu.memory_space<vmem>>
    %dma_wait3A_260 = arith.constant 0 : i32
    %dma_wait3A_261 = tpu.memref_slice %arg11[%dma_wait3A_254, %dma_wait3A_260] : memref<80x128xi32, #tpu.memory_space<vmem>> -> memref<1x128xi32, #tpu.memory_space<vmem>>
    %dma_wait3A_262 = tpu.memref_squeeze %dma_wait3A_261 : memref<1x128xi32, #tpu.memory_space<vmem>> -> memref<128xi32, #tpu.memory_space<vmem>>
    %dma_wait3A_263 = arith.constant 0 : i32
    %dma_wait3A_264 = arith.constant 0 : i32
    %dma_wait3A_265 = tpu.memref_slice %arg17[%dma_wait3A_263, %dma_wait3A_264] : memref<10240x16xf32, #tpu.memory_space<vmem_shared>> -> memref<10240x16xf32, #tpu.memory_space<vmem_shared>>
    tpu.wait_indirect_dma semaphore(%arg25 : memref<!tpu.dma_semaphore, #tpu.memory_space<semaphore_mem>>) src(%dma_wait3A_265 : memref<10240x16xf32, #tpu.memory_space<vmem_shared>>) dst(%dma_wait3A_259 : memref<128x16xf32, #tpu.memory_space<vmem>>)
    %add3A_266 = arith.constant 76 : i32
    %add3A_267 = arith.addi %mul3A_51, %add3A_266 : i32
    %dma_start3A_268 = arith.constant 4 : i32
    %dma_start3A_269 = arith.constant 0 : i32
    %dma_start3A_270 = arith.constant 0 : i32
    %dma_start3A_271 = tpu.memref_slice %arg15[%dma_start3A_268, %dma_start3A_269, %dma_start3A_270] : memref<8x128x16xf32, #tpu.memory_space<vmem>> -> memref<1x128x16xf32, #tpu.memory_space<vmem>>
    %dma_start3A_272 = tpu.memref_squeeze %dma_start3A_271 : memref<1x128x16xf32, #tpu.memory_space<vmem>> -> memref<128x16xf32, #tpu.memory_space<vmem>>
    %dma_start3A_273 = arith.constant 0 : i32
    %dma_start3A_274 = tpu.memref_slice %arg10[%add3A_267, %dma_start3A_273] : memref<160x128xi32, #tpu.memory_space<vmem>> -> memref<1x128xi32, #tpu.memory_space<vmem>>
    %dma_start3A_275 = tpu.memref_squeeze %dma_start3A_274 : memref<1x128xi32, #tpu.memory_space<vmem>> -> memref<128xi32, #tpu.memory_space<vmem>>
    %dma_start3A_276 = arith.constant 0 : i32
    %dma_start3A_277 = arith.constant 0 : i32
    %dma_start3A_278 = tpu.memref_slice %arg18[%dma_start3A_276, %dma_start3A_277] : memref<10240x16xf32, #tpu.memory_space<vmem_shared>> -> memref<10240x16xf32, #tpu.memory_space<vmem_shared>>
    tpu.enqueue_indirect_dma source(%dma_start3A_272 : memref<128x16xf32, #tpu.memory_space<vmem>>) target(%dma_start3A_278 : memref<10240x16xf32, #tpu.memory_space<vmem_shared>>) offsets(%dma_start3A_275 : memref<128xi32, #tpu.memory_space<vmem>>) semaphore(%arg33 : memref<!tpu.dma_semaphore, #tpu.memory_space<semaphore_mem>>) {add = true}
    %dma_wait3A_279 = arith.constant 77 : i32
    %dma_wait3A_280 = arith.constant 5 : i32
    %dma_wait3A_281 = arith.constant 0 : i32
    %dma_wait3A_282 = arith.constant 0 : i32
    %dma_wait3A_283 = tpu.memref_slice %arg15[%dma_wait3A_280, %dma_wait3A_281, %dma_wait3A_282] : memref<8x128x16xf32, #tpu.memory_space<vmem>> -> memref<1x128x16xf32, #tpu.memory_space<vmem>>
    %dma_wait3A_284 = tpu.memref_squeeze %dma_wait3A_283 : memref<1x128x16xf32, #tpu.memory_space<vmem>> -> memref<128x16xf32, #tpu.memory_space<vmem>>
    %dma_wait3A_285 = arith.constant 0 : i32
    %dma_wait3A_286 = tpu.memref_slice %arg11[%dma_wait3A_279, %dma_wait3A_285] : memref<80x128xi32, #tpu.memory_space<vmem>> -> memref<1x128xi32, #tpu.memory_space<vmem>>
    %dma_wait3A_287 = tpu.memref_squeeze %dma_wait3A_286 : memref<1x128xi32, #tpu.memory_space<vmem>> -> memref<128xi32, #tpu.memory_space<vmem>>
    %dma_wait3A_288 = arith.constant 0 : i32
    %dma_wait3A_289 = arith.constant 0 : i32
    %dma_wait3A_290 = tpu.memref_slice %arg17[%dma_wait3A_288, %dma_wait3A_289] : memref<10240x16xf32, #tpu.memory_space<vmem_shared>> -> memref<10240x16xf32, #tpu.memory_space<vmem_shared>>
    tpu.wait_indirect_dma semaphore(%arg26 : memref<!tpu.dma_semaphore, #tpu.memory_space<semaphore_mem>>) src(%dma_wait3A_290 : memref<10240x16xf32, #tpu.memory_space<vmem_shared>>) dst(%dma_wait3A_284 : memref<128x16xf32, #tpu.memory_space<vmem>>)
    %add3A_291 = arith.constant 77 : i32
    %add3A_292 = arith.addi %mul3A_51, %add3A_291 : i32
    %dma_start3A_293 = arith.constant 5 : i32
    %dma_start3A_294 = arith.constant 0 : i32
    %dma_start3A_295 = arith.constant 0 : i32
    %dma_start3A_296 = tpu.memref_slice %arg15[%dma_start3A_293, %dma_start3A_294, %dma_start3A_295] : memref<8x128x16xf32, #tpu.memory_space<vmem>> -> memref<1x128x16xf32, #tpu.memory_space<vmem>>
    %dma_start3A_297 = tpu.memref_squeeze %dma_start3A_296 : memref<1x128x16xf32, #tpu.memory_space<vmem>> -> memref<128x16xf32, #tpu.memory_space<vmem>>
    %dma_start3A_298 = arith.constant 0 : i32
    %dma_start3A_299 = tpu.memref_slice %arg10[%add3A_292, %dma_start3A_298] : memref<160x128xi32, #tpu.memory_space<vmem>> -> memref<1x128xi32, #tpu.memory_space<vmem>>
    %dma_start3A_300 = tpu.memref_squeeze %dma_start3A_299 : memref<1x128xi32, #tpu.memory_space<vmem>> -> memref<128xi32, #tpu.memory_space<vmem>>
    %dma_start3A_301 = arith.constant 0 : i32
    %dma_start3A_302 = arith.constant 0 : i32
    %dma_start3A_303 = tpu.memref_slice %arg18[%dma_start3A_301, %dma_start3A_302] : memref<10240x16xf32, #tpu.memory_space<vmem_shared>> -> memref<10240x16xf32, #tpu.memory_space<vmem_shared>>
    tpu.enqueue_indirect_dma source(%dma_start3A_297 : memref<128x16xf32, #tpu.memory_space<vmem>>) target(%dma_start3A_303 : memref<10240x16xf32, #tpu.memory_space<vmem_shared>>) offsets(%dma_start3A_300 : memref<128xi32, #tpu.memory_space<vmem>>) semaphore(%arg34 : memref<!tpu.dma_semaphore, #tpu.memory_space<semaphore_mem>>) {add = true}
    %dma_wait3A_304 = arith.constant 78 : i32
    %dma_wait3A_305 = arith.constant 6 : i32
    %dma_wait3A_306 = arith.constant 0 : i32
    %dma_wait3A_307 = arith.constant 0 : i32
    %dma_wait3A_308 = tpu.memref_slice %arg15[%dma_wait3A_305, %dma_wait3A_306, %dma_wait3A_307] : memref<8x128x16xf32, #tpu.memory_space<vmem>> -> memref<1x128x16xf32, #tpu.memory_space<vmem>>
    %dma_wait3A_309 = tpu.memref_squeeze %dma_wait3A_308 : memref<1x128x16xf32, #tpu.memory_space<vmem>> -> memref<128x16xf32, #tpu.memory_space<vmem>>
    %dma_wait3A_310 = arith.constant 0 : i32
    %dma_wait3A_311 = tpu.memref_slice %arg11[%dma_wait3A_304, %dma_wait3A_310] : memref<80x128xi32, #tpu.memory_space<vmem>> -> memref<1x128xi32, #tpu.memory_space<vmem>>
    %dma_wait3A_312 = tpu.memref_squeeze %dma_wait3A_311 : memref<1x128xi32, #tpu.memory_space<vmem>> -> memref<128xi32, #tpu.memory_space<vmem>>
    %dma_wait3A_313 = arith.constant 0 : i32
    %dma_wait3A_314 = arith.constant 0 : i32
    %dma_wait3A_315 = tpu.memref_slice %arg17[%dma_wait3A_313, %dma_wait3A_314] : memref<10240x16xf32, #tpu.memory_space<vmem_shared>> -> memref<10240x16xf32, #tpu.memory_space<vmem_shared>>
    tpu.wait_indirect_dma semaphore(%arg27 : memref<!tpu.dma_semaphore, #tpu.memory_space<semaphore_mem>>) src(%dma_wait3A_315 : memref<10240x16xf32, #tpu.memory_space<vmem_shared>>) dst(%dma_wait3A_309 : memref<128x16xf32, #tpu.memory_space<vmem>>)
    %add3A_316 = arith.constant 78 : i32
    %add3A_317 = arith.addi %mul3A_51, %add3A_316 : i32
    %dma_start3A_318 = arith.constant 6 : i32
    %dma_start3A_319 = arith.constant 0 : i32
    %dma_start3A_320 = arith.constant 0 : i32
    %dma_start3A_321 = tpu.memref_slice %arg15[%dma_start3A_318, %dma_start3A_319, %dma_start3A_320] : memref<8x128x16xf32, #tpu.memory_space<vmem>> -> memref<1x128x16xf32, #tpu.memory_space<vmem>>
    %dma_start3A_322 = tpu.memref_squeeze %dma_start3A_321 : memref<1x128x16xf32, #tpu.memory_space<vmem>> -> memref<128x16xf32, #tpu.memory_space<vmem>>
    %dma_start3A_323 = arith.constant 0 : i32
    %dma_start3A_324 = tpu.memref_slice %arg10[%add3A_317, %dma_start3A_323] : memref<160x128xi32, #tpu.memory_space<vmem>> -> memref<1x128xi32, #tpu.memory_space<vmem>>
    %dma_start3A_325 = tpu.memref_squeeze %dma_start3A_324 : memref<1x128xi32, #tpu.memory_space<vmem>> -> memref<128xi32, #tpu.memory_space<vmem>>
    %dma_start3A_326 = arith.constant 0 : i32
    %dma_start3A_327 = arith.constant 0 : i32
    %dma_start3A_328 = tpu.memref_slice %arg18[%dma_start3A_326, %dma_start3A_327] : memref<10240x16xf32, #tpu.memory_space<vmem_shared>> -> memref<10240x16xf32, #tpu.memory_space<vmem_shared>>
    tpu.enqueue_indirect_dma source(%dma_start3A_322 : memref<128x16xf32, #tpu.memory_space<vmem>>) target(%dma_start3A_328 : memref<10240x16xf32, #tpu.memory_space<vmem_shared>>) offsets(%dma_start3A_325 : memref<128xi32, #tpu.memory_space<vmem>>) semaphore(%arg35 : memref<!tpu.dma_semaphore, #tpu.memory_space<semaphore_mem>>) {add = true}
    %dma_wait3A_329 = arith.constant 79 : i32
    %dma_wait3A_330 = arith.constant 7 : i32
    %dma_wait3A_331 = arith.constant 0 : i32
    %dma_wait3A_332 = arith.constant 0 : i32
    %dma_wait3A_333 = tpu.memref_slice %arg15[%dma_wait3A_330, %dma_wait3A_331, %dma_wait3A_332] : memref<8x128x16xf32, #tpu.memory_space<vmem>> -> memref<1x128x16xf32, #tpu.memory_space<vmem>>
    %dma_wait3A_334 = tpu.memref_squeeze %dma_wait3A_333 : memref<1x128x16xf32, #tpu.memory_space<vmem>> -> memref<128x16xf32, #tpu.memory_space<vmem>>
    %dma_wait3A_335 = arith.constant 0 : i32
    %dma_wait3A_336 = tpu.memref_slice %arg11[%dma_wait3A_329, %dma_wait3A_335] : memref<80x128xi32, #tpu.memory_space<vmem>> -> memref<1x128xi32, #tpu.memory_space<vmem>>
    %dma_wait3A_337 = tpu.memref_squeeze %dma_wait3A_336 : memref<1x128xi32, #tpu.memory_space<vmem>> -> memref<128xi32, #tpu.memory_space<vmem>>
    %dma_wait3A_338 = arith.constant 0 : i32
    %dma_wait3A_339 = arith.constant 0 : i32
    %dma_wait3A_340 = tpu.memref_slice %arg17[%dma_wait3A_338, %dma_wait3A_339] : memref<10240x16xf32, #tpu.memory_space<vmem_shared>> -> memref<10240x16xf32, #tpu.memory_space<vmem_shared>>
    tpu.wait_indirect_dma semaphore(%arg28 : memref<!tpu.dma_semaphore, #tpu.memory_space<semaphore_mem>>) src(%dma_wait3A_340 : memref<10240x16xf32, #tpu.memory_space<vmem_shared>>) dst(%dma_wait3A_334 : memref<128x16xf32, #tpu.memory_space<vmem>>)
    %add3A_341 = arith.constant 79 : i32
    %add3A_342 = arith.addi %mul3A_51, %add3A_341 : i32
    %dma_start3A_343 = arith.constant 7 : i32
    %dma_start3A_344 = arith.constant 0 : i32
    %dma_start3A_345 = arith.constant 0 : i32
    %dma_start3A_346 = tpu.memref_slice %arg15[%dma_start3A_343, %dma_start3A_344, %dma_start3A_345] : memref<8x128x16xf32, #tpu.memory_space<vmem>> -> memref<1x128x16xf32, #tpu.memory_space<vmem>>
    %dma_start3A_347 = tpu.memref_squeeze %dma_start3A_346 : memref<1x128x16xf32, #tpu.memory_space<vmem>> -> memref<128x16xf32, #tpu.memory_space<vmem>>
    %dma_start3A_348 = arith.constant 0 : i32
    %dma_start3A_349 = tpu.memref_slice %arg10[%add3A_342, %dma_start3A_348] : memref<160x128xi32, #tpu.memory_space<vmem>> -> memref<1x128xi32, #tpu.memory_space<vmem>>
    %dma_start3A_350 = tpu.memref_squeeze %dma_start3A_349 : memref<1x128xi32, #tpu.memory_space<vmem>> -> memref<128xi32, #tpu.memory_space<vmem>>
    %dma_start3A_351 = arith.constant 0 : i32
    %dma_start3A_352 = arith.constant 0 : i32
    %dma_start3A_353 = tpu.memref_slice %arg18[%dma_start3A_351, %dma_start3A_352] : memref<10240x16xf32, #tpu.memory_space<vmem_shared>> -> memref<10240x16xf32, #tpu.memory_space<vmem_shared>>
    tpu.enqueue_indirect_dma source(%dma_start3A_347 : memref<128x16xf32, #tpu.memory_space<vmem>>) target(%dma_start3A_353 : memref<10240x16xf32, #tpu.memory_space<vmem_shared>>) offsets(%dma_start3A_350 : memref<128xi32, #tpu.memory_space<vmem>>) semaphore(%arg36 : memref<!tpu.dma_semaphore, #tpu.memory_space<semaphore_mem>>) {add = true}
    %add3A_354 = arith.constant 0 : i32
    %add3A_355 = arith.addi %mul3A_51, %add3A_354 : i32
    %dma_wait3A_356 = arith.constant 0 : i32
    %dma_wait3A_357 = arith.constant 0 : i32
    %dma_wait3A_358 = arith.constant 0 : i32
    %dma_wait3A_359 = tpu.memref_slice %arg15[%dma_wait3A_356, %dma_wait3A_357, %dma_wait3A_358] : memref<8x128x16xf32, #tpu.memory_space<vmem>> -> memref<1x128x16xf32, #tpu.memory_space<vmem>>
    %dma_wait3A_360 = tpu.memref_squeeze %dma_wait3A_359 : memref<1x128x16xf32, #tpu.memory_space<vmem>> -> memref<128x16xf32, #tpu.memory_space<vmem>>
    %dma_wait3A_361 = arith.constant 0 : i32
    %dma_wait3A_362 = tpu.memref_slice %arg10[%add3A_355, %dma_wait3A_361] : memref<160x128xi32, #tpu.memory_space<vmem>> -> memref<1x128xi32, #tpu.memory_space<vmem>>
    %dma_wait3A_363 = tpu.memref_squeeze %dma_wait3A_362 : memref<1x128xi32, #tpu.memory_space<vmem>> -> memref<128xi32, #tpu.memory_space<vmem>>
    %dma_wait3A_364 = arith.constant 0 : i32
    %dma_wait3A_365 = arith.constant 0 : i32
    %dma_wait3A_366 = tpu.memref_slice %arg18[%dma_wait3A_364, %dma_wait3A_365] : memref<10240x16xf32, #tpu.memory_space<vmem_shared>> -> memref<10240x16xf32, #tpu.memory_space<vmem_shared>>
    tpu.wait_indirect_dma semaphore(%arg29 : memref<!tpu.dma_semaphore, #tpu.memory_space<semaphore_mem>>) src(%dma_wait3A_360 : memref<128x16xf32, #tpu.memory_space<vmem>>) dst(%dma_wait3A_366 : memref<10240x16xf32, #tpu.memory_space<vmem_shared>>)
    %add3A_367 = arith.constant 0 : i32
    %add3A_368 = arith.addi %mul3A_51, %add3A_367 : i32
    %dma_wait3A_369 = arith.constant 1 : i32
    %dma_wait3A_370 = arith.constant 0 : i32
    %dma_wait3A_371 = arith.constant 0 : i32
    %dma_wait3A_372 = tpu.memref_slice %arg15[%dma_wait3A_369, %dma_wait3A_370, %dma_wait3A_371] : memref<8x128x16xf32, #tpu.memory_space<vmem>> -> memref<1x128x16xf32, #tpu.memory_space<vmem>>
    %dma_wait3A_373 = tpu.memref_squeeze %dma_wait3A_372 : memref<1x128x16xf32, #tpu.memory_space<vmem>> -> memref<128x16xf32, #tpu.memory_space<vmem>>
    %dma_wait3A_374 = arith.constant 0 : i32
    %dma_wait3A_375 = tpu.memref_slice %arg10[%add3A_368, %dma_wait3A_374] : memref<160x128xi32, #tpu.memory_space<vmem>> -> memref<1x128xi32, #tpu.memory_space<vmem>>
    %dma_wait3A_376 = tpu.memref_squeeze %dma_wait3A_375 : memref<1x128xi32, #tpu.memory_space<vmem>> -> memref<128xi32, #tpu.memory_space<vmem>>
    %dma_wait3A_377 = arith.constant 0 : i32
    %dma_wait3A_378 = arith.constant 0 : i32
    %dma_wait3A_379 = tpu.memref_slice %arg18[%dma_wait3A_377, %dma_wait3A_378] : memref<10240x16xf32, #tpu.memory_space<vmem_shared>> -> memref<10240x16xf32, #tpu.memory_space<vmem_shared>>
    tpu.wait_indirect_dma semaphore(%arg30 : memref<!tpu.dma_semaphore, #tpu.memory_space<semaphore_mem>>) src(%dma_wait3A_373 : memref<128x16xf32, #tpu.memory_space<vmem>>) dst(%dma_wait3A_379 : memref<10240x16xf32, #tpu.memory_space<vmem_shared>>)
    %add3A_380 = arith.constant 0 : i32
    %add3A_381 = arith.addi %mul3A_51, %add3A_380 : i32
    %dma_wait3A_382 = arith.constant 2 : i32
    %dma_wait3A_383 = arith.constant 0 : i32
    %dma_wait3A_384 = arith.constant 0 : i32
    %dma_wait3A_385 = tpu.memref_slice %arg15[%dma_wait3A_382, %dma_wait3A_383, %dma_wait3A_384] : memref<8x128x16xf32, #tpu.memory_space<vmem>> -> memref<1x128x16xf32, #tpu.memory_space<vmem>>
    %dma_wait3A_386 = tpu.memref_squeeze %dma_wait3A_385 : memref<1x128x16xf32, #tpu.memory_space<vmem>> -> memref<128x16xf32, #tpu.memory_space<vmem>>
    %dma_wait3A_387 = arith.constant 0 : i32
    %dma_wait3A_388 = tpu.memref_slice %arg10[%add3A_381, %dma_wait3A_387] : memref<160x128xi32, #tpu.memory_space<vmem>> -> memref<1x128xi32, #tpu.memory_space<vmem>>
    %dma_wait3A_389 = tpu.memref_squeeze %dma_wait3A_388 : memref<1x128xi32, #tpu.memory_space<vmem>> -> memref<128xi32, #tpu.memory_space<vmem>>
    %dma_wait3A_390 = arith.constant 0 : i32
    %dma_wait3A_391 = arith.constant 0 : i32
    %dma_wait3A_392 = tpu.memref_slice %arg18[%dma_wait3A_390, %dma_wait3A_391] : memref<10240x16xf32, #tpu.memory_space<vmem_shared>> -> memref<10240x16xf32, #tpu.memory_space<vmem_shared>>
    tpu.wait_indirect_dma semaphore(%arg31 : memref<!tpu.dma_semaphore, #tpu.memory_space<semaphore_mem>>) src(%dma_wait3A_386 : memref<128x16xf32, #tpu.memory_space<vmem>>) dst(%dma_wait3A_392 : memref<10240x16xf32, #tpu.memory_space<vmem_shared>>)
    %add3A_393 = arith.constant 0 : i32
    %add3A_394 = arith.addi %mul3A_51, %add3A_393 : i32
    %dma_wait3A_395 = arith.constant 3 : i32
    %dma_wait3A_396 = arith.constant 0 : i32
    %dma_wait3A_397 = arith.constant 0 : i32
    %dma_wait3A_398 = tpu.memref_slice %arg15[%dma_wait3A_395, %dma_wait3A_396, %dma_wait3A_397] : memref<8x128x16xf32, #tpu.memory_space<vmem>> -> memref<1x128x16xf32, #tpu.memory_space<vmem>>
    %dma_wait3A_399 = tpu.memref_squeeze %dma_wait3A_398 : memref<1x128x16xf32, #tpu.memory_space<vmem>> -> memref<128x16xf32, #tpu.memory_space<vmem>>
    %dma_wait3A_400 = arith.constant 0 : i32
    %dma_wait3A_401 = tpu.memref_slice %arg10[%add3A_394, %dma_wait3A_400] : memref<160x128xi32, #tpu.memory_space<vmem>> -> memref<1x128xi32, #tpu.memory_space<vmem>>
    %dma_wait3A_402 = tpu.memref_squeeze %dma_wait3A_401 : memref<1x128xi32, #tpu.memory_space<vmem>> -> memref<128xi32, #tpu.memory_space<vmem>>
    %dma_wait3A_403 = arith.constant 0 : i32
    %dma_wait3A_404 = arith.constant 0 : i32
    %dma_wait3A_405 = tpu.memref_slice %arg18[%dma_wait3A_403, %dma_wait3A_404] : memref<10240x16xf32, #tpu.memory_space<vmem_shared>> -> memref<10240x16xf32, #tpu.memory_space<vmem_shared>>
    tpu.wait_indirect_dma semaphore(%arg32 : memref<!tpu.dma_semaphore, #tpu.memory_space<semaphore_mem>>) src(%dma_wait3A_399 : memref<128x16xf32, #tpu.memory_space<vmem>>) dst(%dma_wait3A_405 : memref<10240x16xf32, #tpu.memory_space<vmem_shared>>)
    %add3A_406 = arith.constant 0 : i32
    %add3A_407 = arith.addi %mul3A_51, %add3A_406 : i32
    %dma_wait3A_408 = arith.constant 4 : i32
    %dma_wait3A_409 = arith.constant 0 : i32
    %dma_wait3A_410 = arith.constant 0 : i32
    %dma_wait3A_411 = tpu.memref_slice %arg15[%dma_wait3A_408, %dma_wait3A_409, %dma_wait3A_410] : memref<8x128x16xf32, #tpu.memory_space<vmem>> -> memref<1x128x16xf32, #tpu.memory_space<vmem>>
    %dma_wait3A_412 = tpu.memref_squeeze %dma_wait3A_411 : memref<1x128x16xf32, #tpu.memory_space<vmem>> -> memref<128x16xf32, #tpu.memory_space<vmem>>
    %dma_wait3A_413 = arith.constant 0 : i32
    %dma_wait3A_414 = tpu.memref_slice %arg10[%add3A_407, %dma_wait3A_413] : memref<160x128xi32, #tpu.memory_space<vmem>> -> memref<1x128xi32, #tpu.memory_space<vmem>>
    %dma_wait3A_415 = tpu.memref_squeeze %dma_wait3A_414 : memref<1x128xi32, #tpu.memory_space<vmem>> -> memref<128xi32, #tpu.memory_space<vmem>>
    %dma_wait3A_416 = arith.constant 0 : i32
    %dma_wait3A_417 = arith.constant 0 : i32
    %dma_wait3A_418 = tpu.memref_slice %arg18[%dma_wait3A_416, %dma_wait3A_417] : memref<10240x16xf32, #tpu.memory_space<vmem_shared>> -> memref<10240x16xf32, #tpu.memory_space<vmem_shared>>
    tpu.wait_indirect_dma semaphore(%arg33 : memref<!tpu.dma_semaphore, #tpu.memory_space<semaphore_mem>>) src(%dma_wait3A_412 : memref<128x16xf32, #tpu.memory_space<vmem>>) dst(%dma_wait3A_418 : memref<10240x16xf32, #tpu.memory_space<vmem_shared>>)
    %add3A_419 = arith.constant 0 : i32
    %add3A_420 = arith.addi %mul3A_51, %add3A_419 : i32
    %dma_wait3A_421 = arith.constant 5 : i32
    %dma_wait3A_422 = arith.constant 0 : i32
    %dma_wait3A_423 = arith.constant 0 : i32
    %dma_wait3A_424 = tpu.memref_slice %arg15[%dma_wait3A_421, %dma_wait3A_422, %dma_wait3A_423] : memref<8x128x16xf32, #tpu.memory_space<vmem>> -> memref<1x128x16xf32, #tpu.memory_space<vmem>>
    %dma_wait3A_425 = tpu.memref_squeeze %dma_wait3A_424 : memref<1x128x16xf32, #tpu.memory_space<vmem>> -> memref<128x16xf32, #tpu.memory_space<vmem>>
    %dma_wait3A_426 = arith.constant 0 : i32
    %dma_wait3A_427 = tpu.memref_slice %arg10[%add3A_420, %dma_wait3A_426] : memref<160x128xi32, #tpu.memory_space<vmem>> -> memref<1x128xi32, #tpu.memory_space<vmem>>
    %dma_wait3A_428 = tpu.memref_squeeze %dma_wait3A_427 : memref<1x128xi32, #tpu.memory_space<vmem>> -> memref<128xi32, #tpu.memory_space<vmem>>
    %dma_wait3A_429 = arith.constant 0 : i32
    %dma_wait3A_430 = arith.constant 0 : i32
    %dma_wait3A_431 = tpu.memref_slice %arg18[%dma_wait3A_429, %dma_wait3A_430] : memref<10240x16xf32, #tpu.memory_space<vmem_shared>> -> memref<10240x16xf32, #tpu.memory_space<vmem_shared>>
    tpu.wait_indirect_dma semaphore(%arg34 : memref<!tpu.dma_semaphore, #tpu.memory_space<semaphore_mem>>) src(%dma_wait3A_425 : memref<128x16xf32, #tpu.memory_space<vmem>>) dst(%dma_wait3A_431 : memref<10240x16xf32, #tpu.memory_space<vmem_shared>>)
    %add3A_432 = arith.constant 0 : i32
    %add3A_433 = arith.addi %mul3A_51, %add3A_432 : i32
    %dma_wait3A_434 = arith.constant 6 : i32
    %dma_wait3A_435 = arith.constant 0 : i32
    %dma_wait3A_436 = arith.constant 0 : i32
    %dma_wait3A_437 = tpu.memref_slice %arg15[%dma_wait3A_434, %dma_wait3A_435, %dma_wait3A_436] : memref<8x128x16xf32, #tpu.memory_space<vmem>> -> memref<1x128x16xf32, #tpu.memory_space<vmem>>
    %dma_wait3A_438 = tpu.memref_squeeze %dma_wait3A_437 : memref<1x128x16xf32, #tpu.memory_space<vmem>> -> memref<128x16xf32, #tpu.memory_space<vmem>>
    %dma_wait3A_439 = arith.constant 0 : i32
    %dma_wait3A_440 = tpu.memref_slice %arg10[%add3A_433, %dma_wait3A_439] : memref<160x128xi32, #tpu.memory_space<vmem>> -> memref<1x128xi32, #tpu.memory_space<vmem>>
    %dma_wait3A_441 = tpu.memref_squeeze %dma_wait3A_440 : memref<1x128xi32, #tpu.memory_space<vmem>> -> memref<128xi32, #tpu.memory_space<vmem>>
    %dma_wait3A_442 = arith.constant 0 : i32
    %dma_wait3A_443 = arith.constant 0 : i32
    %dma_wait3A_444 = tpu.memref_slice %arg18[%dma_wait3A_442, %dma_wait3A_443] : memref<10240x16xf32, #tpu.memory_space<vmem_shared>> -> memref<10240x16xf32, #tpu.memory_space<vmem_shared>>
    tpu.wait_indirect_dma semaphore(%arg35 : memref<!tpu.dma_semaphore, #tpu.memory_space<semaphore_mem>>) src(%dma_wait3A_438 : memref<128x16xf32, #tpu.memory_space<vmem>>) dst(%dma_wait3A_444 : memref<10240x16xf32, #tpu.memory_space<vmem_shared>>)
    %add3A_445 = arith.constant 0 : i32
    %add3A_446 = arith.addi %mul3A_51, %add3A_445 : i32
    %dma_wait3A_447 = arith.constant 7 : i32
    %dma_wait3A_448 = arith.constant 0 : i32
    %dma_wait3A_449 = arith.constant 0 : i32
    %dma_wait3A_450 = tpu.memref_slice %arg15[%dma_wait3A_447, %dma_wait3A_448, %dma_wait3A_449] : memref<8x128x16xf32, #tpu.memory_space<vmem>> -> memref<1x128x16xf32, #tpu.memory_space<vmem>>
    %dma_wait3A_451 = tpu.memref_squeeze %dma_wait3A_450 : memref<1x128x16xf32, #tpu.memory_space<vmem>> -> memref<128x16xf32, #tpu.memory_space<vmem>>
    %dma_wait3A_452 = arith.constant 0 : i32
    %dma_wait3A_453 = tpu.memref_slice %arg10[%add3A_446, %dma_wait3A_452] : memref<160x128xi32, #tpu.memory_space<vmem>> -> memref<1x128xi32, #tpu.memory_space<vmem>>
    %dma_wait3A_454 = tpu.memref_squeeze %dma_wait3A_453 : memref<1x128xi32, #tpu.memory_space<vmem>> -> memref<128xi32, #tpu.memory_space<vmem>>
    %dma_wait3A_455 = arith.constant 0 : i32
    %dma_wait3A_456 = arith.constant 0 : i32
    %dma_wait3A_457 = tpu.memref_slice %arg18[%dma_wait3A_455, %dma_wait3A_456] : memref<10240x16xf32, #tpu.memory_space<vmem_shared>> -> memref<10240x16xf32, #tpu.memory_space<vmem_shared>>
    tpu.wait_indirect_dma semaphore(%arg36 : memref<!tpu.dma_semaphore, #tpu.memory_space<semaphore_mem>>) src(%dma_wait3A_451 : memref<128x16xf32, #tpu.memory_space<vmem>>) dst(%dma_wait3A_457 : memref<10240x16xf32, #tpu.memory_space<vmem_shared>>)
    %barrier3A_458 = arith.constant 0 : index
    tpu.barrier barrier_id(%barrier3A_458)
    %mul3A_459 = arith.constant 640 : i32
    %mul3A_460 = arith.muli %arg1, %mul3A_459 : i32
    %mul3A_461 = arith.constant 640 : i32
    %mul3A_462 = arith.muli %arg1, %mul3A_461 : i32
    "tpu.region"() ({
      %run_scoped3A = tpu.sem_alloc : memref<!tpu.dma_semaphore, #tpu.memory_space<semaphore_mem>>
      %dma_start3A_463 = arith.constant 0 : i32
      %dma_start3A_464 = tpu.memref_slice %arg9[%arg0, %mul3A_462, %dma_start3A_463] : memref<2x10240x16xf32, #tpu.memory_space<hbm>> -> memref<1x640x16xf32, #tpu.memory_space<hbm>>
      %dma_start3A_465 = tpu.memref_squeeze %dma_start3A_464 : memref<1x640x16xf32, #tpu.memory_space<hbm>> -> memref<640x16xf32, #tpu.memory_space<hbm>>
      %dma_start3A_466 = arith.constant 0 : i32
      %dma_start3A_467 = tpu.memref_slice %arg18[%mul3A_460, %dma_start3A_466] : memref<10240x16xf32, #tpu.memory_space<vmem_shared>> -> memref<640x16xf32, #tpu.memory_space<vmem_shared>>
      tpu.enqueue_dma source(%dma_start3A_467 : memref<640x16xf32, #tpu.memory_space<vmem_shared>>) target(%dma_start3A_465 : memref<640x16xf32, #tpu.memory_space<hbm>>) target_semaphore(%run_scoped3A : memref<!tpu.dma_semaphore, #tpu.memory_space<semaphore_mem>>)
      %dma_wait3A_468 = arith.constant 0 : i32
      %dma_wait3A_469 = tpu.memref_slice %arg9[%arg0, %mul3A_462, %dma_wait3A_468] : memref<2x10240x16xf32, #tpu.memory_space<hbm>> -> memref<1x640x16xf32, #tpu.memory_space<hbm>>
      %dma_wait3A_470 = tpu.memref_squeeze %dma_wait3A_469 : memref<1x640x16xf32, #tpu.memory_space<hbm>> -> memref<640x16xf32, #tpu.memory_space<hbm>>
      %dma_wait3A_471 = arith.constant 0 : i32
      %dma_wait3A_472 = tpu.memref_slice %arg18[%mul3A_460, %dma_wait3A_471] : memref<10240x16xf32, #tpu.memory_space<vmem_shared>> -> memref<640x16xf32, #tpu.memory_space<vmem_shared>>
      tpu.wait_dma2 semaphore(%run_scoped3A : memref<!tpu.dma_semaphore, #tpu.memory_space<semaphore_mem>>) src(%dma_wait3A_472 : memref<640x16xf32, #tpu.memory_space<vmem_shared>>) dst(%dma_wait3A_470 : memref<640x16xf32, #tpu.memory_space<hbm>>)
      tpu.yield
    }) : () -> ()
    return
  }
}

module attributes {stable_mosaic.version = 14 : i64} {
  func.func @_xw_body(%arg0: memref<10000x128xf32, #tpu.memory_space<vmem>>, %arg1: memref<128x16xf32, #tpu.memory_space<vmem>>, %arg2: memref<10240x16xf32, #tpu.memory_space<vmem>>) attributes {dimension_semantics = [], scalar_prefetch = 0 : i64, scratch_operands = 0 : i64, tpu.core_type = #tpu.core_type<tc>} {
    %get3A = arith.constant 0 : index
    %get3A_0 = arith.constant 0 : index
    %get3A_1 = vector.load %arg0[%get3A, %get3A_0] : memref<10000x128xf32, #tpu.memory_space<vmem>>, vector<10000x128xf32>
    %get3A_2 = arith.constant 0 : index
    %get3A_3 = arith.constant 0 : index
    %get3A_4 = vector.load %arg1[%get3A_2, %get3A_3] : memref<128x16xf32, #tpu.memory_space<vmem>>, vector<128x16xf32>
    %dot_general3A = arith.constant dense<0.000000e+00> : vector<10000x16xf32>
    %dot_general3A_5 = tpu.matmul %get3A_1, %get3A_4, %dot_general3A {dimension_numbers = #tpu.dot_dimension_numbers<[1], [0], [0], [1], [0, 0, 1, 1], [], []>, transpose_lhs_hint = false} : vector<10000x128xf32>, vector<128x16xf32>, vector<10000x16xf32> -> vector<10000x16xf32>
    %swap3A = arith.constant 0 : index
    %swap3A_6 = arith.constant 0 : index
    %swap3A_7 = vector.load %arg2[%swap3A, %swap3A_6] : memref<10240x16xf32, #tpu.memory_space<vmem>>, vector<10000x16xf32>
    tpu.vector_store %arg2[%swap3A, %swap3A_6], %dot_general3A_5 {strides = array<i32>} : memref<10240x16xf32, #tpu.memory_space<vmem>>, vector<10000x16xf32>,
    %broadcast_in_dim3A = arith.constant 0.000000e+00 : f32
    %broadcast_in_dim3A_8 = vector.broadcast %broadcast_in_dim3A : f32 to vector<240x16xf32>
    %swap3A_9 = arith.constant 10000 : index
    %swap3A_10 = arith.constant 0 : index
    %swap3A_11 = vector.load %arg2[%swap3A_9, %swap3A_10] : memref<10240x16xf32, #tpu.memory_space<vmem>>, vector<240x16xf32>
    tpu.vector_store %arg2[%swap3A_9, %swap3A_10], %broadcast_in_dim3A_8 {strides = array<i32>} : memref<10240x16xf32, #tpu.memory_space<vmem>>, vector<240x16xf32>,
    return
  }
}

module attributes {stable_mosaic.version = 14 : i64} {
  func.func @_fin_body(%arg0: memref<2x10240x16xf32, #tpu.memory_space<vmem>>, %arg1: memref<10000x1xf32, #tpu.memory_space<vmem>>, %arg2: memref<10240x16xf32, #tpu.memory_space<vmem>>, %arg3: memref<1x16xf32, #tpu.memory_space<vmem>>, %arg4: memref<10000x16xf32, #tpu.memory_space<vmem>>) attributes {dimension_semantics = [], scalar_prefetch = 0 : i64, scratch_operands = 0 : i64, tpu.core_type = #tpu.core_type<tc>} {
    %get3A = arith.constant 0 : index
    %get3A_0 = arith.constant 0 : index
    %get3A_1 = vector.load %arg1[%get3A, %get3A_0] : memref<10000x1xf32, #tpu.memory_space<vmem>>, vector<10000x1xf32>
    %add3A = arith.constant 1.000000e+00 : f32
    %add3A_2 = vector.broadcast %add3A : f32 to vector<10000x1xf32>
    %add3A_3 = arith.addf %get3A_1, %add3A_2 : vector<10000x1xf32>
    %rsqrt3A = math.rsqrt %add3A_3 : vector<10000x1xf32>
    %get3A_4 = arith.constant 0 : index
    %get3A_5 = arith.constant 0 : index
    %get3A_6 = vector.load %arg2[%get3A_4, %get3A_5] : memref<10240x16xf32, #tpu.memory_space<vmem>>, vector<10000x16xf32>
    %mul3A = vector.broadcast %rsqrt3A : vector<10000x1xf32> to vector<10000x16xf32>
    %mul3A_7 = arith.mulf %get3A_6, %mul3A : vector<10000x16xf32>
    %get3A_8 = arith.constant 0 : index
    %get3A_9 = arith.constant 0 : index
    %get3A_10 = arith.constant 0 : index
    %get3A_11 = vector.load %arg0[%get3A_8, %get3A_9, %get3A_10] : memref<2x10240x16xf32, #tpu.memory_space<vmem>>, vector<1x10000x16xf32>
    %get3A_12 = vector.shape_cast %get3A_11 : vector<1x10000x16xf32> to vector<10000x16xf32>
    %get3A_13 = arith.constant 1 : index
    %get3A_14 = arith.constant 0 : index
    %get3A_15 = arith.constant 0 : index
    %get3A_16 = vector.load %arg0[%get3A_13, %get3A_14, %get3A_15] : memref<2x10240x16xf32, #tpu.memory_space<vmem>>, vector<1x10000x16xf32>
    %get3A_17 = vector.shape_cast %get3A_16 : vector<1x10000x16xf32> to vector<10000x16xf32>
    %add3A_18 = arith.addf %get3A_12, %get3A_17 : vector<10000x16xf32>
    %add3A_19 = arith.addf %add3A_18, %mul3A_7 : vector<10000x16xf32>
    %mul3A_20 = vector.broadcast %rsqrt3A : vector<10000x1xf32> to vector<10000x16xf32>
    %mul3A_21 = arith.mulf %add3A_19, %mul3A_20 : vector<10000x16xf32>
    %get3A_22 = arith.constant 0 : index
    %get3A_23 = arith.constant 0 : index
    %get3A_24 = vector.load %arg3[%get3A_22, %get3A_23] : memref<1x16xf32, #tpu.memory_space<vmem>>, vector<1x16xf32>
    %add3A_25 = vector.broadcast %get3A_24 : vector<1x16xf32> to vector<10000x16xf32>
    %add3A_26 = arith.addf %mul3A_21, %add3A_25 : vector<10000x16xf32>
    %reduce_max3A = arith.constant dense<0xFF800000> : vector<10000xf32>
    %reduce_max3A_27 = vector.multi_reduction <maximumf>, %add3A_26, %reduce_max3A [1] : vector<10000x16xf32> to vector<10000xf32>
    %broadcast_in_dim3A = vector.shape_cast %reduce_max3A_27 : vector<10000xf32> to vector<10000x1xf32>
    %sub3A = vector.broadcast %broadcast_in_dim3A : vector<10000x1xf32> to vector<10000x16xf32>
    %sub3A_28 = arith.subf %add3A_26, %sub3A : vector<10000x16xf32>
    %exp3A = math.exp %sub3A_28 : vector<10000x16xf32>
    %reduce_sum3A = arith.constant dense<0.000000e+00> : vector<10000xf32>
    %reduce_sum3A_29 = vector.multi_reduction <add>, %exp3A, %reduce_sum3A [1] : vector<10000x16xf32> to vector<10000xf32>
    %broadcast_in_dim3A_30 = vector.shape_cast %reduce_sum3A_29 : vector<10000xf32> to vector<10000x1xf32>
    %log3A = math.log %broadcast_in_dim3A_30 : vector<10000x1xf32>
    %sub3A_31 = vector.broadcast %broadcast_in_dim3A : vector<10000x1xf32> to vector<10000x16xf32>
    %sub3A_32 = arith.subf %add3A_26, %sub3A_31 : vector<10000x16xf32>
    %sub3A_33 = vector.broadcast %log3A : vector<10000x1xf32> to vector<10000x16xf32>
    %sub3A_34 = arith.subf %sub3A_32, %sub3A_33 : vector<10000x16xf32>
    %swap3A = arith.constant 0 : index
    %swap3A_35 = arith.constant 0 : index
    %swap3A_36 = vector.load %arg4[%swap3A, %swap3A_35] : memref<10000x16xf32, #tpu.memory_space<vmem>>, vector<10000x16xf32>
    tpu.vector_store %arg4[%swap3A, %swap3A_35], %sub3A_34 {strides = array<i32>} : memref<10000x16xf32, #tpu.memory_space<vmem>>, vector<10000x16xf32>,
    return
  }
}

</mosaic_0001>

<sc_bundles>
// kernel: kernel.5.cloned.1.call-start
scs
__scs_entry_jumppad:
0x0: {  	(pc) =	sbr.rel $0x88, $3  }
0x1: {  	(tag) =	ssettag $0x0;
	lr =	simm.s32 $0x1  }
0x2: {  	[smem:$0x3F9D] =	sst lr;
	_ =	strace $0xD0000000  }
0x3: {  	_ = 	snop  }
0x4: {  	_ = 	snop  }
0x5: {  	_ = 	snop  }
0x6: {  	_ = 	snop  }
0x7: {  	_ = 	snop  }
__scs_overlays_trampoline_lowered:
0x8: {  	[smem:$0x3FAC] =	sst s0  }
0x9: {  	[smem:$0x3FAD] =	sst s1  }
0xa: {  	[smem:$0x3FAE] =	sst s2  }
0xb: {  	[smem:$0x3FAF] =	sst s3  }
0xc: {  	[smem:$0x3FB0] =	sst s4  }
0xd: {  	[smem:$0x3FB1] =	sst s5  }
0xe: {  	[smem:$0x3FB2] =	sst s6  }
0xf: {  	[smem:$0x3FB3] =	sst s7  }
0x10: {  	[smem:$0x3FB4] =	sst s8  }
0x11: {  	[smem:$0x3FB5] =	sst s9;
	s0 =	simm.s32 @!p0 $0x0  }
0x12: {  	s1 =	sld [smem:$0x3F9B];
	s0 =	simm.s32 @p0 $0x1  }
0x13: {  	[smem:$0x3FB6] =	sst s0;
	s0 =	simm.s32 @!p1 $0x0  }
0x14: {  	s2 =	sld [smem:$0x3F9A];
	s0 =	simm.s32 @p1 $0x1  }
0x15: {  	[smem:$0x3FB7] =	sst s0;
	s0 =	simm.s32 @!p2 $0x0  }
0x16: {  	s3 =	sld [smem:$0x3FDB];
	s0 =	simm.s32 @p2 $0x1  }
0x17: {  	s4 =	simm.s32 $0x1BF5;
	[smem:$0x3FB9] =	sst s0  }
0x18: {  	s0 =	sld [smem:$0x3F9C];
	_ =	swait.ge [sflag:s4], $0x0  }
0x19: {  	s7 =	sld [smem:$0x3F9D]  }
0x1a: {  	s8 =	sadd.s32 $0xFFFFE003, lr  }
0x1b: {  	s9 =	sadd.s32 $0xFFFFFEF7, lr;
	s5 =	simm.s32 $0xFFFFFFFF;
	p2 =	slt.u32 s8, $0xFFFFF086  }
0x1c: {  	p1 =	slt.u32 s9, $0xF7A;
	s5 =	simm.s32 @!p2 $0x0  }
0x1d: {  	s5 =	simm.s32 @p1 $0x1;
	p0 =	seq.s32 s7, s2  }
0x1e: {  	s7 =	smul.u32 @!p0 $0xF7A, s2;
	p2 =	seq.s32 @!p0 s5, $0x0  }
0x1f: {  	s9 =	smul.u32 $0xF7A, s1;
	s8 =	simm.s32 @!p0 $0x1BF5;
	p2 =	por !p2, p0  }
0x20: {  	[sflag:s8] =	ssyncset.s32 @!p0 $0xFFFFF086;
	s6 =	sadd.s32 @!p0 s3, s7;
	s7 =	simm.s32 @!p0 $0x108  }
0x21: {  	s3 =	sadd.s32 s3, s9;
	s6 =	sadd.s32 @!p0 $0x88, s6;
	s7 =	simm.s32 @p2 $0x1082  }
0x22: {  	[simem:s7], [sflag:s8] =	dma.local @!p0 [hbm:s6], $0xF7A  }
0x23: {  	s9 =	sor.u32 $0xD0000000, s2;
	s6 =	simm.s32 $0x108;
	_ =	swait.ge @!p0 [sflag:s8], $0x0  }
0x24: {  	s3 =	sadd.s32 $0x88, s3;
	s6 =	simm.s32 @!p1 $0x1082;
	[sflag:s4] =	ssyncset.s32 $0xFFFFF086  }
0x25: {  	[simem:s6], [sflag:s4] =	dma.local [hbm:s3], $0xF7A  }
0x26: {  	[smem:$0x3F9D] =	sst s1;
	(tag) =	ssettag s2;
	_ =	strace s9  }
0x27: {  	s1 =	sld [smem:$0x3FAD]  }
0x28: {  	s2 =	sld [smem:$0x3FAE]  }
0x29: {  	s4 =	sld [smem:$0x3FB0]  }
0x2a: {  	p0 =	seq.s32 s5, $0x0;
	s5 =	sld [smem:$0x3FB1]  }
0x2b: {  	s6 =	sld [smem:$0x3FB2]  }
0x2c: {  	s7 =	sld [smem:$0x3FB3]  }
0x2d: {  	s3 =	simm.s32 $0x108;
	s8 =	sld [smem:$0x3FB4]  }
0x2e: {  	s3 =	simm.s32 @!p0 $0x1082;
	s9 =	sld [smem:$0x3FB5]  }
0x2f: {  	lr =	sadd.s32 s0, s3;
	s0 =	sld [smem:$0x3FAC]  }
0x30: {  	s3 =	sld [smem:$0x3FAF]  }
0x31: {  	[smem:$0x3FB8] =	sst s10  }
0x32: {  	s10 =	sld [smem:$0x3FB6];
	_ =	sdelay $0x3  }
0x33: {  	p0 =	seq.s32 s10, $0x1;
	s10 =	sld [smem:$0x3FB8];
	_ =	sdelay $0x3  }
0x34: {  	[smem:$0x3FB8] =	sst s10  }
0x35: {  	s10 =	sld [smem:$0x3FB7];
	_ =	sdelay $0x3  }
0x36: {  	p1 =	seq.s32 s10, $0x1;
	s10 =	sld [smem:$0x3FB8];
	_ =	sdelay $0x3  }
0x37: {  	[smem:$0x3FB8] =	sst s10  }
0x38: {  	s10 =	sld [smem:$0x3FB9]  }
0x39: {  	_ = 	snop;
	(pc) =	sbr.ind lr, $3  }
0x3a: {  	_ = 	snop  }
0x3b: {  	_ = 	snop  }
0x3c: {  	p2 =	seq.s32 s10, $0x1;
	s10 =	sld [smem:$0x3FB8]  }
0x3d: {  	_ =	shalt  }
0x3e: {  	_ =	shalt  }
0x3f: {  	_ =	shalt  }
0x40: {  	_ =	shalt  }
0x41: {  	_ =	shalt  }
0x42: {  	_ =	shalt  }
0x43: {  	_ =	shalt  }
0x44: {  	_ =	shalt  }
0x45: {  	_ =	shalt  }
0x46: {  	_ =	shalt  }
0x47: {  	_ =	shalt  }
0x48: {  	_ =	shalt  }
0x49: {  	_ =	shalt  }
0x4a: {  	_ =	shalt  }
0x4b: {  	_ =	shalt  }
0x4c: {  	_ =	shalt  }
0x4d: {  	_ =	shalt  }
0x4e: {  	_ =	shalt  }
0x4f: {  	_ =	shalt  }
0x50: {  	_ =	shalt  }
0x51: {  	_ =	shalt  }
0x52: {  	_ =	shalt  }
0x53: {  	_ =	shalt  }
0x54: {  	_ =	shalt  }
0x55: {  	_ =	shalt  }
0x56: {  	_ =	shalt  }
0x57: {  	_ =	shalt  }
0x58: {  	_ =	shalt  }
0x59: {  	_ =	shalt  }
0x5a: {  	_ =	shalt  }
0x5b: {  	_ =	shalt  }
0x5c: {  	_ =	shalt  }
0x5d: {  	_ =	shalt  }
0x5e: {  	_ =	shalt  }
0x5f: {  	_ =	shalt  }
0x60: {  	_ =	shalt  }
0x61: {  	_ =	shalt  }
0x62: {  	_ =	shalt  }
0x63: {  	_ =	shalt  }
0x64: {  	_ =	shalt  }
0x65: {  	_ =	shalt  }
0x66: {  	_ =	shalt  }
0x67: {  	_ =	shalt  }
0x68: {  	_ =	shalt  }
0x69: {  	_ =	shalt  }
0x6a: {  	_ =	shalt  }
0x6b: {  	_ =	shalt  }
0x6c: {  	_ =	shalt  }
0x6d: {  	_ =	shalt  }
0x6e: {  	_ =	shalt  }
0x6f: {  	_ =	shalt  }
0x70: {  	_ =	shalt  }
0x71: {  	_ =	shalt  }
0x72: {  	_ =	shalt  }
0x73: {  	_ =	shalt  }
0x74: {  	_ =	shalt  }
0x75: {  	_ =	shalt  }
0x76: {  	_ =	shalt  }
0x77: {  	_ =	shalt  }
0x78: {  	_ =	shalt  }
0x79: {  	_ =	shalt  }
0x7a: {  	_ =	shalt  }
0x7b: {  	_ =	shalt  }
0x7c: {  	_ =	shalt  }
0x7d: {  	_ =	shalt  }
0x7e: {  	_ =	shalt  }
0x7f: {  	_ =	shalt  }
0x80: {  	_ =	shalt  }
0x81: {  	_ =	shalt  }
0x82: {  	_ =	shalt  }
0x83: {  	_ =	shalt  }
0x84: {  	_ =	shalt  }
0x85: {  	_ =	shalt  }
0x86: {  	_ =	shalt  }
0x87: {  	_ =	shalt  }
.Lfunc_end0:
.L_simem_size_0:
called_computation_lowered:
.L_overlay_start_0:
0x88: {  	s2 =	sld [smem:$0x3FD9]  }
0x89: {  	s3 =	sld [smem:$0x3FFE];
	_ =	sdelay $0x1  }
0x8a: {  	s1 =	srdreg.scid  }
0x8b: {  	s0 =	sand.u32 $0x1, s1  }
0x8c: {  	s17 =	sshll.u32 s0, $0xA;
	s2 =	sadd.s32 s3, s2  }
0x8d: {  	s2 =	sadd.s32 s2, s17  }
0x8e: {  	[smem:$0x3FC4] =	sst s2  }
0x8f: {  	_ = 	snop  }
0x90: {  	s2 =	sld [smem:$0x3FD0];
	(tm) =	ssettm $0x1  }
0x91: {  	s18 =	sld [smem:$0x3FFB];
	_ =	sdelay $0x3  }
0x92: {  	_ =	strace s18  }
0x93: {  	s3 =	sld [smem:$0x3FFC];
	_ =	sdelay $0x3  }
0x94: {  	_ =	strace s3  }
0x95: {  	s3 =	sld [smem:$0x3FFD];
	_ =	sdelay $0x3  }
0x96: {  	_ =	strace s3  }
0x97: {  	_ =	strace $0x8FFFFFFF  }
0x98: {  	s19 =	sld [smem:$0x3FDB];
	_ =	sdelay $0x1  }
0x99: {  	s4 =	simm.s32 $_scs_section_size  }
0x9a: {  	s5 =	simm.s32 $_size__tile_overlayer_lowered;
	s6 =	simm.s32 $_tile_overlayer_lowered  }
0x9b: {  	s22 =	simm.s32 $0x1BFF;
	s21 =	sshll.u32 s6, $0x1;
	s3 =	sadd.s32 s4, s19  }
0x9c: {  	s7 =	simm.s32 $0x0;
	s20 =	sshll.u32 s5, $0x1;
	s5 =	sadd.s32 s21, s3  }
0x9d: {  	[timem:s7], [sflag:s22] =	dma.local [hbm:s5], s20  }
0x9e: {  	_ =	swait.ge [sflag:s22], s20  }
0x9f: {  	s4 =	ssub.s32 $0x0, s20;
	[sflag:s22] =	ssyncset.done $0x0  }
0xa0: {  	[sflag:s22] =	ssyncadd.s32 s4;
	_ =	sdelay $0x1  }
0xa1: {  	s23 =	simm.s32 $0x1B8B  }
0xa2: {  	_ =	swait.ge [sflag:s23], $0x1  }
0xa3: {  	[sflag:s23] =	ssyncset.done $0x0  }
0xa4: {  	s25 =	simm.s32 $0x1B8E;
	s24 =	sld [smem:$0x3FFE];
	[sflag:s23] =	ssyncadd.s32 $0xFFFFFFFF  }
0xa5: {  	s26 =	simm.s32 $execute0_lowered;
	[smem:$0x3FD2] =	sst s25  }
0xa6: {  	s5 =	sshll.u32 s26, $0x1;
	_ =	strace $0x80000046;
	[dreg:$0x1] =	wrdreg $0xFFFFFFFF  }
0xa7: {  	s28 =	simm.s32 $_size_execute0_lowered;
	s3 =	sadd.s32 s3, s5;
	[dreg:$0x0] =	wrdreg $0x0  }
0xa8: {  	s5 =	sshll.u32 s28, $0x1;
	[dreg:$0x2] =	wrdreg s3  }
0xa9: {  	[dreg:$0x3] =	wrdreg s5  }
0xaa: {  	[dreg:$0x4] =	wrdreg $0xC0  }
0xab: {  	_ =	task [dreg:s7], $0x5FFFF  }
0xac: {  	[dreg:$0x1] =	wrdreg $0xFFFFFFFF  }
0xad: {  	[dreg:$0x0] =	wrdreg $0x60  }
0xae: {  	[dreg:$0x2] =	wrdreg s24  }
0xaf: {  	[dreg:$0x3] =	wrdreg s2  }
0xb0: {  	[dreg:$0x4] =	wrdreg $0xE3000  }
0xb1: {  	[dreg:$0x5] =	wrdreg $0x10D800  }
0xb2: {  	[dreg:$0x6] =	wrdreg $0xE5800  }
0xb3: {  	[dreg:$0x7] =	wrdreg $0x9  }
0xb4: {  	_ =	task.clear_ibuf [dreg:s7], $0x8FFFF;
	_ =	strace $0x90000046  }
0xb5: {  	s29 =	simm.s32 $0x9;
	_ =	strace $0x80000048  }
0xb6: {  	_ =	swait.ge [sflag:s29], $0x1  }
0xb7: {  	[sflag:s29] =	ssyncadd.s32 $0xFFFFFFFF  }
0xb8: {  	_ =	strace $0x90000048  }
0xb9: {  	_ =	sfence  }
0xba: {  	s30 =	sld [smem:$0x0];
	_ =	sdelay $0x2  }
0xbb: {  	s31 =	sshll.u32 s1, $0xD;
	s1 =	sshrl.u32 s1, $0x2  }
0xbc: {  	s3 =	sand.u32 $0x4000, s31;
	s1 =	sadd.s32 s1, s30  }
0xbd: {  	s0 =	sor.u32 s3, s0;
	s1 =	sshll.u32 s1, $0x11  }
0xbe: {  	s0 =	sor.u32 s1, s0  }
0xbf: {  	s0 =	sadd.s32 $0x8F2B, s0  }
0xc0: {  	[sflag:s0] =	ssyncadd.remote.s32 $0x1  }
0xc1: {  	_ =	sfence.sel $0xFFFF  }
0xc2: {  	[dreg:$0x0] =	wrdreg $0xFFFFFFFF;
	(pc) =	sbr.abs _section_cstart, $3  }
0xc3: {  	[dreg:$0x1] =	wrdreg $0xFFFFFFFF  }
0xc4: {  	_ =	task.clear_ibuf [dreg:s7], $0x2FFFF;
	_ =	strace $0x9FFFFFFF  }
0xc5: {  	(tm) =	ssettm $0x7FFFFFFF  }
tec
execute0_lowered:
.L_overlay_start_1:
0x0: {  	(tag) =	ssettag $0x1  }
0x1: {  	s0 =	rddreg [dreg:$0x0]  }
0x2: {  	s28 =	rddreg [dreg:$0x2]  }
0x3: {  	s4 =	rddreg [dreg:$0x3];
	s9 =	stileid.u32  }
0x4: {  	s1 =	srdreg.scid;
	s5 =	rddreg [dreg:$0x4];
	s6 =	simm.s32 $0x0  }
0x5: {  	s17 =	simm.s32 $0xB;
	s31 =	simm.s32 $0x4;
	s2 =	smul.u32 $0x2800, s9  }
0x6: {  	s29 =	simm.s32 $0x12;
	s30 =	simm.s32 $0xDB00;
	s22 =	smul.u32 $0xA0, s9  }
0x7: {  	s1 =	sand.u32 $0x1, s1;
	[smem:$0x7FF] =	sst s6;
	s23 =	smul.u32 $0xA00, s9  }
0x8: {  	s9 =	smul.u32 $0x280, s9;
	s10 =	sadd.s32 $0x19600, s0;
	s24 =	sadd.s32 $0x19800, s0  }
0x9: {  	s3 =	smul.u32 $0x50, s1;
	_ =	strace $0x80000047;
	[dreg:$0x7] =	wrdreg s10  }
0xa: {  	s8 =	smul.u32 $0x28000, s1;
	[dreg:$0x8] =	wrdreg s24;
	s11 =	ssub.s32 $0x2, s1  }
0xb: {  	p0 =	sne.s32 s1, $0x0;
	s7 =	sshrl.u32 s2, $0x3;
	s6 =	sadd.s32 s23, s0  }
0xc: {  	s25 =	sshrl.u32 s9, $0x3;
	s26 =	sshrl.u32 s11, $0x1;
	s12 =	sadd.s32 s9, s28  }
0xd: {  	s13 =	sadd.s32 s2, s4;
	s3 =	sadd.s32 s3, s22;
	s7 =	sadd.s32 s7, s0  }
0xe: {  	s8 =	sadd.s32 s2, s8;
	s10 =	sadd.s32 s25, s0;
	[dreg:$0xb] =	wrdreg s12  }
0xf: {  	s6 =	sadd.s32 $0x5600, s6;
	[dreg:$0xc] =	wrdreg s13;
	s2 =	sadd.s32 s2, s5  }
0x10: {  	s3 =	sshll.u32 s3, $0x4;
	s8 =	sshrl.u32 s8, $0x3;
	[dreg:$0x9] =	wrdreg s6  }
0x11: {  	s14 =	sadd.s32 $0x600, s7;
	s15 =	sadd.s32 $0x19A00, s10;
	[dreg:$0xf] =	wrdreg s2  }
0x12: {  	s3 =	sadd.s32 s3, s0;
	s0 =	sadd.s32 s8, s0;
	[dreg:$0xd] =	wrdreg s14  }
0x13: {  	s8 =	ssub.s32 s11, s26;
	[dreg:$0xe] =	wrdreg s15;
	s3 =	sadd.s32 $0xF600, s3  }
0x14: {  	s11 =	smul.u32 $0xA000, s1;
	s0 =	sadd.s32 $0x1A000, s0;
	[dreg:$0xa] =	wrdreg s3  }
0x15: {  	s6 =	simm.s32 $0xA;
	s25 =	smax.u32 s8, $0x1;
	[dreg:$0x17] =	wrdreg s0  }
0x16: {  	s15 =	simm.s32 $0x13;
	s16 =	sshrl.u32 s11, $0x2;
	[dreg:$0x18] =	wrdreg s25  }
0x17: {  	s1 =	simm.s32 $0x1;
	s18 =	sadd.s32 $0x2400, s16;
	[dreg:$0x6] =	wrdreg s16  }
0x18: {  	s14 =	simm.s32 $0xC300;
	s19 =	sadd.s32 $0x2480, s16;
	[dreg:$0x10] =	wrdreg s18  }
0x19: {  	s8 =	simm.s32 $0x0;
	s20 =	sadd.s32 $0x2500, s16;
	[dreg:$0x11] =	wrdreg s19  }
0x1a: {  	s3 =	simm.s32 $0x80;
	s21 =	sadd.s32 $0x2580, s16;
	[dreg:$0x12] =	wrdreg s20  }
0x1b: {  	s25 =	simm.s32 $0x8;
	s22 =	sadd.s32 $0x2600, s16;
	[dreg:$0x13] =	wrdreg s21  }
0x1c: {  	v0 =	vimm.s32 $0x1;
	s0 =	simm.s32 $0x9;
	s23 =	sadd.s32 $0x2680, s16;
	[dreg:$0x14] =	wrdreg s22  }
0x1d: {  	v1 =	vimm.s32 $0x0;
	v2 =	vimm.s32 $0x2;
	v3 =	vimm.s32 $0x3;
	s11 =	simm.s32 $0x11;
	s24 =	sadd.s32 $0x2700, s16;
	[dreg:$0x15] =	wrdreg s23  }
0x1e: {  	v4 =	vimm.s32 $0x4;
	v5 =	vimm.s32 $0x5;
	v6 =	vimm.s32 $0x6;
	s26 =	sadd.s32 $0x2780, s16;
	s16 =	simm.s32 $0xCB00;
	[dreg:$0x16] =	wrdreg s24  }
0x1f: {  	v7 =	vimm.s32 $0x7;
	v8 =	vimm.s32 $0x8;
	v9 =	vimm.s32 $0x9;
	[dreg:$0x19] =	wrdreg s26;
	s18 =	simm.s32 $0xC;
	s19 =	simm.s32 $0x5  }
0x20: {  	v10 =	vimm.s32 $0xA;
	v11 =	vimm.s32 $0xB;
	v12 =	vimm.s32 $0xC;
	s20 =	simm.s32 $0xD;
	s21 =	simm.s32 $0x6;
	s22 =	simm.s32 $0xE  }
0x21: {  	v13 =	vimm.s32 $0xD;
	v14 =	vimm.s32 $0xE;
	v15 =	vimm.s32 $0xF;
	s23 =	simm.s32 $0x7;
	s24 =	simm.s32 $0xF;
	s26 =	simm.s32 $0x10  }
.LBB2_1:
0x22: {  	s12 =	simm.s32 $0x0;
	s2 =	rddreg [dreg:$0x7];
	s13 =	simm.s32 $0x7800  }
0x23: {  	[tilespmem:s13], [sflag:$0x13] =	stream.linear.gather [hbm4b:s2+s12], $0x80, $0x38;
	[tilespmem:$0x13580] =	vst v63  }
0x24: {  	_ =	swait.ge [sflag:s15], $0x80  }
0x25: {  	[sflag:s15] =	ssyncset.done $0x0  }
0x26: {  	s7 =	rddreg [dreg:$0x9];
	[sflag:s15] =	ssyncadd.s32 $0xFFFFFF80  }
0x27: {  	[tilespmem:s12], [sflag:$0x13] =	stream.linear.gather [hbm4b:s7+s12], $0x5000, $0x38;
	[tilespmem:$0x13580] =	vst v63  }
0x28: {  	_ =	swait.ge [sflag:s15], $0x5000  }
0x29: {  	[sflag:s15] =	ssyncset.done $0x0  }
0x2a: {  	s7 =	simm.s32 $0x5000;
	s9 =	rddreg [dreg:$0xa];
	[sflag:s15] =	ssyncadd.s32 $0xFFFFB000  }
0x2b: {  	[tilespmem:s7], [sflag:$0x13] =	stream.linear.gather [hbm4b:s9+s12], $0x2800, $0x38;
	[tilespmem:$0x13580] =	vst v63  }
0x2c: {  	s10 =	stileid.u32;
	_ =	swait.ge [sflag:s15], $0x2800  }
0x2d: {  	s2 =	sshll.u32 s10, $0x6;
	s7 =	rddreg [dreg:$0xb]  }
0x2e: {  	s9 =	sor.u32 $0x1C13, s2;
	[sflag:s15] =	ssyncset.done $0x0;
	s10 =	rddreg [dreg:$0x8]  }
0x2f: {  	[sflag:s15] =	ssyncadd.s32 $0xFFFFD800;
	s2 =	sshrl.u32 s7, $0x3;
	s7 =	simm.s32 $0x13  }
0x30: {  	[spmem:s2], [sflag:s9] =	dma.local [hbm:s10], $0x50  }
0x31: {  	_ =	swait.ge [sflag:s7], $0x50  }
0x32: {  	[dreg:$0x1b] =	wrdreg s9;
	[sflag:s7] =	ssyncset.done $0x0  }
0x33: {  	s10 =	rddreg [dreg:$0xc];
	[sflag:s7] =	ssyncadd.s32 $0xFFFFFFB0  }
0x34: {  	s10 =	sshrl.u32 s10, $0x3;
	s15 =	rddreg [dreg:$0x1]  }
0x35: {  	[dreg:$0x1c] =	wrdreg s10  }
0x36: {  	[spmem:s10], [sflag:s9] =	dma.local [hbm:s15], $0x500  }
0x37: {  	_ =	swait.ge [sflag:s7], $0x500  }
0x38: {  	[sflag:s7] =	ssyncset.done $0x0  }
0x39: {  	s10 =	simm.s32 $0x7B00;
	s9 =	rddreg [dreg:$0xd];
	[sflag:s7] =	ssyncadd.s32 $0xFFFFFB00  }
0x3a: {  	[tilespmem:s10], [sflag:$0x2] =	stream.linear.gather [hbm4b:s9+s12], $0x2800, $0x38;
	[tilespmem:$0x13580] =	vst v63  }
0x3b: {  	[bflag:$0x0] =	sbarrier.arrive $0xFFFF  }
0x3c: {  	[spmem:s28] =	stream.indirect.scatter.add.f32 [tilespmem:s13], [sflag:$0x1], $0x1, s12, s3, $0xb8;
	[tilespmem:$0x13580] =	vst v63  }
0x3d: {  	s7 =	simm.s32 $0x7800  }
0x3e: {  	[spmem:s28] =	stream.indirect.scatter.add.f32 [tilespmem:s7], [sflag:$0x1], $0x1, s3, s3, $0xb8;
	[tilespmem:$0x13580] =	vst v63  }
0x3f: {  	s15 =	simm.s32 $0x100  }
0x40: {  	[spmem:s28] =	stream.indirect.scatter.add.f32 [tilespmem:s7], [sflag:$0x1], $0x1, s15, s3, $0xb8;
	[tilespmem:$0x13580] =	vst v63  }
0x41: {  	s9 =	simm.s32 $0x180  }
0x42: {  	[spmem:s28] =	stream.indirect.scatter.add.f32 [tilespmem:s7], [sflag:$0x1], $0x1, s9, s3, $0xb8;
	[tilespmem:$0x13580] =	vst v63  }
0x43: {  	s10 =	simm.s32 $0x200  }
0x44: {  	[spmem:s28] =	stream.indirect.scatter.add.f32 [tilespmem:s7], [sflag:$0x1], $0x1, s10, s3, $0xb8;
	[tilespmem:$0x13580] =	vst v63  }
0x45: {  	s12 =	simm.s32 $0x280  }
0x46: {  	[spmem:s28] =	stream.indirect.scatter.add.f32 [tilespmem:s7], [sflag:$0x1], $0x1, s12, s3, $0xb8;
	[tilespmem:$0x13580] =	vst v63  }
0x47: {  	s13 =	simm.s32 $0x300  }
0x48: {  	[spmem:s28] =	stream.indirect.scatter.add.f32 [tilespmem:s7], [sflag:$0x1], $0x1, s13, s3, $0xb8;
	[tilespmem:$0x13580] =	vst v63  }
0x49: {  	s15 =	simm.s32 $0x380  }
0x4a: {  	[spmem:s28] =	stream.indirect.scatter.add.f32 [tilespmem:s7], [sflag:$0x1], $0x1, s15, s3, $0xb8;
	[tilespmem:$0x13580] =	vst v63  }
0x4b: {  	s9 =	simm.s32 $0x400  }
0x4c: {  	[spmem:s28] =	stream.indirect.scatter.add.f32 [tilespmem:s7], [sflag:$0x1], $0x1, s9, s3, $0xb8;
	[tilespmem:$0x13580] =	vst v63  }
0x4d: {  	s10 =	simm.s32 $0x480  }
0x4e: {  	[spmem:s28] =	stream.indirect.scatter.add.f32 [tilespmem:s7], [sflag:$0x1], $0x1, s10, s3, $0xb8;
	[tilespmem:$0x13580] =	vst v63  }
0x4f: {  	s12 =	simm.s32 $0x500  }
0x50: {  	[spmem:s28] =	stream.indirect.scatter.add.f32 [tilespmem:s7], [sflag:$0x1], $0x1, s12, s3, $0xb8;
	[tilespmem:$0x13580] =	vst v63  }
0x51: {  	s13 =	simm.s32 $0x580  }
0x52: {  	[spmem:s28] =	stream.indirect.scatter.add.f32 [tilespmem:s7], [sflag:$0x1], $0x1, s13, s3, $0xb8;
	[tilespmem:$0x13580] =	vst v63  }
0x53: {  	s15 =	simm.s32 $0x600  }
0x54: {  	[spmem:s28] =	stream.indirect.scatter.add.f32 [tilespmem:s7], [sflag:$0x1], $0x1, s15, s3, $0xb8;
	[tilespmem:$0x13580] =	vst v63  }
0x55: {  	s9 =	simm.s32 $0x680  }
0x56: {  	[spmem:s28] =	stream.indirect.scatter.add.f32 [tilespmem:s7], [sflag:$0x1], $0x1, s9, s3, $0xb8;
	[tilespmem:$0x13580] =	vst v63  }
0x57: {  	s10 =	simm.s32 $0x700  }
0x58: {  	[spmem:s28] =	stream.indirect.scatter.add.f32 [tilespmem:s7], [sflag:$0x1], $0x1, s10, s3, $0xb8;
	[tilespmem:$0x13580] =	vst v63  }
0x59: {  	s12 =	simm.s32 $0x780  }
0x5a: {  	[spmem:s28] =	stream.indirect.scatter.add.f32 [tilespmem:s7], [sflag:$0x1], $0x1, s12, s3, $0xb8;
	[tilespmem:$0x13580] =	vst v63  }
0x5b: {  	s13 =	simm.s32 $0x800  }
0x5c: {  	[spmem:s28] =	stream.indirect.scatter.add.f32 [tilespmem:s7], [sflag:$0x1], $0x1, s13, s3, $0xb8;
	[tilespmem:$0x13580] =	vst v63  }
0x5d: {  	s15 =	simm.s32 $0x880  }
0x5e: {  	[spmem:s28] =	stream.indirect.scatter.add.f32 [tilespmem:s7], [sflag:$0x1], $0x1, s15, s3, $0xb8;
	[tilespmem:$0x13580] =	vst v63  }
0x5f: {  	s9 =	simm.s32 $0x900  }
0x60: {  	[spmem:s28] =	stream.indirect.scatter.add.f32 [tilespmem:s7], [sflag:$0x1], $0x1, s9, s3, $0xb8;
	[tilespmem:$0x13580] =	vst v63  }
0x61: {  	s10 =	simm.s32 $0x980  }
0x62: {  	[spmem:s28] =	stream.indirect.scatter.add.f32 [tilespmem:s7], [sflag:$0x1], $0x1, s10, s3, $0xb8;
	[tilespmem:$0x13580] =	vst v63  }
0x63: {  	s12 =	simm.s32 $0xA00  }
0x64: {  	[spmem:s28] =	stream.indirect.scatter.add.f32 [tilespmem:s7], [sflag:$0x1], $0x1, s12, s3, $0xb8;
	[tilespmem:$0x13580] =	vst v63  }
0x65: {  	s13 =	simm.s32 $0xA80  }
0x66: {  	[spmem:s28] =	stream.indirect.scatter.add.f32 [tilespmem:s7], [sflag:$0x1], $0x1, s13, s3, $0xb8;
	[tilespmem:$0x13580] =	vst v63  }
0x67: {  	s15 =	simm.s32 $0xB00  }
0x68: {  	[spmem:s28] =	stream.indirect.scatter.add.f32 [tilespmem:s7], [sflag:$0x1], $0x1, s15, s3, $0xb8;
	[tilespmem:$0x13580] =	vst v63  }
0x69: {  	s9 =	simm.s32 $0xB80  }
0x6a: {  	[spmem:s28] =	stream.indirect.scatter.add.f32 [tilespmem:s7], [sflag:$0x1], $0x1, s9, s3, $0xb8;
	[tilespmem:$0x13580] =	vst v63  }
0x6b: {  	s10 =	simm.s32 $0xC00  }
0x6c: {  	[spmem:s28] =	stream.indirect.scatter.add.f32 [tilespmem:s7], [sflag:$0x1], $0x1, s10, s3, $0xb8;
	[tilespmem:$0x13580] =	vst v63  }
0x6d: {  	s12 =	simm.s32 $0xC80  }
0x6e: {  	[spmem:s28] =	stream.indirect.scatter.add.f32 [tilespmem:s7], [sflag:$0x1], $0x1, s12, s3, $0xb8;
	[tilespmem:$0x13580] =	vst v63  }
0x6f: {  	s13 =	simm.s32 $0xD00  }
0x70: {  	[spmem:s28] =	stream.indirect.scatter.add.f32 [tilespmem:s7], [sflag:$0x1], $0x1, s13, s3, $0xb8;
	[tilespmem:$0x13580] =	vst v63  }
0x71: {  	s15 =	simm.s32 $0xD80  }
0x72: {  	[spmem:s28] =	stream.indirect.scatter.add.f32 [tilespmem:s7], [sflag:$0x1], $0x1, s15, s3, $0xb8;
	[tilespmem:$0x13580] =	vst v63  }
0x73: {  	_ =	swait.ge [sflag:s1], $0x80  }
0x74: {  	[sflag:s1] =	ssyncset.done $0x0  }
0x75: {  	s2 =	simm.s32 $0x3A00;
	s15 =	simm.s32 $0xE00;
	[sflag:s1] =	ssyncadd.s32 $0xFFFFFF80  }
.LBB2_2:
0x76: {  	[spmem:s28] =	stream.indirect.scatter.add.f32 [tilespmem:s7], [sflag:$0x1], $0x1, s15, s3, $0xb8;
	[tilespmem:$0x13580] =	vst v63  }
0x77: {  	s15 =	smov.u32 s2;
	p1 =	sne.s32 s2, $0x13E00  }
.Ltmp0:
0x78: {  	s2 =	sadd.s32 $0x200, s2;
	(pc) =	sbr.rel @p1 .LBB2_2-.Ltmp0, $4  }
0x79: {  	_ = 	snop  }
0x7a: {  	_ =	swait.ge [sflag:s1], $0x80  }
0x7b: {  	[sflag:s1] =	ssyncset.done $0x0  }
0x7c: {  	s15 =	sshra.s32 s15, $0x2;
	[sflag:s1] =	ssyncadd.s32 $0xFFFFFF80  }
0x7d: {  	[dreg:$0x1a] =	wrdreg s8  }
0x7e: {  	[spmem:s28] =	stream.indirect.scatter.add.f32 [tilespmem:s7], [sflag:$0x1], $0x1, s15, s3, $0xb8;
	[tilespmem:$0x13580] =	vst v63  }
0x7f: {  	_ =	swait.ge [sflag:s1], $0x80  }
0x80: {  	[sflag:s1] =	ssyncset.done $0x0  }
0x81: {  	[sflag:s1] =	ssyncadd.s32 $0xFFFFFF80  }
0x82: {  	_ =	swait.ge [sflag:s1], $0x80  }
0x83: {  	[sflag:s1] =	ssyncset.done $0x0  }
0x84: {  	[sflag:s1] =	ssyncadd.s32 $0xFFFFFF80  }
0x85: {  	_ =	swait.ge [sflag:s1], $0x80  }
0x86: {  	[sflag:s1] =	ssyncset.done $0x0  }
0x87: {  	[sflag:s1] =	ssyncadd.s32 $0xFFFFFF80  }
0x88: {  	_ =	swait.ge [sflag:s1], $0x80  }
0x89: {  	[sflag:s1] =	ssyncset.done $0x0  }
0x8a: {  	[sflag:s1] =	ssyncadd.s32 $0xFFFFFF80  }
0x8b: {  	_ =	swait.ge [sflag:s1], $0x80  }
0x8c: {  	[sflag:s1] =	ssyncset.done $0x0  }
0x8d: {  	[sflag:s1] =	ssyncadd.s32 $0xFFFFFF80  }
0x8e: {  	_ =	swait.ge [sflag:s1], $0x80  }
0x8f: {  	[sflag:s1] =	ssyncset.done $0x0  }
0x90: {  	[sflag:s1] =	ssyncadd.s32 $0xFFFFFF80  }
0x91: {  	_ =	swait.ge [sflag:s1], $0x80  }
0x92: {  	[sflag:s1] =	ssyncset.done $0x0  }
0x93: {  	[sflag:s1] =	ssyncadd.s32 $0xFFFFFF80  }
0x94: {  	_ =	swait.ge [sflag:s1], $0x80  }
0x95: {  	[sflag:s1] =	ssyncset.done $0x0  }
0x96: {  	[sflag:s1] =	ssyncadd.s32 $0xFFFFFF80  }
0x97: {  	_ =	swait.ge [sflag:s1], $0x80  }
0x98: {  	[sflag:s1] =	ssyncset.done $0x0  }
0x99: {  	[sflag:s1] =	ssyncadd.s32 $0xFFFFFF80  }
0x9a: {  	_ =	swait.ge [sflag:s1], $0x80  }
0x9b: {  	[sflag:s1] =	ssyncset.done $0x0  }
0x9c: {  	[sflag:s1] =	ssyncadd.s32 $0xFFFFFF80  }
0x9d: {  	_ =	swait.ge [sflag:s1], $0x80  }
0x9e: {  	[sflag:s1] =	ssyncset.done $0x0  }
0x9f: {  	[sflag:s1] =	ssyncadd.s32 $0xFFFFFF80  }
0xa0: {  	_ =	swait.ge [sflag:s1], $0x80  }
0xa1: {  	[sflag:s1] =	ssyncset.done $0x0  }
0xa2: {  	[sflag:s1] =	ssyncadd.s32 $0xFFFFFF80  }
0xa3: {  	_ =	swait.ge [sflag:s1], $0x80  }
0xa4: {  	[sflag:s1] =	ssyncset.done $0x0  }
0xa5: {  	[sflag:s1] =	ssyncadd.s32 $0xFFFFFF80  }
0xa6: {  	_ =	swait.ge [sflag:s1], $0x80  }
0xa7: {  	[sflag:s1] =	ssyncset.done $0x0  }
0xa8: {  	[sflag:s1] =	ssyncadd.s32 $0xFFFFFF80  }
0xa9: {  	_ =	swait.ge [sflag:s1], $0x80  }
0xaa: {  	[sflag:s1] =	ssyncset.done $0x0  }
0xab: {  	[sflag:s1] =	ssyncadd.s32 $0xFFFFFF80  }
0xac: {  	_ =	swait.ge [sflag:s1], $0x80  }
0xad: {  	[sflag:s1] =	ssyncset.done $0x0  }
0xae: {  	[sflag:s1] =	ssyncadd.s32 $0xFFFFFF80  }
0xaf: {  	_ =	swait.ge [sflag:s1], $0x80  }
0xb0: {  	[sflag:s1] =	ssyncset.done $0x0  }
0xb1: {  	[sflag:s1] =	ssyncadd.s32 $0xFFFFFF80  }
0xb2: {  	_ =	swait.ge [sflag:s1], $0x80  }
0xb3: {  	[sflag:s1] =	ssyncset.done $0x0  }
0xb4: {  	[sflag:s1] =	ssyncadd.s32 $0xFFFFFF80  }
0xb5: {  	_ =	swait.ge [sflag:s1], $0x80  }
0xb6: {  	[sflag:s1] =	ssyncset.done $0x0  }
0xb7: {  	[sflag:s1] =	ssyncadd.s32 $0xFFFFFF80  }
0xb8: {  	_ =	swait.ge [sflag:s1], $0x80  }
0xb9: {  	[sflag:s1] =	ssyncset.done $0x0  }
0xba: {  	[sflag:s1] =	ssyncadd.s32 $0xFFFFFF80  }
0xbb: {  	_ =	swait.ge [sflag:s1], $0x80  }
0xbc: {  	[sflag:s1] =	ssyncset.done $0x0  }
0xbd: {  	[sflag:s1] =	ssyncadd.s32 $0xFFFFFF80  }
0xbe: {  	_ =	swait.ge [sflag:s1], $0x80  }
0xbf: {  	[sflag:s1] =	ssyncset.done $0x0  }
0xc0: {  	[sflag:s1] =	ssyncadd.s32 $0xFFFFFF80  }
0xc1: {  	_ =	swait.ge [sflag:s1], $0x80  }
0xc2: {  	[sflag:s1] =	ssyncset.done $0x0  }
0xc3: {  	[sflag:s1] =	ssyncadd.s32 $0xFFFFFF80  }
0xc4: {  	_ =	swait.ge [sflag:s1], $0x80  }
0xc5: {  	[sflag:s1] =	ssyncset.done $0x0  }
0xc6: {  	[sflag:s1] =	ssyncadd.s32 $0xFFFFFF80  }
0xc7: {  	_ =	swait.ge [sflag:s1], $0x80  }
0xc8: {  	[sflag:s1] =	ssyncset.done $0x0  }
0xc9: {  	[sflag:s1] =	ssyncadd.s32 $0xFFFFFF80  }
0xca: {  	_ =	swait.ge [sflag:s1], $0x80  }
0xcb: {  	[sflag:s1] =	ssyncset.done $0x0  }
0xcc: {  	[sflag:s1] =	ssyncadd.s32 $0xFFFFFF80  }
0xcd: {  	_ =	swait.ge [sflag:s1], $0x80  }
0xce: {  	[sflag:s1] =	ssyncset.done $0x0  }
0xcf: {  	[sflag:s1] =	ssyncadd.s32 $0xFFFFFF80  }
0xd0: {  	_ =	swait.ge [sflag:s1], $0x80  }
0xd1: {  	[sflag:s1] =	ssyncset.done $0x0  }
0xd2: {  	[sflag:s1] =	ssyncadd.s32 $0xFFFFFF80  }
0xd3: {  	[bflag:$0x0] =	sbarrier.arrive $0xFFFF  }
0xd4: {  	s10 =	simm.s32 $0x7880;
	s12 =	simm.s32 $0x13;
	s2 =	rddreg [dreg:$0xb]  }
0xd5: {  	[tilespmem:s10], [sflag:$0x13] =	stream.linear.gather [spmem:s2], $0x280, $0x38;
	[tilespmem:$0x13580] =	vst v63  }
0xd6: {  	_ =	swait.ge [sflag:s12], $0x280  }
0xd7: {  	s15 =	simm.s32 @!p0 $0x7880;
	[sflag:s12] =	ssyncset.done $0x0  }
0xd8: {  	s2 =	simm.s32 @!p0 $0x0;
	s7 =	rddreg [dreg:$0xe];
	[sflag:s12] =	ssyncadd.s32 $0xFFFFFD80  }
0xd9: {  	[hbm4b:s7+s2] =	stream.linear.scatter @!p0 [tilespmem:s15], [sflag:$0x13], $0x280, $0x38;
	[tilespmem:$0x13580] =	vst v63  }
0xda: {  	s2 =	simm.s32 @!p0 $0x13  }
0xdb: {  	_ =	swait.ge @!p0 [sflag:s2], $0x280  }
0xdc: {  	[sflag:s2] =	ssyncset.done @!p0 $0x0  }
0xdd: {  	s13 =	simm.s32 $0x2;
	[sflag:s2] =	ssyncadd.s32 @!p0 $0xFFFFFD80  }
0xde: {  	_ =	swait.ge [sflag:s13], $0x2800  }
0xdf: {  	[sflag:s13] =	ssyncset.done $0x0  }
0xe0: {  	s15 =	simm.s32 $0x0;
	[sflag:s13] =	ssyncadd.s32 $0xFFFFD800  }
0xe1: {  	v16 =	vld [tilespmem:s15+$0x7880];
	_ =	sdelay $0x4  }
0xe2: {  	v16 =	vadd.f32 $1.000000000e+00, v16;
	_ =	sdelay $0x1  }
0xe3: {  	v17 =	vshra.s32 v16, $0x1;
	v16 =	vmul.f32 $5.000000000e-01, v16  }
0xe4: {  	v17 =	vsub.s32 $0x5F3759DF, v17  }
0xe5: {  	v18 =	vmul.f32 v17, v16;
	_ =	sdelay $0x1  }
0xe6: {  	v18 =	vmul.f32 v17, v18;
	_ =	sdelay $0x1  }
0xe7: {  	v18 =	vsub.f32 $1.500000000e+00, v18;
	_ =	sdelay $0x1  }
0xe8: {  	v17 =	vmul.f32 v17, v18;
	_ =	sdelay $0x1  }
0xe9: {  	v18 =	vmul.f32 v17, v16;
	_ =	sdelay $0x1  }
0xea: {  	v18 =	vmul.f32 v18, v17;
	_ =	sdelay $0x1  }
0xeb: {  	v18 =	vsub.f32 $1.500000000e+00, v18;
	_ =	sdelay $0x1  }
0xec: {  	v17 =	vmul.f32 v18, v17;
	_ =	sdelay $0x1  }
0xed: {  	v16 =	vmul.f32 v17, v16;
	_ =	sdelay $0x1  }
0xee: {  	v16 =	vmul.f32 v16, v17;
	_ =	sdelay $0x1  }
0xef: {  	s2 =	simm.s32 $0x7B80;
	v16 =	vsub.f32 $1.500000000e+00, v16  }
0xf0: {  	v43 =	vld [tilespmem:s2+$0xFFFFFF80]  }
0xf1: {  	v19 =	vld [tilespmem:s2+$0xFFFFFF90];
	v16 =	vmul.f32 v16, v17  }
0xf2: {  	v20 =	vld [tilespmem:s2+$0xFFFFFFB0]  }
0xf3: {  	v24 =	vld [tilespmem:s2+$0xFFFFFFD0];
	v21 =	vperm.xlane v16, v1  }
0xf4: {  	v17 =	vld [tilespmem:s2+$0xFFFFFFA0];
	v22 =	vperm.xlane v16, v0  }
0xf5: {  	v45 =	vld [tilespmem:s2+$0xFFFFFFE0];
	v44 =	vperm.xlane v16, v3;
	v18 =	vmul.f32 v43, v21  }
0xf6: {  	v23 =	vld [tilespmem:s2+$0xFFFFFFC0];
	v47 =	vperm.xlane v16, v5;
	v19 =	vmul.f32 v19, v22  }
0xf7: {  	v49 =	vld [tilespmem:s2+$0x10];
	v25 =	vperm.xlane v16, v2;
	v20 =	vmul.f32 v20, v44;
	[tilespmem:s2+$0xFFFFFF80] =	vst v18  }
0xf8: {  	v59 =	vld [tilespmem:s2+$0x60];
	v27 =	vperm.xlane v16, v6;
	v21 =	vmul.f32 v24, v47;
	[tilespmem:s2+$0xFFFFFF90] =	vst v19  }
0xf9: {  	v26 =	vld [tilespmem:s2+$0xFFFFFFF0];
	v46 =	vperm.xlane v16, v4;
	v17 =	vmul.f32 v17, v25;
	[tilespmem:s2+$0xFFFFFFB0] =	vst v20  }
0xfa: {  	v48 =	vld [tilespmem:s2+$0x0];
	v53 =	vperm.xlane v16, v9;
	v22 =	vmul.f32 v45, v27;
	[tilespmem:s2+$0xFFFFFFD0] =	vst v21  }
0xfb: {  	v52 =	vld [tilespmem:s2+$0x30];
	v62 =	vperm.xlane v16, v14;
	[tilespmem:s2+$0xFFFFFFA0] =	vst v17;
	v17 =	vmul.f32 v23, v46  }
0xfc: {  	v55 =	vld [tilespmem:s2+$0x50];
	v50 =	vperm.xlane v16, v7;
	v58 =	vmul.f32 v49, v53;
	[tilespmem:s2+$0xFFFFFFE0] =	vst v22  }
0xfd: {  	v51 =	vld [tilespmem:s2+$0x20];
	v63 =	vmul.f32 v59, v62;
	[tilespmem:s2+$0xFFFFFFC0] =	vst v17;
	v17 =	vperm.xlane v16, v8  }
0xfe: {  	v54 =	vld [tilespmem:s2+$0x40];
	v57 =	vperm.xlane v16, v11;
	v18 =	vmul.f32 v26, v50;
	[tilespmem:s2+$0x10] =	vst v58  }
0xff: {  	v60 =	vld [tilespmem:s2+$0x70];
	v61 =	vperm.xlane v16, v13;
	[tilespmem:s2+$0x60] =	vst v63;
	v17 =	vmul.f32 v48, v17  }
0x100: {  	v56 =	vperm.xlane v16, v10;
	v19 =	vmul.f32 v52, v57;
	[tilespmem:s2+$0xFFFFFFF0] =	vst v18  }
0x101: {  	v20 =	vmul.f32 v55, v61;
	[tilespmem:s2+$0x0] =	vst v17;
	v17 =	vperm.xlane v16, v12  }
0x102: {  	v23 =	vmul.f32 v51, v56;
	[tilespmem:s2+$0x30] =	vst v19;
	v16 =	vperm.xlane v16, v15  }
0x103: {  	[tilespmem:s2+$0x50] =	vst v20;
	v17 =	vmul.f32 v54, v17  }
0x104: {  	[tilespmem:s2+$0x20] =	vst v23;
	v16 =	vmul.f32 v60, v16  }
0x105: {  	[tilespmem:s2+$0x40] =	vst v17  }
0x106: {  	s28 =	simm.s32 $0x80;
	s15 =	simm.s32 $0x10;
	[tilespmem:s2+$0x70] =	vst v16  }
.LBB2_4:
0x107: {  	p1 =	sne.s32 s28, $0x9C0;
	v16 =	vld [tilespmem:s15+$0x7880];
	_ =	sdelay $0x4  }
0x108: {  	v16 =	vadd.f32 $1.000000000e+00, v16;
	_ =	sdelay $0x1  }
0x109: {  	v17 =	vshra.s32 v16, $0x1;
	v16 =	vmul.f32 $5.000000000e-01, v16  }
0x10a: {  	v17 =	vsub.s32 $0x5F3759DF, v17  }
0x10b: {  	v18 =	vmul.f32 v17, v16;
	_ =	sdelay $0x1  }
0x10c: {  	v18 =	vmul.f32 v17, v18;
	_ =	sdelay $0x1  }
0x10d: {  	v18 =	vsub.f32 $1.500000000e+00, v18;
	_ =	sdelay $0x1  }
0x10e: {  	v17 =	vmul.f32 v17, v18;
	_ =	sdelay $0x1  }
0x10f: {  	v18 =	vmul.f32 v17, v16;
	_ =	sdelay $0x1  }
0x110: {  	v18 =	vmul.f32 v18, v17;
	_ =	sdelay $0x1  }
0x111: {  	v18 =	vsub.f32 $1.500000000e+00, v18;
	_ =	sdelay $0x1  }
0x112: {  	v17 =	vmul.f32 v18, v17;
	_ =	sdelay $0x1  }
0x113: {  	v16 =	vmul.f32 v17, v16;
	_ =	sdelay $0x1  }
0x114: {  	s2 =	sadd.s32 $0x100, s2;
	v16 =	vmul.f32 v16, v17  }
0x115: {  	v18 =	vld [tilespmem:s2+$0xFFFFFFB0]  }
0x116: {  	v16 =	vsub.f32 $1.500000000e+00, v16;
	v19 =	vld [tilespmem:s2+$0xFFFFFF90]  }
0x117: {  	v20 =	vld [tilespmem:s2+$0xFFFFFF80]  }
0x118: {  	v16 =	vmul.f32 v16, v17;
	v17 =	vld [tilespmem:s2+$0xFFFFFFA0]  }
0x119: {  	v21 =	vld [tilespmem:s2+$0xFFFFFFF0]  }
0x11a: {  	v22 =	vperm.xlane v16, v1;
	v23 =	vperm.xlane v16, v0;
	v24 =	vld [tilespmem:s2+$0xFFFFFFD0]  }
0x11b: {  	v25 =	vperm.xlane v16, v2;
	v26 =	vperm.xlane v16, v3;
	v27 =	vld [tilespmem:s2+$0xFFFFFFC0]  }
0x11c: {  	v20 =	vmul.f32 v20, v22;
	v19 =	vmul.f32 v19, v23;
	v22 =	vld [tilespmem:s2+$0xFFFFFFE0]  }
0x11d: {  	v18 =	vmul.f32 v18, v26;
	v17 =	vmul.f32 v17, v25;
	v23 =	vld [tilespmem:s2+$0x30]  }
0x11e: {  	v25 =	vperm.xlane v16, v5;
	[tilespmem:s2+$0xFFFFFF80] =	vst v20;
	v20 =	vperm.xlane v16, v4;
	v26 =	vld [tilespmem:s2+$0x10]  }
0x11f: {  	v28 =	vperm.xlane v16, v7;
	[tilespmem:s2+$0xFFFFFF90] =	vst v19;
	v19 =	vperm.xlane v16, v6;
	v29 =	vld [tilespmem:s2+$0x0]  }
0x120: {  	[tilespmem:s2+$0xFFFFFFA0] =	vst v17;
	v17 =	vmul.f32 v27, v20;
	v20 =	vmul.f32 v24, v25;
	v24 =	vld [tilespmem:s2+$0x20]  }
0x121: {  	[tilespmem:s2+$0xFFFFFFB0] =	vst v18;
	v18 =	vmul.f32 v22, v19;
	v19 =	vmul.f32 v21, v28;
	v21 =	vld [tilespmem:s2+$0x70]  }
0x122: {  	v22 =	vperm.xlane v16, v9;
	[tilespmem:s2+$0xFFFFFFC0] =	vst v17;
	v17 =	vperm.xlane v16, v8;
	v25 =	vld [tilespmem:s2+$0x50]  }
0x123: {  	v27 =	vperm.xlane v16, v11;
	[tilespmem:s2+$0xFFFFFFD0] =	vst v20;
	v20 =	vperm.xlane v16, v10;
	v28 =	vld [tilespmem:s2+$0x40]  }
0x124: {  	[tilespmem:s2+$0xFFFFFFE0] =	vst v18;
	v17 =	vmul.f32 v29, v17;
	v18 =	vmul.f32 v26, v22;
	v22 =	vld [tilespmem:s2+$0x60]  }
0x125: {  	[tilespmem:s2+$0xFFFFFFF0] =	vst v19;
	v19 =	vmul.f32 v24, v20;
	v20 =	vmul.f32 v23, v27  }
0x126: {  	v23 =	vperm.xlane v16, v13;
	[tilespmem:s2+$0x0] =	vst v17;
	v17 =	vperm.xlane v16, v12  }
0x127: {  	[tilespmem:s2+$0x10] =	vst v18;
	v18 =	vperm.xlane v16, v14;
	v16 =	vperm.xlane v16, v15  }
0x128: {  	[tilespmem:s2+$0x20] =	vst v19;
	v17 =	vmul.f32 v28, v17;
	v19 =	vmul.f32 v25, v23  }
.Ltmp1:
0x129: {  	[tilespmem:s2+$0x30] =	vst v20;
	v18 =	vmul.f32 v22, v18;
	v16 =	vmul.f32 v21, v16;
	(pc) =	sbr.rel @p1 .LBB2_4-.Ltmp1, $4  }
0x12a: {  	[tilespmem:s2+$0x40] =	vst v17  }
0x12b: {  	[tilespmem:s2+$0x50] =	vst v19  }
0x12c: {  	[tilespmem:s2+$0x60] =	vst v18  }
0x12d: {  	s15 =	sshra.s32 s28, $0x2;
	s28 =	sadd.s32 $0x40, s28;
	[tilespmem:s2+$0x70] =	vst v16  }
0x12e: {  	v16 =	vld [tilespmem:s15+$0x7880];
	_ =	sdelay $0x4  }
0x12f: {  	v16 =	vadd.f32 $1.000000000e+00, v16;
	_ =	sdelay $0x1  }
0x130: {  	v17 =	vshra.s32 v16, $0x1;
	v16 =	vmul.f32 $5.000000000e-01, v16  }
0x131: {  	v17 =	vsub.s32 $0x5F3759DF, v17  }
0x132: {  	v18 =	vmul.f32 v17, v16;
	_ =	sdelay $0x1  }
0x133: {  	v18 =	vmul.f32 v17, v18;
	_ =	sdelay $0x1  }
0x134: {  	v18 =	vsub.f32 $1.500000000e+00, v18;
	_ =	sdelay $0x1  }
0x135: {  	v17 =	vmul.f32 v17, v18;
	_ =	sdelay $0x1  }
0x136: {  	v18 =	vmul.f32 v17, v16;
	_ =	sdelay $0x1  }
0x137: {  	v18 =	vmul.f32 v18, v17;
	_ =	sdelay $0x1  }
0x138: {  	v18 =	vsub.f32 $1.500000000e+00, v18;
	_ =	sdelay $0x1  }
0x139: {  	v17 =	vmul.f32 v18, v17;
	_ =	sdelay $0x1  }
0x13a: {  	v16 =	vmul.f32 v17, v16;
	_ =	sdelay $0x1  }
0x13b: {  	v16 =	vmul.f32 v16, v17;
	_ =	sdelay $0x1  }
0x13c: {  	s2 =	sadd.s32 $0x100, s2;
	v16 =	vsub.f32 $1.500000000e+00, v16  }
0x13d: {  	v43 =	vld [tilespmem:s2+$0xFFFFFF80]  }
0x13e: {  	v19 =	vld [tilespmem:s2+$0xFFFFFF90];
	v16 =	vmul.f32 v16, v17  }
0x13f: {  	v20 =	vld [tilespmem:s2+$0xFFFFFFB0]  }
0x140: {  	v24 =	vld [tilespmem:s2+$0xFFFFFFD0];
	v21 =	vperm.xlane v16, v1  }
0x141: {  	v17 =	vld [tilespmem:s2+$0xFFFFFFA0];
	v22 =	vperm.xlane v16, v0  }
0x142: {  	v45 =	vld [tilespmem:s2+$0xFFFFFFE0];
	v44 =	vperm.xlane v16, v3;
	v18 =	vmul.f32 v43, v21  }
0x143: {  	v23 =	vld [tilespmem:s2+$0xFFFFFFC0];
	v47 =	vperm.xlane v16, v5;
	v19 =	vmul.f32 v19, v22  }
0x144: {  	v49 =	vld [tilespmem:s2+$0x10];
	v25 =	vperm.xlane v16, v2;
	v20 =	vmul.f32 v20, v44;
	[tilespmem:s2+$0xFFFFFF80] =	vst v18  }
0x145: {  	v59 =	vld [tilespmem:s2+$0x60];
	v27 =	vperm.xlane v16, v6;
	v21 =	vmul.f32 v24, v47;
	[tilespmem:s2+$0xFFFFFF90] =	vst v19  }
0x146: {  	v26 =	vld [tilespmem:s2+$0xFFFFFFF0];
	v46 =	vperm.xlane v16, v4;
	v17 =	vmul.f32 v17, v25;
	[tilespmem:s2+$0xFFFFFFB0] =	vst v20  }
0x147: {  	v48 =	vld [tilespmem:s2+$0x0];
	v53 =	vperm.xlane v16, v9;
	v22 =	vmul.f32 v45, v27;
	[tilespmem:s2+$0xFFFFFFD0] =	vst v21  }
0x148: {  	v52 =	vld [tilespmem:s2+$0x30];
	v62 =	vperm.xlane v16, v14;
	[tilespmem:s2+$0xFFFFFFA0] =	vst v17;
	v17 =	vmul.f32 v23, v46  }
0x149: {  	v55 =	vld [tilespmem:s2+$0x50];
	v50 =	vperm.xlane v16, v7;
	v58 =	vmul.f32 v49, v53;
	[tilespmem:s2+$0xFFFFFFE0] =	vst v22  }
0x14a: {  	v51 =	vld [tilespmem:s2+$0x20];
	v63 =	vmul.f32 v59, v62;
	[tilespmem:s2+$0xFFFFFFC0] =	vst v17;
	v17 =	vperm.xlane v16, v8  }
0x14b: {  	v54 =	vld [tilespmem:s2+$0x40];
	v57 =	vperm.xlane v16, v11;
	v18 =	vmul.f32 v26, v50;
	[tilespmem:s2+$0x10] =	vst v58  }
0x14c: {  	v60 =	vld [tilespmem:s2+$0x70];
	v61 =	vperm.xlane v16, v13;
	[tilespmem:s2+$0x60] =	vst v63;
	v17 =	vmul.f32 v48, v17  }
0x14d: {  	v56 =	vperm.xlane v16, v10;
	v19 =	vmul.f32 v52, v57;
	[tilespmem:s2+$0xFFFFFFF0] =	vst v18  }
0x14e: {  	v20 =	vmul.f32 v55, v61;
	[tilespmem:s2+$0x0] =	vst v17;
	v17 =	vperm.xlane v16, v12  }
0x14f: {  	v23 =	vmul.f32 v51, v56;
	[tilespmem:s2+$0x30] =	vst v19;
	v16 =	vperm.xlane v16, v15  }
0x150: {  	[tilespmem:s2+$0x50] =	vst v20;
	v17 =	vmul.f32 v54, v17  }
0x151: {  	[tilespmem:s2+$0x20] =	vst v23;
	v16 =	vmul.f32 v60, v16  }
0x152: {  	[tilespmem:s2+$0x40] =	vst v17  }
0x153: {  	s9 =	rddreg [dreg:$0xf];
	s7 =	simm.s32 $0x7B00;
	s10 =	simm.s32 $0x13;
	[tilespmem:s2+$0x70] =	vst v16  }
0x154: {  	[spmem:s9] =	stream.linear.scatter [tilespmem:s7], [sflag:$0x13], $0x2800, $0x38;
	[tilespmem:$0x13580] =	vst v63  }
0x155: {  	_ =	swait.ge [sflag:s10], $0x2800  }
0x156: {  	[sflag:s10] =	ssyncset.done $0x0  }
0x157: {  	[sflag:s10] =	ssyncadd.s32 $0xFFFFD800  }
0x158: {  	s12 =	simm.s32 $0x5000;
	s9 =	simm.s32 $0xA300;
	[bflag:$0x0] =	sbarrier.arrive $0xFFFF  }
0x159: {  	[tilespmem:s9], [sflag:$0x3] =	stream.indirect.gather [spmem:s5], $0x10, s12, s3, $0xb8;
	[tilespmem:$0x13580] =	vst v63  }
0x15a: {  	s13 =	simm.s32 $0x5080;
	s10 =	simm.s32 $0xAB00  }
0x15b: {  	[tilespmem:s10], [sflag:$0x4] =	stream.indirect.gather [spmem:s5], $0x10, s13, s3, $0xb8;
	[tilespmem:$0x13580] =	vst v63  }
0x15c: {  	s15 =	simm.s32 $0x5100;
	s12 =	simm.s32 $0xB300  }
0x15d: {  	[tilespmem:s12], [sflag:$0x5] =	stream.indirect.gather [spmem:s5], $0x10, s15, s3, $0xb8;
	[tilespmem:$0x13580] =	vst v63  }
0x15e: {  	s7 =	simm.s32 $0x5180;
	s13 =	simm.s32 $0xBB00  }
0x15f: {  	[tilespmem:s13], [sflag:$0x6] =	stream.indirect.gather [spmem:s5], $0x10, s7, s3, $0xb8;
	[tilespmem:$0x13580] =	vst v63  }
0x160: {  	s8 =	simm.s32 $0x5200  }
0x161: {  	[tilespmem:s14], [sflag:$0x7] =	stream.indirect.gather [spmem:s5], $0x10, s8, s3, $0xb8;
	[tilespmem:$0x13580] =	vst v63  }
0x162: {  	s15 =	simm.s32 $0x5280  }
0x163: {  	[tilespmem:s16], [sflag:$0x8] =	stream.indirect.gather [spmem:s5], $0x10, s15, s3, $0xb8;
	[tilespmem:$0x13580] =	vst v63  }
0x164: {  	s7 =	simm.s32 $0x5300;
	s8 =	simm.s32 $0xD300  }
0x165: {  	[tilespmem:s8], [sflag:$0x9] =	stream.indirect.gather [spmem:s5], $0x10, s7, s3, $0xb8;
	[tilespmem:$0x13580] =	vst v63  }
0x166: {  	s28 =	simm.s32 $0x3;
	s15 =	simm.s32 $0x5380  }
0x167: {  	[tilespmem:s30], [sflag:$0xA] =	stream.indirect.gather [spmem:s5], $0x10, s15, s3, $0xb8;
	[tilespmem:$0x13580] =	vst v63  }
0x168: {  	_ =	swait.ge [sflag:s28], $0x800  }
0x169: {  	[sflag:s28] =	ssyncset.done $0x0;
	s7 =	rddreg [dreg:$0x6]  }
0x16a: {  	[sflag:s28] =	ssyncadd.s32 $0xFFFFF800;
	s2 =	sadd.s32 $0x0, s7  }
0x16b: {  	[spmem:s4] =	stream.indirect.scatter.add.f32 [tilespmem:s9], [sflag:$0xB], $0x10, s2, s3, $0xb8;
	[tilespmem:$0x13580] =	vst v63  }
0x16c: {  	_ =	swait.ge [sflag:s17], $0x800  }
0x16d: {  	[sflag:s17] =	ssyncset.done $0x0  }
0x16e: {  	[sflag:s17] =	ssyncadd.s32 $0xFFFFF800;
	s17 =	simm.s32 $0x5400  }
0x16f: {  	[tilespmem:s9], [sflag:$0x3] =	stream.indirect.gather [spmem:s5], $0x10, s17, s3, $0xb8;
	[tilespmem:$0x13580] =	vst v63  }
0x170: {  	_ =	swait.ge [sflag:s31], $0x800  }
0x171: {  	[sflag:s31] =	ssyncset.done $0x0  }
0x172: {  	s17 =	sadd.s32 $0x80, s2;
	[sflag:s31] =	ssyncadd.s32 $0xFFFFF800  }
0x173: {  	[spmem:s4] =	stream.indirect.scatter.add.f32 [tilespmem:s10], [sflag:$0xC], $0x10, s17, s3, $0xb8;
	[tilespmem:$0x13580] =	vst v63  }
0x174: {  	_ =	swait.ge [sflag:s18], $0x800  }
0x175: {  	[sflag:s18] =	ssyncset.done $0x0  }
0x176: {  	s17 =	simm.s32 $0x5480;
	[sflag:s18] =	ssyncadd.s32 $0xFFFFF800  }
0x177: {  	[tilespmem:s10], [sflag:$0x4] =	stream.indirect.gather [spmem:s5], $0x10, s17, s3, $0xb8;
	[tilespmem:$0x13580] =	vst v63  }
0x178: {  	_ =	swait.ge [sflag:s19], $0x800  }
0x179: {  	[sflag:s19] =	ssyncset.done $0x0  }
0x17a: {  	s17 =	sadd.s32 $0x100, s2;
	[sflag:s19] =	ssyncadd.s32 $0xFFFFF800  }
0x17b: {  	[spmem:s4] =	stream.indirect.scatter.add.f32 [tilespmem:s12], [sflag:$0xD], $0x10, s17, s3, $0xb8;
	[tilespmem:$0x13580] =	vst v63  }
0x17c: {  	_ =	swait.ge [sflag:s20], $0x800  }
0x17d: {  	[sflag:s20] =	ssyncset.done $0x0  }
0x17e: {  	s17 =	simm.s32 $0x5500;
	[sflag:s20] =	ssyncadd.s32 $0xFFFFF800  }
0x17f: {  	[tilespmem:s12], [sflag:$0x5] =	stream.indirect.gather [spmem:s5], $0x10, s17, s3, $0xb8;
	[tilespmem:$0x13580] =	vst v63  }
0x180: {  	_ =	swait.ge [sflag:s21], $0x800  }
0x181: {  	[sflag:s21] =	ssyncset.done $0x0  }
0x182: {  	s17 =	sadd.s32 $0x180, s2;
	[sflag:s21] =	ssyncadd.s32 $0xFFFFF800  }
0x183: {  	[spmem:s4] =	stream.indirect.scatter.add.f32 [tilespmem:s13], [sflag:$0xE], $0x10, s17, s3, $0xb8;
	[tilespmem:$0x13580] =	vst v63  }
0x184: {  	_ =	swait.ge [sflag:s22], $0x800  }
0x185: {  	[sflag:s22] =	ssyncset.done $0x0  }
0x186: {  	s17 =	simm.s32 $0x5580;
	[sflag:s22] =	ssyncadd.s32 $0xFFFFF800  }
0x187: {  	[tilespmem:s13], [sflag:$0x6] =	stream.indirect.gather [spmem:s5], $0x10, s17, s3, $0xb8;
	[tilespmem:$0x13580] =	vst v63  }
0x188: {  	_ =	swait.ge [sflag:s23], $0x800  }
0x189: {  	[sflag:s23] =	ssyncset.done $0x0  }
0x18a: {  	s17 =	sadd.s32 $0x200, s2;
	[sflag:s23] =	ssyncadd.s32 $0xFFFFF800  }
0x18b: {  	[spmem:s4] =	stream.indirect.scatter.add.f32 [tilespmem:s14], [sflag:$0xF], $0x10, s17, s3, $0xb8;
	[tilespmem:$0x13580] =	vst v63  }
0x18c: {  	_ =	swait.ge [sflag:s24], $0x800  }
0x18d: {  	[sflag:s24] =	ssyncset.done $0x0  }
0x18e: {  	s17 =	simm.s32 $0x5600;
	[sflag:s24] =	ssyncadd.s32 $0xFFFFF800  }
0x18f: {  	[tilespmem:s14], [sflag:$0x7] =	stream.indirect.gather [spmem:s5], $0x10, s17, s3, $0xb8;
	[tilespmem:$0x13580] =	vst v63  }
0x190: {  	_ =	swait.ge [sflag:s25], $0x800  }
0x191: {  	[sflag:s25] =	ssyncset.done $0x0  }
0x192: {  	s17 =	sadd.s32 $0x280, s2;
	[sflag:s25] =	ssyncadd.s32 $0xFFFFF800  }
0x193: {  	[spmem:s4] =	stream.indirect.scatter.add.f32 [tilespmem:s16], [sflag:$0x10], $0x10, s17, s3, $0xb8;
	[tilespmem:$0x13580] =	vst v63  }
0x194: {  	_ =	swait.ge [sflag:s26], $0x800  }
0x195: {  	[sflag:s26] =	ssyncset.done $0x0  }
0x196: {  	s17 =	simm.s32 $0x5680;
	[sflag:s26] =	ssyncadd.s32 $0xFFFFF800  }
0x197: {  	[tilespmem:s16], [sflag:$0x8] =	stream.indirect.gather [spmem:s5], $0x10, s17, s3, $0xb8;
	[tilespmem:$0x13580] =	vst v63  }
0x198: {  	_ =	swait.ge [sflag:s0], $0x800  }
0x199: {  	[sflag:s0] =	ssyncset.done $0x0  }
0x19a: {  	s17 =	sadd.s32 $0x300, s2;
	[sflag:s0] =	ssyncadd.s32 $0xFFFFF800  }
0x19b: {  	[spmem:s4] =	stream.indirect.scatter.add.f32 [tilespmem:s8], [sflag:$0x11], $0x10, s17, s3, $0xb8;
	[tilespmem:$0x13580] =	vst v63  }
0x19c: {  	_ =	swait.ge [sflag:s11], $0x800  }
0x19d: {  	[sflag:s11] =	ssyncset.done $0x0  }
0x19e: {  	s17 =	simm.s32 $0x5700;
	[sflag:s11] =	ssyncadd.s32 $0xFFFFF800  }
0x19f: {  	[tilespmem:s8], [sflag:$0x9] =	stream.indirect.gather [spmem:s5], $0x10, s17, s3, $0xb8;
	[tilespmem:$0x13580] =	vst v63  }
0x1a0: {  	_ =	swait.ge [sflag:s6], $0x800  }
0x1a1: {  	[sflag:s6] =	ssyncset.done $0x0  }
0x1a2: {  	s2 =	sadd.s32 $0x380, s2;
	[sflag:s6] =	ssyncadd.s32 $0xFFFFF800  }
0x1a3: {  	[spmem:s4] =	stream.indirect.scatter.add.f32 [tilespmem:s30], [sflag:$0x12], $0x10, s2, s3, $0xb8;
	[tilespmem:$0x13580] =	vst v63  }
0x1a4: {  	_ =	swait.ge [sflag:s29], $0x800  }
0x1a5: {  	[sflag:s29] =	ssyncset.done $0x0  }
0x1a6: {  	s15 =	simm.s32 $0x5780;
	s2 =	simm.s32 $0x1000;
	[sflag:s29] =	ssyncadd.s32 $0xFFFFF800  }
.LBB2_6:
0x1a7: {  	[tilespmem:s30], [sflag:$0xA] =	stream.indirect.gather [spmem:s5], $0x10, s15, s3, $0xb8;
	[tilespmem:$0x13580] =	vst v63  }
0x1a8: {  	s15 =	smov.u32 s2;
	_ =	swait.ge [sflag:s28], $0x800  }
0x1a9: {  	s17 =	simm.s32 $0x3;
	[sflag:s28] =	ssyncset.done $0x0;
	s28 =	sshra.s32 s15, $0x2  }
0x1aa: {  	[sflag:s17] =	ssyncadd.s32 $0xFFFFF800;
	s17 =	simm.s32 $0xB;
	s15 =	sadd.s32 s28, s7  }
0x1ab: {  	[spmem:s4] =	stream.indirect.scatter.add.f32 [tilespmem:s9], [sflag:$0xB], $0x10, s15, s3, $0xb8;
	[tilespmem:$0x13580] =	vst v63  }
0x1ac: {  	_ =	swait.ge [sflag:s17], $0x800  }
0x1ad: {  	[sflag:s17] =	ssyncset.done $0x0  }
0x1ae: {  	s7 =	sadd.s32 $0x5400, s28;
	[sflag:s17] =	ssyncadd.s32 $0xFFFFF800  }
0x1af: {  	[tilespmem:s9], [sflag:$0x3] =	stream.indirect.gather [spmem:s5], $0x10, s7, s3, $0xb8;
	[tilespmem:$0x13580] =	vst v63  }
0x1b0: {  	_ =	swait.ge [sflag:s31], $0x800  }
0x1b1: {  	[sflag:s31] =	ssyncset.done $0x0  }
0x1b2: {  	s7 =	sadd.s32 $0x80, s15;
	[sflag:s31] =	ssyncadd.s32 $0xFFFFF800  }
0x1b3: {  	[spmem:s4] =	stream.indirect.scatter.add.f32 [tilespmem:s10], [sflag:$0xC], $0x10, s7, s3, $0xb8;
	[tilespmem:$0x13580] =	vst v63  }
0x1b4: {  	_ =	swait.ge [sflag:s18], $0x800  }
0x1b5: {  	[sflag:s18] =	ssyncset.done $0x0  }
0x1b6: {  	s7 =	sadd.s32 $0x5480, s28;
	[sflag:s18] =	ssyncadd.s32 $0xFFFFF800  }
0x1b7: {  	[tilespmem:s10], [sflag:$0x4] =	stream.indirect.gather [spmem:s5], $0x10, s7, s3, $0xb8;
	[tilespmem:$0x13580] =	vst v63  }
0x1b8: {  	_ =	swait.ge [sflag:s19], $0x800  }
0x1b9: {  	[sflag:s19] =	ssyncset.done $0x0  }
0x1ba: {  	s7 =	sadd.s32 $0x100, s15;
	[sflag:s19] =	ssyncadd.s32 $0xFFFFF800  }
0x1bb: {  	[spmem:s4] =	stream.indirect.scatter.add.f32 [tilespmem:s12], [sflag:$0xD], $0x10, s7, s3, $0xb8;
	[tilespmem:$0x13580] =	vst v63  }
0x1bc: {  	_ =	swait.ge [sflag:s20], $0x800  }
0x1bd: {  	[sflag:s20] =	ssyncset.done $0x0  }
0x1be: {  	s7 =	sadd.s32 $0x5500, s28;
	[sflag:s20] =	ssyncadd.s32 $0xFFFFF800  }
0x1bf: {  	[tilespmem:s12], [sflag:$0x5] =	stream.indirect.gather [spmem:s5], $0x10, s7, s3, $0xb8;
	[tilespmem:$0x13580] =	vst v63  }
0x1c0: {  	_ =	swait.ge [sflag:s21], $0x800  }
0x1c1: {  	[sflag:s21] =	ssyncset.done $0x0  }
0x1c2: {  	s7 =	sadd.s32 $0x180, s15;
	[sflag:s21] =	ssyncadd.s32 $0xFFFFF800  }
0x1c3: {  	[spmem:s4] =	stream.indirect.scatter.add.f32 [tilespmem:s13], [sflag:$0xE], $0x10, s7, s3, $0xb8;
	[tilespmem:$0x13580] =	vst v63  }
0x1c4: {  	_ =	swait.ge [sflag:s22], $0x800  }
0x1c5: {  	[sflag:s22] =	ssyncset.done $0x0  }
0x1c6: {  	s7 =	sadd.s32 $0x5580, s28;
	[sflag:s22] =	ssyncadd.s32 $0xFFFFF800  }
0x1c7: {  	[tilespmem:s13], [sflag:$0x6] =	stream.indirect.gather [spmem:s5], $0x10, s7, s3, $0xb8;
	[tilespmem:$0x13580] =	vst v63  }
0x1c8: {  	_ =	swait.ge [sflag:s23], $0x800  }
0x1c9: {  	[sflag:s23] =	ssyncset.done $0x0  }
0x1ca: {  	s7 =	sadd.s32 $0x200, s15;
	[sflag:s23] =	ssyncadd.s32 $0xFFFFF800  }
0x1cb: {  	[spmem:s4] =	stream.indirect.scatter.add.f32 [tilespmem:s14], [sflag:$0xF], $0x10, s7, s3, $0xb8;
	[tilespmem:$0x13580] =	vst v63  }
0x1cc: {  	_ =	swait.ge [sflag:s24], $0x800  }
0x1cd: {  	[sflag:s24] =	ssyncset.done $0x0  }
0x1ce: {  	s7 =	sadd.s32 $0x5600, s28;
	[sflag:s24] =	ssyncadd.s32 $0xFFFFF800  }
0x1cf: {  	[tilespmem:s14], [sflag:$0x7] =	stream.indirect.gather [spmem:s5], $0x10, s7, s3, $0xb8;
	[tilespmem:$0x13580] =	vst v63  }
0x1d0: {  	_ =	swait.ge [sflag:s25], $0x800  }
0x1d1: {  	[sflag:s25] =	ssyncset.done $0x0  }
0x1d2: {  	s7 =	sadd.s32 $0x280, s15;
	[sflag:s25] =	ssyncadd.s32 $0xFFFFF800  }
0x1d3: {  	[spmem:s4] =	stream.indirect.scatter.add.f32 [tilespmem:s16], [sflag:$0x10], $0x10, s7, s3, $0xb8;
	[tilespmem:$0x13580] =	vst v63  }
0x1d4: {  	_ =	swait.ge [sflag:s26], $0x800  }
0x1d5: {  	[sflag:s26] =	ssyncset.done $0x0  }
0x1d6: {  	s7 =	sadd.s32 $0x5680, s28;
	[sflag:s26] =	ssyncadd.s32 $0xFFFFF800  }
0x1d7: {  	[tilespmem:s16], [sflag:$0x8] =	stream.indirect.gather [spmem:s5], $0x10, s7, s3, $0xb8;
	[tilespmem:$0x13580] =	vst v63  }
0x1d8: {  	_ =	swait.ge [sflag:s0], $0x800  }
0x1d9: {  	[sflag:s0] =	ssyncset.done $0x0  }
0x1da: {  	s7 =	sadd.s32 $0x300, s15;
	[sflag:s0] =	ssyncadd.s32 $0xFFFFF800  }
0x1db: {  	[spmem:s4] =	stream.indirect.scatter.add.f32 [tilespmem:s8], [sflag:$0x11], $0x10, s7, s3, $0xb8;
	[tilespmem:$0x13580] =	vst v63  }
0x1dc: {  	_ =	swait.ge [sflag:s11], $0x800  }
0x1dd: {  	[sflag:s11] =	ssyncset.done $0x0  }
0x1de: {  	s7 =	sadd.s32 $0x5700, s28;
	[sflag:s11] =	ssyncadd.s32 $0xFFFFF800  }
0x1df: {  	[tilespmem:s8], [sflag:$0x9] =	stream.indirect.gather [spmem:s5], $0x10, s7, s3, $0xb8;
	[tilespmem:$0x13580] =	vst v63  }
0x1e0: {  	_ =	swait.ge [sflag:s6], $0x800  }
0x1e1: {  	p1 =	sne.s32 s2, $0x8000;
	[sflag:s6] =	ssyncset.done $0x0  }
.Ltmp2:
0x1e2: {  	s15 =	sadd.s32 $0x380, s15;
	[sflag:s6] =	ssyncadd.s32 $0xFFFFF800;
	(pc) =	sbr.rel @p1 .LBB2_6-.Ltmp2, $4  }
0x1e3: {  	[spmem:s4] =	stream.indirect.scatter.add.f32 [tilespmem:s30], [sflag:$0x12], $0x10, s15, s3, $0xb8;
	[tilespmem:$0x13580] =	vst v63  }
0x1e4: {  	s7 =	rddreg [dreg:$0x6];
	_ =	swait.ge [sflag:s29], $0x800  }
0x1e5: {  	s2 =	sadd.s32 $0x1000, s2;
	[sflag:s29] =	ssyncset.done $0x0  }
0x1e6: {  	s15 =	sadd.s32 $0x5780, s28;
	s28 =	simm.s32 $0x3;
	[sflag:s29] =	ssyncadd.s32 $0xFFFFF800  }
0x1e7: {  	[tilespmem:s30], [sflag:$0xA] =	stream.indirect.gather [spmem:s5], $0x10, s15, s3, $0xb8;
	[tilespmem:$0x13580] =	vst v63  }
0x1e8: {  	_ =	swait.ge [sflag:s28], $0x800  }
0x1e9: {  	[sflag:s28] =	ssyncset.done $0x0  }
0x1ea: {  	s2 =	rddreg [dreg:$0x10];
	[sflag:s28] =	ssyncadd.s32 $0xFFFFF800  }
0x1eb: {  	[spmem:s4] =	stream.indirect.scatter.add.f32 [tilespmem:s9], [sflag:$0xB], $0x10, s2, s3, $0xb8;
	[tilespmem:$0x13580] =	vst v63  }
0x1ec: {  	_ =	swait.ge [sflag:s31], $0x800  }
0x1ed: {  	[sflag:s31] =	ssyncset.done $0x0  }
0x1ee: {  	s7 =	rddreg [dreg:$0x11];
	[sflag:s31] =	ssyncadd.s32 $0xFFFFF800  }
0x1ef: {  	[spmem:s4] =	stream.indirect.scatter.add.f32 [tilespmem:s10], [sflag:$0xC], $0x10, s7, s3, $0xb8;
	[tilespmem:$0x13580] =	vst v63  }
0x1f0: {  	_ =	swait.ge [sflag:s19], $0x800  }
0x1f1: {  	[sflag:s19] =	ssyncset.done $0x0  }
0x1f2: {  	s9 =	rddreg [dreg:$0x12];
	[sflag:s19] =	ssyncadd.s32 $0xFFFFF800  }
0x1f3: {  	[spmem:s4] =	stream.indirect.scatter.add.f32 [tilespmem:s12], [sflag:$0xD], $0x10, s9, s3, $0xb8;
	[tilespmem:$0x13580] =	vst v63  }
0x1f4: {  	_ =	swait.ge [sflag:s21], $0x800  }
0x1f5: {  	[sflag:s21] =	ssyncset.done $0x0  }
0x1f6: {  	s10 =	rddreg [dreg:$0x13];
	[sflag:s21] =	ssyncadd.s32 $0xFFFFF800  }
0x1f7: {  	[spmem:s4] =	stream.indirect.scatter.add.f32 [tilespmem:s13], [sflag:$0xE], $0x10, s10, s3, $0xb8;
	[tilespmem:$0x13580] =	vst v63  }
0x1f8: {  	_ =	swait.ge [sflag:s23], $0x800  }
0x1f9: {  	[sflag:s23] =	ssyncset.done $0x0  }
0x1fa: {  	s12 =	rddreg [dreg:$0x14];
	[sflag:s23] =	ssyncadd.s32 $0xFFFFF800  }
0x1fb: {  	[spmem:s4] =	stream.indirect.scatter.add.f32 [tilespmem:s14], [sflag:$0xF], $0x10, s12, s3, $0xb8;
	[tilespmem:$0x13580] =	vst v63  }
0x1fc: {  	_ =	swait.ge [sflag:s25], $0x800  }
0x1fd: {  	[sflag:s25] =	ssyncset.done $0x0  }
0x1fe: {  	s13 =	rddreg [dreg:$0x15];
	[sflag:s25] =	ssyncadd.s32 $0xFFFFF800  }
0x1ff: {  	[spmem:s4] =	stream.indirect.scatter.add.f32 [tilespmem:s16], [sflag:$0x10], $0x10, s13, s3, $0xb8;
	[tilespmem:$0x13580] =	vst v63  }
0x200: {  	_ =	swait.ge [sflag:s0], $0x800  }
0x201: {  	[sflag:s0] =	ssyncset.done $0x0  }
0x202: {  	s15 =	rddreg [dreg:$0x16];
	[sflag:s0] =	ssyncadd.s32 $0xFFFFF800  }
0x203: {  	[spmem:s4] =	stream.indirect.scatter.add.f32 [tilespmem:s8], [sflag:$0x11], $0x10, s15, s3, $0xb8;
	[tilespmem:$0x13580] =	vst v63  }
0x204: {  	_ =	swait.ge [sflag:s6], $0x800  }
0x205: {  	[sflag:s6] =	ssyncset.done $0x0  }
0x206: {  	s7 =	rddreg [dreg:$0x19];
	[sflag:s6] =	ssyncadd.s32 $0xFFFFF800  }
0x207: {  	[spmem:s4] =	stream.indirect.scatter.add.f32 [tilespmem:s30], [sflag:$0x12], $0x10, s7, s3, $0xb8;
	[tilespmem:$0x13580] =	vst v63  }
0x208: {  	_ =	swait.ge [sflag:s17], $0x800  }
0x209: {  	[sflag:s17] =	ssyncset.done $0x0  }
0x20a: {  	[sflag:s17] =	ssyncadd.s32 $0xFFFFF800  }
0x20b: {  	_ =	swait.ge [sflag:s18], $0x800  }
0x20c: {  	[sflag:s18] =	ssyncset.done $0x0  }
0x20d: {  	[sflag:s18] =	ssyncadd.s32 $0xFFFFF800  }
0x20e: {  	_ =	swait.ge [sflag:s20], $0x800  }
0x20f: {  	[sflag:s20] =	ssyncset.done $0x0  }
0x210: {  	[sflag:s20] =	ssyncadd.s32 $0xFFFFF800  }
0x211: {  	_ =	swait.ge [sflag:s22], $0x800  }
0x212: {  	[sflag:s22] =	ssyncset.done $0x0  }
0x213: {  	[sflag:s22] =	ssyncadd.s32 $0xFFFFF800  }
0x214: {  	_ =	swait.ge [sflag:s24], $0x800  }
0x215: {  	[sflag:s24] =	ssyncset.done $0x0  }
0x216: {  	[sflag:s24] =	ssyncadd.s32 $0xFFFFF800  }
0x217: {  	_ =	swait.ge [sflag:s26], $0x800  }
0x218: {  	[sflag:s26] =	ssyncset.done $0x0  }
0x219: {  	[sflag:s26] =	ssyncadd.s32 $0xFFFFF800  }
0x21a: {  	_ =	swait.ge [sflag:s11], $0x800  }
0x21b: {  	[sflag:s11] =	ssyncset.done $0x0  }
0x21c: {  	[sflag:s11] =	ssyncadd.s32 $0xFFFFF800  }
0x21d: {  	_ =	swait.ge [sflag:s29], $0x800  }
0x21e: {  	[sflag:s29] =	ssyncset.done $0x0  }
0x21f: {  	[sflag:s29] =	ssyncadd.s32 $0xFFFFF800  }
0x220: {  	[bflag:$0x0] =	sbarrier.arrive $0xFFFF  }
0x221: {  	s8 =	rddreg [dreg:$0x17]  }
0x222: {  	s9 =	rddreg [dreg:$0x1b]  }
0x223: {  	s15 =	simm.s32 $0x13;
	s10 =	rddreg [dreg:$0x1c]  }
0x224: {  	[hbm:s8], [sflag:s9] =	dma.local [spmem:s10], $0x500  }
0x225: {  	_ =	swait.ge [sflag:s15], $0x500  }
0x226: {  	s12 =	rddreg [dreg:$0x1a]  }
0x227: {  	s13 =	rddreg [dreg:$0x18];
	s8 =	sadd.s32 $0x1, s12  }
0x228: {  	p1 =	sne.s32 s8, s13  }
.Ltmp3:
0x229: {  	_ = 	snop;
	(pc) =	sbr.rel @p1 .LBB2_1-.Ltmp3, $4  }
0x22a: {  	_ = 	snop  }
0x22b: {  	[sflag:s15] =	ssyncset.done $0x0  }
0x22c: {  	[sflag:s15] =	ssyncadd.s32 $0xFFFFFB00  }
0x22d: {  	s28 =	rddreg [dreg:$0x2]  }
0x22e: {  	_ =	sfence.sel $0x180000  }
0x22f: {  	[bflag:$0x0] =	sbarrier.arrive $0xFFFF  }
0x230: {  	_ =	strace $0x90000047  }
0x231: {  	s0 =	stileid.u32;
	[bflag:$0x2] =	sbarrier.arrive $0xFFFF  }
0x232: {  	p0 =	sne.s32 s0, $0x0;
	s0 =	rddreg [dreg:$0x5]  }
0x233: {  	s0 =	sadd.s32 @!p0 $0x100000, s0  }
0x234: {  	[sflag:s0] =	ssyncadd.tile.s32 @!p0 $0x1;
	_ =	shalt  }
.Lfunc_end2:
_tile_overlayer_lowered:
.L_overlay_start_2:
0x235: {  	(tag) =	ssettag $0x2  }
0x236: {  	s0 =	rddreg [dreg:$0x0];
	s2 =	stileid.u32  }
0x237: {  	s1 =	rddreg [dreg:$0x1];
	p0 =	sne.s32 s2, $0x0  }
0x238: {  	s3 =	rddreg [dreg:$0x2];
	[bflag:$0x3] =	sbarrier.arrive $0xFFFF;
	s2 =	simm.s32 @!p0 $0x1C13  }
0x239: {  	[timem:s3], [sflag:s2] =	dma.local @!p0 [hbm:s0], s1  }
0x23a: {  	s0 =	simm.s32 @!p0 $0x13  }
0x23b: {  	_ =	swait.ge @!p0 [sflag:s0], s1  }
0x23c: {  	s1 =	ssub.s32 @!p0 $0x0, s1;
	[sflag:s0] =	ssyncset.done @!p0 $0x0  }
0x23d: {  	[sflag:s0] =	ssyncadd.s32 @!p0 s1  }
0x23e: {  	[bflag:$0x3] =	sbarrier.arrive $0xFFFF  }
0x23f: {  	_ =	shalt  }

</sc_bundles>
